<compile_context>
chip_gen: v7x
topology: tpu7x:2x2x1
jax: 0.10.2.dev20260603
libtpu: 0.0.44.dev20260713+nightly
codegen_flags: <defaults>
</compile_context>

<pallas_src>
import functools

import jax
import jax.numpy as jnp
from jax import lax
from jax.experimental import pallas as pl
from jax.experimental.pallas import tpu as pltpu
from jax.experimental.pallas import tpu_sc as plsc

NC = 2
NS = 16
NW = NC * NS
L = 16

_ATAN_C = (
    0.9999993278352406,
    -0.33326374521881463,
    0.1987987215570719,
    -0.13480405607533819,
    0.08374155654488141,
    -0.036898629246094994,
    0.007825482945455486,
)


def _f32(v):
    return jnp.full((L,), v, dtype=jnp.float32)


def _rsqrt(x):
    y = jnp.int32(0x5F3759DF) - (plsc.bitcast(x, jnp.int32) >> 1)
    r = plsc.bitcast(y, jnp.float32)
    half_x = 0.5 * x
    for _ in range(3):
        r = r * (1.5 - half_x * r * r)
    return r


def _atan2_pos(n, w):
    a = jnp.minimum(n, w)
    b = jnp.maximum(n, w)
    t = a / jnp.maximum(b, 1e-30)
    z = t * t
    p = _f32(_ATAN_C[-1])
    for c in reversed(_ATAN_C[:-1]):
        p = p * z + c
    p = p * t
    return jnp.where(n > w, 1.5707963267948966 - p, p)


def _cross(a, b):
    return (
        a[1] * b[2] - a[2] * b[1],
        a[2] * b[0] - a[0] * b[2],
        a[0] * b[1] - a[1] * b[0],
    )


def _qrot(q, v):
    qv = q[:3]
    tx, ty, tz = _cross(qv, v)
    tx, ty, tz = 2.0 * tx, 2.0 * ty, 2.0 * tz
    cx, cy, cz = _cross(qv, (tx, ty, tz))
    return (v[0] + q[3] * tx + cx, v[1] + q[3] * ty + cy, v[2] + q[3] * tz + cz)


def _qmul(q, r):
    qx, qy, qz, qw = q
    rx, ry, rz, rw = r
    return (
        qw * rx + qx * rw + qy * rz - qz * ry,
        qw * ry - qx * rz + qy * rw + qz * rx,
        qw * rz + qx * ry - qy * rx + qz * rw,
        qw * rw - qx * rx - qy * ry - qz * rz,
    )


def _edge_math(t1, q1, t2, q2, tp, qp):
    q1i = (-q1[0], -q1[1], -q1[2], q1[3])
    d = (t2[0] - t1[0], t2[1] - t1[1], t2[2] - t1[2])
    ta = _qrot(q1i, d)
    qa = _qmul(q1i, q2)
    qpi = (-qp[0], -qp[1], -qp[2], qp[3])
    qe = _qmul(qa, qpi)
    tbr = _qrot(qe, tp)
    t = (ta[0] - tbr[0], ta[1] - tbr[1], ta[2] - tbr[2])
    sgn = jnp.where(qe[3] < 0.0, _f32(-1.0), _f32(1.0))
    qx, qy, qz, qw = sgn * qe[0], sgn * qe[1], sgn * qe[2], sgn * qe[3]
    n2 = qx * qx + qy * qy + qz * qz
    xx = n2 + 1e-24
    r = _rsqrt(xx)
    n = xx * r
    theta = 2.0 * _atan2_pos(n, qw)
    small = n < 1e-6
    f = jnp.where(small, 2.0 / jnp.maximum(qw, 1e-6), theta * r)
    phi = (f * qx, f * qy, f * qz)
    nn = n * n
    inv_h2 = 1.0 / (nn + qw * qw)
    omc = 2.0 * nn * inv_h2
    st = 2.0 * n * qw * inv_h2
    denom = 2.0 * (theta * theta) * omc
    safe_denom = jnp.where(small, _f32(1.0), denom)
    coef = jnp.where(small, _f32(1.0 / 12.0), (2.0 * omc - theta * st) / safe_denom)
    px, py, pz = _cross(phi, t)
    cx, cy, cz = _cross(phi, (px, py, pz))
    tau = (
        t[0] - 0.5 * px + coef * cx,
        t[1] - 0.5 * py + coef * cy,
        t[2] - 0.5 * pz + coef * cz,
    )
    return tau + phi


def _make_kernel(E, N, C):
    per_w = E // NW
    nchunks = per_w // C
    assert nchunks >= 3
    mesh = plsc.VectorSubcoreMesh(core_axis_name="c", subcore_axis_name="s")

    @functools.partial(
        pl.kernel,
        out_type=jax.ShapeDtypeStruct((E, 6), jnp.float32),
        mesh=mesh,
        compiler_params=pltpu.CompilerParams(
            needs_layout_passes=False, use_tc_tiling_on_sc=False
        ),
        scratch_types=[
            [pltpu.VMEM((C,), jnp.int32)] * 2,
            [pltpu.VMEM((C,), jnp.int32)] * 2,
            [pltpu.VMEM((C, 8), jnp.float32)] * 2,
            [pltpu.VMEM((C, 8), jnp.float32)] * 2,
            [pltpu.VMEM((C, 7), jnp.float32)] * 2,
            [pltpu.VMEM((C, 6), jnp.float32)] * 2,
            [pltpu.SemaphoreType.DMA] * 2,
            [pltpu.SemaphoreType.DMA] * 2,
            [pltpu.SemaphoreType.DMA] * 2,
        ],
    )
    def k(idx1_hbm, idx2_hbm, poses_hbm, nodes_hbm, out_hbm,
          i1, i2, n1, n2, p, o, sidx, sgat, sout):
        wid = lax.axis_index("s") * NC + lax.axis_index("c")
        wbase = wid * per_w
        iota = lax.iota(jnp.int32, L)
        cols = [jnp.full((L,), f, dtype=jnp.int32) for f in range(7)]

        def issue_idx(g, b):
            base = wbase + g * C
            pltpu.async_copy(idx1_hbm.at[pl.ds(base, C)], i1[b], sidx[b])
            pltpu.async_copy(idx2_hbm.at[pl.ds(base, C)], i2[b], sidx[b])

        def wait_idx(b):
            pltpu.make_async_copy(idx1_hbm.at[pl.ds(0, C)], i1[b], sidx[b]).wait()
            pltpu.make_async_copy(idx2_hbm.at[pl.ds(0, C)], i2[b], sidx[b]).wait()

        def issue_gat(g, b):
            base = wbase + g * C
            pltpu.async_copy(nodes_hbm.at[i1[b]], n1[b], sgat[b])
            pltpu.async_copy(nodes_hbm.at[i2[b]], n2[b], sgat[b])
            pltpu.async_copy(poses_hbm.at[pl.ds(base, C)], p[b], sgat[b])

        def wait_gat(b):
            pltpu.make_async_copy(nodes_hbm.at[pl.ds(0, C)], n1[b], sgat[b]).wait()
            pltpu.make_async_copy(nodes_hbm.at[pl.ds(0, C)], n2[b], sgat[b]).wait()
            pltpu.make_async_copy(poses_hbm.at[pl.ds(0, C)], p[b], sgat[b]).wait()

        def issue_out(g, b):
            base = wbase + g * C
            pltpu.async_copy(o[b], out_hbm.at[pl.ds(base, C)], sout[b])

        def wait_out(b):
            pltpu.make_async_copy(o[b], out_hbm.at[pl.ds(0, C)], sout[b]).wait()

        def compute(b):
            def group(i, c2):
                rows = i * L + iota
                g1 = [plsc.load_gather(n1[b], [rows, cols[f]]) for f in range(7)]
                g2 = [plsc.load_gather(n2[b], [rows, cols[f]]) for f in range(7)]
                gp = [plsc.load_gather(p[b], [rows, cols[f]]) for f in range(7)]
                res = _edge_math(
                    tuple(g1[:3]), tuple(g1[3:]),
                    tuple(g2[:3]), tuple(g2[3:]),
                    tuple(gp[:3]), tuple(gp[3:]),
                )
                for f in range(6):
                    plsc.store_scatter(o[b], [rows, cols[f]], res[f])
                return c2

            lax.fori_loop(0, C // L, group, 0)

        def step(g, b, b1):
            wait_gat(b)

            @pl.when(g + 1 < nchunks)
            def _():
                wait_idx(b1)
                issue_gat(g + 1, b1)

            @pl.when(g + 2 < nchunks)
            def _():
                issue_idx(g + 2, b)

            @pl.when(g >= 2)
            def _():
                wait_out(b)

            compute(b)
            issue_out(g, b)

        issue_idx(0, 0)
        issue_idx(1, 1)
        wait_idx(0)
        issue_gat(0, 0)

        def pair(h, carry):
            g = h * 2
            step(g, 0, 1)
            step(g + 1, 1, 0)
            return carry

        lax.fori_loop(0, nchunks // 2, pair, 0)
        if nchunks % 2:
            step(nchunks - 1, 0, 1)
        wait_out((nchunks - 2) % 2)
        wait_out((nchunks - 1) % 2)

    return k


@jax.jit
def kernel(edges, poses, nodes):
    E = edges.shape[0]
    N = nodes.shape[0]
    idx = edges.astype(jnp.int32)
    idx1 = idx[:, 0]
    idx2 = idx[:, 1]
    nodes_p = jnp.pad(nodes.astype(jnp.float32), ((0, 0), (0, 1)))
    k = _make_kernel(E, N, C=800)
    return k(idx1, idx2, poses.astype(jnp.float32), nodes_p)

# --- scband reference (transcript-rebuilt; emitter-appended) ---
"""Pipeline reference for scband-pose-graph-4320737100582 (READ-ONLY COPY).

The authoritative reference and input builder live on the scoring server;
editing this copy changes nothing except your own understanding.
"""

import jax, jax.numpy as jnp
import numpy as np


def qmul(q, r):
    qx, qy, qz, qw = q[..., 0], q[..., 1], q[..., 2], q[..., 3]
    rx, ry, rz, rw = r[..., 0], r[..., 1], r[..., 2], r[..., 3]
    x = qw * rx + qx * rw + qy * rz - qz * ry
    y = qw * ry - qx * rz + qy * rw + qz * rx
    z = qw * rz + qx * ry - qy * rx + qz * rw
    w = qw * rw - qx * rx - qy * ry - qz * rz
    return jnp.stack([x, y, z, w], axis=-1)


def qrot(q, v):
    qv = q[..., :3]
    qw = q[..., 3:4]
    t = 2.0 * jnp.cross(qv, v)
    return v + qw * t + jnp.cross(qv, t)


def se3_inv(p):
    t = p[..., :3]
    q = p[..., 3:]
    qinv = q * jnp.array([-1.0, -1.0, -1.0, 1.0], dtype=p.dtype)
    tinv = -qrot(qinv, t)
    return jnp.concatenate([tinv, qinv], axis=-1)


def se3_mul(a, b):
    ta, qa = a[..., :3], a[..., 3:]
    tb, qb = b[..., :3], b[..., 3:]
    q = qmul(qa, qb)
    t = ta + qrot(qa, tb)
    return jnp.concatenate([t, q], axis=-1)


def se3_log(p):
    # pypose SE3 -> se3 Log, output [tau(3), phi(3)]
    t = p[..., :3]
    q = p[..., 3:]
    q = q * jnp.where(q[..., 3:4] < 0, -1.0, 1.0)  # shortest-path quaternion
    qv = q[..., :3]
    qw = q[..., 3]
    n2 = jnp.sum(qv * qv, axis=-1)
    n = jnp.sqrt(n2 + 1e-24)
    theta = 2.0 * jnp.arctan2(n, qw)
    small = n < 1e-6
    f = jnp.where(small, 2.0 / jnp.clip(qw, 1e-6, None), theta / n)
    phi = f[..., None] * qv
    st = jnp.sin(theta)
    ct = jnp.cos(theta)
    theta2 = theta * theta
    denom = 2.0 * theta2 * (1.0 - ct)
    safe_denom = jnp.where(small, 1.0, denom)
    coef_exact = (2.0 * (1.0 - ct) - theta * st) / safe_denom
    coef = jnp.where(small, 1.0 / 12.0, coef_exact)
    pxt = jnp.cross(phi, t)
    tau = t - 0.5 * pxt + coef[..., None] * jnp.cross(phi, pxt)
    return jnp.concatenate([tau, phi], axis=-1)


def _random_se3(kt, kq, shape):
    t = jax.random.normal(kt, shape + (3,), dtype=jnp.float32)
    q = jax.random.normal(kq, shape + (4,), dtype=jnp.float32)
    q = q / jnp.linalg.norm(q, axis=-1, keepdims=True)
    q = q * jnp.where(q[..., 3:4] < 0, -1.0, 1.0)
    return jnp.concatenate([t, q], axis=-1)


def setup_inputs(seed: int = 0) -> dict:
    key = jax.random.key(seed)
    N, E = 100000, 3200000
    k1, k2, k3, k4, k5 = jax.random.split(key, 5)
    edges = jax.random.randint(k1, (E, 2), 0, N)
    nodes = _random_se3(k2, k3, (N,))
    poses = _random_se3(k4, k5, (E,))
    return {"edges": edges, "poses": poses, "nodes": nodes}


def reference(edges, poses, nodes):
    node1 = jnp.take(nodes, edges[..., 0], axis=0)
    node2 = jnp.take(nodes, edges[..., 1], axis=0)
    error = se3_mul(se3_mul(se3_inv(node1), node2), se3_inv(poses))
    return se3_log(error)

if __name__ == "__main__":
    import jax
    _d = setup_inputs()
    print(jax.jit(kernel)(*tuple(_d.values())))

</pallas_src>

<mosaic_0001>
#map = affine_map<(d0, d1) -> (0)>
#map1 = affine_map<(d0, d1) -> (0, 0)>
module attributes {stable_mosaic.version = 14 : i64} {
  func.func @k(%arg0: i32, %arg1: i32, %arg2: memref<3200000xi32, #tpu.memory_space<hbm>>, %arg3: memref<3200000xi32, #tpu.memory_space<hbm>>, %arg4: memref<3200000x7xf32, #tpu.memory_space<hbm>>, %arg5: memref<100000x8xf32, #tpu.memory_space<hbm>>, %arg6: memref<3200000x6xf32, #tpu.memory_space<hbm>>, %arg7: memref<800xi32, #tpu.memory_space<vmem>>, %arg8: memref<800xi32, #tpu.memory_space<vmem>>, %arg9: memref<800xi32, #tpu.memory_space<vmem>>, %arg10: memref<800xi32, #tpu.memory_space<vmem>>, %arg11: memref<800x8xf32, #tpu.memory_space<vmem>>, %arg12: memref<800x8xf32, #tpu.memory_space<vmem>>, %arg13: memref<800x8xf32, #tpu.memory_space<vmem>>, %arg14: memref<800x8xf32, #tpu.memory_space<vmem>>, %arg15: memref<800x7xf32, #tpu.memory_space<vmem>>, %arg16: memref<800x7xf32, #tpu.memory_space<vmem>>, %arg17: memref<800x6xf32, #tpu.memory_space<vmem>>, %arg18: memref<800x6xf32, #tpu.memory_space<vmem>>, %arg19: memref<!tpu.dma_semaphore, #tpu.memory_space<semaphore_mem>>, %arg20: memref<!tpu.dma_semaphore, #tpu.memory_space<semaphore_mem>>, %arg21: memref<!tpu.dma_semaphore, #tpu.memory_space<semaphore_mem>>, %arg22: memref<!tpu.dma_semaphore, #tpu.memory_space<semaphore_mem>>, %arg23: memref<!tpu.dma_semaphore, #tpu.memory_space<semaphore_mem>>, %arg24: memref<!tpu.dma_semaphore, #tpu.memory_space<semaphore_mem>>) attributes {dimension_semantics = [#tpu.dimension_semantics<core_parallel>, #tpu.dimension_semantics<subcore_parallel>], iteration_bounds = array<i64: 2, 16>, scalar_prefetch = 0 : i64, scratch_operands = 18 : i64, tpu.core_type = #tpu.core_type<sc_vector_subcore>, window_params = [{transform_indices = #map}, {transform_indices = #map}, {transform_indices = #map1}, {transform_indices = #map1}, {transform_indices = #map1}]} {
    %mul3A = arith.constant 2 : i32
    %mul3A_0 = arith.muli %arg1, %mul3A : i32
    %add3A = arith.addi %mul3A_0, %arg0 : i32
    %mul3A_1 = arith.constant 100000 : i32
    %mul3A_2 = arith.muli %add3A, %mul3A_1 : i32
    %iota3A = tpu.iota {dimensions = array<i32: 0>} : vector<16xi32>
    %broadcast_in_dim3A = arith.constant 0 : i32
    %broadcast_in_dim3A_3 = vector.broadcast %broadcast_in_dim3A : i32 to vector<16xi32>
    %broadcast_in_dim3A_4 = arith.constant 1 : i32
    %broadcast_in_dim3A_5 = vector.broadcast %broadcast_in_dim3A_4 : i32 to vector<16xi32>
    %broadcast_in_dim3A_6 = arith.constant 2 : i32
    %broadcast_in_dim3A_7 = vector.broadcast %broadcast_in_dim3A_6 : i32 to vector<16xi32>
    %broadcast_in_dim3A_8 = arith.constant 3 : i32
    %broadcast_in_dim3A_9 = vector.broadcast %broadcast_in_dim3A_8 : i32 to vector<16xi32>
    %broadcast_in_dim3A_10 = arith.constant 4 : i32
    %broadcast_in_dim3A_11 = vector.broadcast %broadcast_in_dim3A_10 : i32 to vector<16xi32>
    %broadcast_in_dim3A_12 = arith.constant 5 : i32
    %broadcast_in_dim3A_13 = vector.broadcast %broadcast_in_dim3A_12 : i32 to vector<16xi32>
    %broadcast_in_dim3A_14 = arith.constant 6 : i32
    %broadcast_in_dim3A_15 = vector.broadcast %broadcast_in_dim3A_14 : i32 to vector<16xi32>
    %add3A_16 = arith.constant 0 : i32
    %add3A_17 = arith.addi %mul3A_2, %add3A_16 : i32
    %dma_start3A = tpu.memref_slice %arg2[%add3A_17] : memref<3200000xi32, #tpu.memory_space<hbm>> -> memref<800xi32, #tpu.memory_space<hbm>>
    %dma_start3A_18 = tpu.memref_slice %arg2[%add3A_17] : memref<3200000xi32, #tpu.memory_space<hbm>> -> memref<800xi32, #tpu.memory_space<hbm>>
    tpu.enqueue_dma source(%dma_start3A_18 : memref<800xi32, #tpu.memory_space<hbm>>) target(%arg7 : memref<800xi32, #tpu.memory_space<vmem>>) target_semaphore(%arg19 : memref<!tpu.dma_semaphore, #tpu.memory_space<semaphore_mem>>)
    %dma_start3A_19 = tpu.memref_slice %arg3[%add3A_17] : memref<3200000xi32, #tpu.memory_space<hbm>> -> memref<800xi32, #tpu.memory_space<hbm>>
    %dma_start3A_20 = tpu.memref_slice %arg3[%add3A_17] : memref<3200000xi32, #tpu.memory_space<hbm>> -> memref<800xi32, #tpu.memory_space<hbm>>
    tpu.enqueue_dma source(%dma_start3A_20 : memref<800xi32, #tpu.memory_space<hbm>>) target(%arg9 : memref<800xi32, #tpu.memory_space<vmem>>) target_semaphore(%arg19 : memref<!tpu.dma_semaphore, #tpu.memory_space<semaphore_mem>>)
    %add3A_21 = arith.constant 800 : i32
    %add3A_22 = arith.addi %mul3A_2, %add3A_21 : i32
    %dma_start3A_23 = tpu.memref_slice %arg2[%add3A_22] : memref<3200000xi32, #tpu.memory_space<hbm>> -> memref<800xi32, #tpu.memory_space<hbm>>
    %dma_start3A_24 = tpu.memref_slice %arg2[%add3A_22] : memref<3200000xi32, #tpu.memory_space<hbm>> -> memref<800xi32, #tpu.memory_space<hbm>>
    tpu.enqueue_dma source(%dma_start3A_24 : memref<800xi32, #tpu.memory_space<hbm>>) target(%arg8 : memref<800xi32, #tpu.memory_space<vmem>>) target_semaphore(%arg20 : memref<!tpu.dma_semaphore, #tpu.memory_space<semaphore_mem>>)
    %dma_start3A_25 = tpu.memref_slice %arg3[%add3A_22] : memref<3200000xi32, #tpu.memory_space<hbm>> -> memref<800xi32, #tpu.memory_space<hbm>>
    %dma_start3A_26 = tpu.memref_slice %arg3[%add3A_22] : memref<3200000xi32, #tpu.memory_space<hbm>> -> memref<800xi32, #tpu.memory_space<hbm>>
    tpu.enqueue_dma source(%dma_start3A_26 : memref<800xi32, #tpu.memory_space<hbm>>) target(%arg10 : memref<800xi32, #tpu.memory_space<vmem>>) target_semaphore(%arg20 : memref<!tpu.dma_semaphore, #tpu.memory_space<semaphore_mem>>)
    %dma_wait3A = arith.constant 0 : i32
    %dma_wait3A_27 = tpu.memref_slice %arg2[%dma_wait3A] : memref<3200000xi32, #tpu.memory_space<hbm>> -> memref<800xi32, #tpu.memory_space<hbm>>
    %dma_wait3A_28 = arith.constant 0 : i32
    %dma_wait3A_29 = tpu.memref_slice %arg2[%dma_wait3A_28] : memref<3200000xi32, #tpu.memory_space<hbm>> -> memref<800xi32, #tpu.memory_space<hbm>>
    tpu.wait_dma2 semaphore(%arg19 : memref<!tpu.dma_semaphore, #tpu.memory_space<semaphore_mem>>) src(%dma_wait3A_29 : memref<800xi32, #tpu.memory_space<hbm>>) dst(%arg7 : memref<800xi32, #tpu.memory_space<vmem>>)
    %dma_wait3A_30 = arith.constant 0 : i32
    %dma_wait3A_31 = tpu.memref_slice %arg3[%dma_wait3A_30] : memref<3200000xi32, #tpu.memory_space<hbm>> -> memref<800xi32, #tpu.memory_space<hbm>>
    %dma_wait3A_32 = arith.constant 0 : i32
    %dma_wait3A_33 = tpu.memref_slice %arg3[%dma_wait3A_32] : memref<3200000xi32, #tpu.memory_space<hbm>> -> memref<800xi32, #tpu.memory_space<hbm>>
    tpu.wait_dma2 semaphore(%arg19 : memref<!tpu.dma_semaphore, #tpu.memory_space<semaphore_mem>>) src(%dma_wait3A_33 : memref<800xi32, #tpu.memory_space<hbm>>) dst(%arg9 : memref<800xi32, #tpu.memory_space<vmem>>)
    %add3A_34 = arith.constant 0 : i32
    %add3A_35 = arith.addi %mul3A_2, %add3A_34 : i32
    %dma_start3A_36 = arith.constant 0 : i32
    %dma_start3A_37 = arith.constant 0 : i32
    %dma_start3A_38 = tpu.memref_slice %arg5[%dma_start3A_36, %dma_start3A_37] : memref<100000x8xf32, #tpu.memory_space<hbm>> -> memref<100000x8xf32, #tpu.memory_space<hbm>>
    tpu.enqueue_indirect_dma source(%dma_start3A_38 : memref<100000x8xf32, #tpu.memory_space<hbm>>) target(%arg11 : memref<800x8xf32, #tpu.memory_space<vmem>>) offsets(%arg7 : memref<800xi32, #tpu.memory_space<vmem>>) semaphore(%arg21 : memref<!tpu.dma_semaphore, #tpu.memory_space<semaphore_mem>>)
    %dma_start3A_39 = arith.constant 0 : i32
    %dma_start3A_40 = arith.constant 0 : i32
    %dma_start3A_41 = tpu.memref_slice %arg5[%dma_start3A_39, %dma_start3A_40] : memref<100000x8xf32, #tpu.memory_space<hbm>> -> memref<100000x8xf32, #tpu.memory_space<hbm>>
    tpu.enqueue_indirect_dma source(%dma_start3A_41 : memref<100000x8xf32, #tpu.memory_space<hbm>>) target(%arg13 : memref<800x8xf32, #tpu.memory_space<vmem>>) offsets(%arg9 : memref<800xi32, #tpu.memory_space<vmem>>) semaphore(%arg21 : memref<!tpu.dma_semaphore, #tpu.memory_space<semaphore_mem>>)
    %dma_start3A_42 = arith.constant 0 : i32
    %dma_start3A_43 = tpu.memref_slice %arg4[%add3A_35, %dma_start3A_42] : memref<3200000x7xf32, #tpu.memory_space<hbm>> -> memref<800x7xf32, #tpu.memory_space<hbm>>
    %dma_start3A_44 = arith.constant 0 : i32
    %dma_start3A_45 = tpu.memref_slice %arg4[%add3A_35, %dma_start3A_44] : memref<3200000x7xf32, #tpu.memory_space<hbm>> -> memref<800x7xf32, #tpu.memory_space<hbm>>
    tpu.enqueue_dma source(%dma_start3A_45 : memref<800x7xf32, #tpu.memory_space<hbm>>) target(%arg15 : memref<800x7xf32, #tpu.memory_space<vmem>>) target_semaphore(%arg21 : memref<!tpu.dma_semaphore, #tpu.memory_space<semaphore_mem>>)
    %scan3A = arith.constant 0 : i32
    %scan3A_46 = arith.constant 0 : i32
    %scan3A_47 = arith.constant 62 : i32
    %scan3A_48 = arith.addi %scan3A_46, %scan3A_47 : i32
    %scan3A_49 = arith.constant 1 : i32
    scf.for %scan3A_99 = %scan3A_46 to %scan3A_48 step %scan3A_49  : i32 {
      %mul3A_100 = arith.constant 2 : i32
      %mul3A_101 = arith.muli %scan3A_99, %mul3A_100 : i32
      %dma_wait3A_102 = arith.constant 0 : i32
      %dma_wait3A_103 = arith.constant 0 : i32
      %dma_wait3A_104 = tpu.memref_slice %arg5[%dma_wait3A_102, %dma_wait3A_103] : memref<100000x8xf32, #tpu.memory_space<hbm>> -> memref<800x8xf32, #tpu.memory_space<hbm>>
      %dma_wait3A_105 = arith.constant 0 : i32
      %dma_wait3A_106 = arith.constant 0 : i32
      %dma_wait3A_107 = tpu.memref_slice %arg5[%dma_wait3A_105, %dma_wait3A_106] : memref<100000x8xf32, #tpu.memory_space<hbm>> -> memref<800x8xf32, #tpu.memory_space<hbm>>
      tpu.wait_dma2 semaphore(%arg21 : memref<!tpu.dma_semaphore, #tpu.memory_space<semaphore_mem>>) src(%dma_wait3A_107 : memref<800x8xf32, #tpu.memory_space<hbm>>) dst(%arg11 : memref<800x8xf32, #tpu.memory_space<vmem>>)
      %dma_wait3A_108 = arith.constant 0 : i32
      %dma_wait3A_109 = arith.constant 0 : i32
      %dma_wait3A_110 = tpu.memref_slice %arg5[%dma_wait3A_108, %dma_wait3A_109] : memref<100000x8xf32, #tpu.memory_space<hbm>> -> memref<800x8xf32, #tpu.memory_space<hbm>>
      %dma_wait3A_111 = arith.constant 0 : i32
      %dma_wait3A_112 = arith.constant 0 : i32
      %dma_wait3A_113 = tpu.memref_slice %arg5[%dma_wait3A_111, %dma_wait3A_112] : memref<100000x8xf32, #tpu.memory_space<hbm>> -> memref<800x8xf32, #tpu.memory_space<hbm>>
      tpu.wait_dma2 semaphore(%arg21 : memref<!tpu.dma_semaphore, #tpu.memory_space<semaphore_mem>>) src(%dma_wait3A_113 : memref<800x8xf32, #tpu.memory_space<hbm>>) dst(%arg13 : memref<800x8xf32, #tpu.memory_space<vmem>>)
      %dma_wait3A_114 = arith.constant 0 : i32
      %dma_wait3A_115 = arith.constant 0 : i32
      %dma_wait3A_116 = tpu.memref_slice %arg4[%dma_wait3A_114, %dma_wait3A_115] : memref<3200000x7xf32, #tpu.memory_space<hbm>> -> memref<800x7xf32, #tpu.memory_space<hbm>>
      %dma_wait3A_117 = arith.constant 0 : i32
      %dma_wait3A_118 = arith.constant 0 : i32
      %dma_wait3A_119 = tpu.memref_slice %arg4[%dma_wait3A_117, %dma_wait3A_118] : memref<3200000x7xf32, #tpu.memory_space<hbm>> -> memref<800x7xf32, #tpu.memory_space<hbm>>
      tpu.wait_dma2 semaphore(%arg21 : memref<!tpu.dma_semaphore, #tpu.memory_space<semaphore_mem>>) src(%dma_wait3A_119 : memref<800x7xf32, #tpu.memory_space<hbm>>) dst(%arg15 : memref<800x7xf32, #tpu.memory_space<vmem>>)
      %add3A_120 = arith.constant 1 : i32
      %add3A_121 = arith.addi %mul3A_101, %add3A_120 : i32
      %lt3A = arith.constant 125 : i32
      %lt3A_122 = arith.cmpi slt, %add3A_121, %lt3A : i32
      %convert_element_type3A = arith.extui %lt3A_122 : i1 to i32
      %cond3A = arith.constant 0 : i32
      %cond3A_123 = arith.cmpi ne, %convert_element_type3A, %cond3A : i32
      scf.if %cond3A_123 {
        %dma_wait3A_200 = arith.constant 0 : i32
        %dma_wait3A_201 = tpu.memref_slice %arg2[%dma_wait3A_200] : memref<3200000xi32, #tpu.memory_space<hbm>> -> memref<800xi32, #tpu.memory_space<hbm>>
        %dma_wait3A_202 = arith.constant 0 : i32
        %dma_wait3A_203 = tpu.memref_slice %arg2[%dma_wait3A_202] : memref<3200000xi32, #tpu.memory_space<hbm>> -> memref<800xi32, #tpu.memory_space<hbm>>
        tpu.wait_dma2 semaphore(%arg20 : memref<!tpu.dma_semaphore, #tpu.memory_space<semaphore_mem>>) src(%dma_wait3A_203 : memref<800xi32, #tpu.memory_space<hbm>>) dst(%arg8 : memref<800xi32, #tpu.memory_space<vmem>>)
        %dma_wait3A_204 = arith.constant 0 : i32
        %dma_wait3A_205 = tpu.memref_slice %arg3[%dma_wait3A_204] : memref<3200000xi32, #tpu.memory_space<hbm>> -> memref<800xi32, #tpu.memory_space<hbm>>
        %dma_wait3A_206 = arith.constant 0 : i32
        %dma_wait3A_207 = tpu.memref_slice %arg3[%dma_wait3A_206] : memref<3200000xi32, #tpu.memory_space<hbm>> -> memref<800xi32, #tpu.memory_space<hbm>>
        tpu.wait_dma2 semaphore(%arg20 : memref<!tpu.dma_semaphore, #tpu.memory_space<semaphore_mem>>) src(%dma_wait3A_207 : memref<800xi32, #tpu.memory_space<hbm>>) dst(%arg10 : memref<800xi32, #tpu.memory_space<vmem>>)
        %add3A_208 = arith.constant 1 : i32
        %add3A_209 = arith.addi %mul3A_101, %add3A_208 : i32
        %mul3A_210 = arith.constant 800 : i32
        %mul3A_211 = arith.muli %add3A_209, %mul3A_210 : i32
        %add3A_212 = arith.addi %mul3A_2, %mul3A_211 : i32
        %dma_start3A_213 = arith.constant 0 : i32
        %dma_start3A_214 = arith.constant 0 : i32
        %dma_start3A_215 = tpu.memref_slice %arg5[%dma_start3A_213, %dma_start3A_214] : memref<100000x8xf32, #tpu.memory_space<hbm>> -> memref<100000x8xf32, #tpu.memory_space<hbm>>
        tpu.enqueue_indirect_dma source(%dma_start3A_215 : memref<100000x8xf32, #tpu.memory_space<hbm>>) target(%arg12 : memref<800x8xf32, #tpu.memory_space<vmem>>) offsets(%arg8 : memref<800xi32, #tpu.memory_space<vmem>>) semaphore(%arg22 : memref<!tpu.dma_semaphore, #tpu.memory_space<semaphore_mem>>)
        %dma_start3A_216 = arith.constant 0 : i32
        %dma_start3A_217 = arith.constant 0 : i32
        %dma_start3A_218 = tpu.memref_slice %arg5[%dma_start3A_216, %dma_start3A_217] : memref<100000x8xf32, #tpu.memory_space<hbm>> -> memref<100000x8xf32, #tpu.memory_space<hbm>>
        tpu.enqueue_indirect_dma source(%dma_start3A_218 : memref<100000x8xf32, #tpu.memory_space<hbm>>) target(%arg14 : memref<800x8xf32, #tpu.memory_space<vmem>>) offsets(%arg10 : memref<800xi32, #tpu.memory_space<vmem>>) semaphore(%arg22 : memref<!tpu.dma_semaphore, #tpu.memory_space<semaphore_mem>>)
        %dma_start3A_219 = arith.constant 0 : i32
        %dma_start3A_220 = tpu.memref_slice %arg4[%add3A_212, %dma_start3A_219] : memref<3200000x7xf32, #tpu.memory_space<hbm>> -> memref<800x7xf32, #tpu.memory_space<hbm>>
        %dma_start3A_221 = arith.constant 0 : i32
        %dma_start3A_222 = tpu.memref_slice %arg4[%add3A_212, %dma_start3A_221] : memref<3200000x7xf32, #tpu.memory_space<hbm>> -> memref<800x7xf32, #tpu.memory_space<hbm>>
        tpu.enqueue_dma source(%dma_start3A_222 : memref<800x7xf32, #tpu.memory_space<hbm>>) target(%arg16 : memref<800x7xf32, #tpu.memory_space<vmem>>) target_semaphore(%arg22 : memref<!tpu.dma_semaphore, #tpu.memory_space<semaphore_mem>>)
      } else {
      }
      %add3A_124 = arith.constant 2 : i32
      %add3A_125 = arith.addi %mul3A_101, %add3A_124 : i32
      %lt3A_126 = arith.constant 125 : i32
      %lt3A_127 = arith.cmpi slt, %add3A_125, %lt3A_126 : i32
      %convert_element_type3A_128 = arith.extui %lt3A_127 : i1 to i32
      %cond3A_129 = arith.constant 0 : i32
      %cond3A_130 = arith.cmpi ne, %convert_element_type3A_128, %cond3A_129 : i32
      scf.if %cond3A_130 {
        %add3A_200 = arith.constant 2 : i32
        %add3A_201 = arith.addi %mul3A_101, %add3A_200 : i32
        %mul3A_202 = arith.constant 800 : i32
        %mul3A_203 = arith.muli %add3A_201, %mul3A_202 : i32
        %add3A_204 = arith.addi %mul3A_2, %mul3A_203 : i32
        %dma_start3A_205 = tpu.memref_slice %arg2[%add3A_204] : memref<3200000xi32, #tpu.memory_space<hbm>> -> memref<800xi32, #tpu.memory_space<hbm>>
        %dma_start3A_206 = tpu.memref_slice %arg2[%add3A_204] : memref<3200000xi32, #tpu.memory_space<hbm>> -> memref<800xi32, #tpu.memory_space<hbm>>
        tpu.enqueue_dma source(%dma_start3A_206 : memref<800xi32, #tpu.memory_space<hbm>>) target(%arg7 : memref<800xi32, #tpu.memory_space<vmem>>) target_semaphore(%arg19 : memref<!tpu.dma_semaphore, #tpu.memory_space<semaphore_mem>>)
        %dma_start3A_207 = tpu.memref_slice %arg3[%add3A_204] : memref<3200000xi32, #tpu.memory_space<hbm>> -> memref<800xi32, #tpu.memory_space<hbm>>
        %dma_start3A_208 = tpu.memref_slice %arg3[%add3A_204] : memref<3200000xi32, #tpu.memory_space<hbm>> -> memref<800xi32, #tpu.memory_space<hbm>>
        tpu.enqueue_dma source(%dma_start3A_208 : memref<800xi32, #tpu.memory_space<hbm>>) target(%arg9 : memref<800xi32, #tpu.memory_space<vmem>>) target_semaphore(%arg19 : memref<!tpu.dma_semaphore, #tpu.memory_space<semaphore_mem>>)
      } else {
      }
      %ge3A = arith.constant 2 : i32
      %ge3A_131 = arith.cmpi sge, %mul3A_101, %ge3A : i32
      %convert_element_type3A_132 = arith.extui %ge3A_131 : i1 to i32
      %cond3A_133 = arith.constant 0 : i32
      %cond3A_134 = arith.cmpi ne, %convert_element_type3A_132, %cond3A_133 : i32
      scf.if %cond3A_134 {
        %dma_wait3A_200 = arith.constant 0 : i32
        %dma_wait3A_201 = arith.constant 0 : i32
        %dma_wait3A_202 = tpu.memref_slice %arg6[%dma_wait3A_200, %dma_wait3A_201] : memref<3200000x6xf32, #tpu.memory_space<hbm>> -> memref<800x6xf32, #tpu.memory_space<hbm>>
        %dma_wait3A_203 = arith.constant 0 : i32
        %dma_wait3A_204 = arith.constant 0 : i32
        %dma_wait3A_205 = tpu.memref_slice %arg6[%dma_wait3A_203, %dma_wait3A_204] : memref<3200000x6xf32, #tpu.memory_space<hbm>> -> memref<800x6xf32, #tpu.memory_space<hbm>>
        tpu.wait_dma2 semaphore(%arg23 : memref<!tpu.dma_semaphore, #tpu.memory_space<semaphore_mem>>) src(%arg17 : memref<800x6xf32, #tpu.memory_space<vmem>>) dst(%dma_wait3A_205 : memref<800x6xf32, #tpu.memory_space<hbm>>)
      } else {
      }
      %scan3A_135 = arith.constant 0 : i32
      %scan3A_136 = arith.constant 0 : i32
      %scan3A_137 = arith.constant 50 : i32
      %scan3A_138 = arith.addi %scan3A_136, %scan3A_137 : i32
      %scan3A_139 = arith.constant 1 : i32
      scf.for %scan3A_200 = %scan3A_136 to %scan3A_138 step %scan3A_139  : i32 {
        %mul3A_201 = arith.constant 16 : i32
        %mul3A_202 = arith.muli %scan3A_200, %mul3A_201 : i32
        %add3A_203 = vector.broadcast %mul3A_202 : i32 to vector<16xi32>
        %add3A_204 = arith.addi %add3A_203, %iota3A : vector<16xi32>
        %gather3A = tpu.vector_load_idx %arg11[%add3A_204, %broadcast_in_dim3A_3] : memref<800x8xf32, #tpu.memory_space<vmem>>[vector<16xi32>, vector<16xi32>], vector<16xf32>,
        %gather3A_205 = tpu.vector_load_idx %arg11[%add3A_204, %broadcast_in_dim3A_5] : memref<800x8xf32, #tpu.memory_space<vmem>>[vector<16xi32>, vector<16xi32>], vector<16xf32>,
        %gather3A_206 = tpu.vector_load_idx %arg11[%add3A_204, %broadcast_in_dim3A_7] : memref<800x8xf32, #tpu.memory_space<vmem>>[vector<16xi32>, vector<16xi32>], vector<16xf32>,
        %gather3A_207 = tpu.vector_load_idx %arg11[%add3A_204, %broadcast_in_dim3A_9] : memref<800x8xf32, #tpu.memory_space<vmem>>[vector<16xi32>, vector<16xi32>], vector<16xf32>,
        %gather3A_208 = tpu.vector_load_idx %arg11[%add3A_204, %broadcast_in_dim3A_11] : memref<800x8xf32, #tpu.memory_space<vmem>>[vector<16xi32>, vector<16xi32>], vector<16xf32>,
        %gather3A_209 = tpu.vector_load_idx %arg11[%add3A_204, %broadcast_in_dim3A_13] : memref<800x8xf32, #tpu.memory_space<vmem>>[vector<16xi32>, vector<16xi32>], vector<16xf32>,
        %gather3A_210 = tpu.vector_load_idx %arg11[%add3A_204, %broadcast_in_dim3A_15] : memref<800x8xf32, #tpu.memory_space<vmem>>[vector<16xi32>, vector<16xi32>], vector<16xf32>,
        %gather3A_211 = tpu.vector_load_idx %arg13[%add3A_204, %broadcast_in_dim3A_3] : memref<800x8xf32, #tpu.memory_space<vmem>>[vector<16xi32>, vector<16xi32>], vector<16xf32>,
        %gather3A_212 = tpu.vector_load_idx %arg13[%add3A_204, %broadcast_in_dim3A_5] : memref<800x8xf32, #tpu.memory_space<vmem>>[vector<16xi32>, vector<16xi32>], vector<16xf32>,
        %gather3A_213 = tpu.vector_load_idx %arg13[%add3A_204, %broadcast_in_dim3A_7] : memref<800x8xf32, #tpu.memory_space<vmem>>[vector<16xi32>, vector<16xi32>], vector<16xf32>,
        %gather3A_214 = tpu.vector_load_idx %arg13[%add3A_204, %broadcast_in_dim3A_9] : memref<800x8xf32, #tpu.memory_space<vmem>>[vector<16xi32>, vector<16xi32>], vector<16xf32>,
        %gather3A_215 = tpu.vector_load_idx %arg13[%add3A_204, %broadcast_in_dim3A_11] : memref<800x8xf32, #tpu.memory_space<vmem>>[vector<16xi32>, vector<16xi32>], vector<16xf32>,
        %gather3A_216 = tpu.vector_load_idx %arg13[%add3A_204, %broadcast_in_dim3A_13] : memref<800x8xf32, #tpu.memory_space<vmem>>[vector<16xi32>, vector<16xi32>], vector<16xf32>,
        %gather3A_217 = tpu.vector_load_idx %arg13[%add3A_204, %broadcast_in_dim3A_15] : memref<800x8xf32, #tpu.memory_space<vmem>>[vector<16xi32>, vector<16xi32>], vector<16xf32>,
        %gather3A_218 = tpu.vector_load_idx %arg15[%add3A_204, %broadcast_in_dim3A_3] : memref<800x7xf32, #tpu.memory_space<vmem>>[vector<16xi32>, vector<16xi32>], vector<16xf32>,
        %gather3A_219 = tpu.vector_load_idx %arg15[%add3A_204, %broadcast_in_dim3A_5] : memref<800x7xf32, #tpu.memory_space<vmem>>[vector<16xi32>, vector<16xi32>], vector<16xf32>,
        %gather3A_220 = tpu.vector_load_idx %arg15[%add3A_204, %broadcast_in_dim3A_7] : memref<800x7xf32, #tpu.memory_space<vmem>>[vector<16xi32>, vector<16xi32>], vector<16xf32>,
        %gather3A_221 = tpu.vector_load_idx %arg15[%add3A_204, %broadcast_in_dim3A_9] : memref<800x7xf32, #tpu.memory_space<vmem>>[vector<16xi32>, vector<16xi32>], vector<16xf32>,
        %gather3A_222 = tpu.vector_load_idx %arg15[%add3A_204, %broadcast_in_dim3A_11] : memref<800x7xf32, #tpu.memory_space<vmem>>[vector<16xi32>, vector<16xi32>], vector<16xf32>,
        %gather3A_223 = tpu.vector_load_idx %arg15[%add3A_204, %broadcast_in_dim3A_13] : memref<800x7xf32, #tpu.memory_space<vmem>>[vector<16xi32>, vector<16xi32>], vector<16xf32>,
        %gather3A_224 = tpu.vector_load_idx %arg15[%add3A_204, %broadcast_in_dim3A_15] : memref<800x7xf32, #tpu.memory_space<vmem>>[vector<16xi32>, vector<16xi32>], vector<16xf32>,
        %neg3A = arith.constant 0.000000e+00 : f32
        %neg3A_225 = vector.broadcast %neg3A : f32 to vector<16xf32>
        %neg3A_226 = arith.subf %neg3A_225, %gather3A_207 : vector<16xf32>
        %neg3A_227 = arith.constant 0.000000e+00 : f32
        %neg3A_228 = vector.broadcast %neg3A_227 : f32 to vector<16xf32>
        %neg3A_229 = arith.subf %neg3A_228, %gather3A_208 : vector<16xf32>
        %neg3A_230 = arith.constant 0.000000e+00 : f32
        %neg3A_231 = vector.broadcast %neg3A_230 : f32 to vector<16xf32>
        %neg3A_232 = arith.subf %neg3A_231, %gather3A_209 : vector<16xf32>
        %sub3A = arith.subf %gather3A_211, %gather3A : vector<16xf32>
        %sub3A_233 = arith.subf %gather3A_212, %gather3A_205 : vector<16xf32>
        %sub3A_234 = arith.subf %gather3A_213, %gather3A_206 : vector<16xf32>
        %mul3A_235 = arith.mulf %neg3A_229, %sub3A_234 : vector<16xf32>
        %mul3A_236 = arith.mulf %neg3A_232, %sub3A_233 : vector<16xf32>
        %sub3A_237 = arith.subf %mul3A_235, %mul3A_236 : vector<16xf32>
        %mul3A_238 = arith.mulf %neg3A_232, %sub3A : vector<16xf32>
        %mul3A_239 = arith.mulf %neg3A_226, %sub3A_234 : vector<16xf32>
        %sub3A_240 = arith.subf %mul3A_238, %mul3A_239 : vector<16xf32>
        %mul3A_241 = arith.mulf %neg3A_226, %sub3A_233 : vector<16xf32>
        %mul3A_242 = arith.mulf %neg3A_229, %sub3A : vector<16xf32>
        %sub3A_243 = arith.subf %mul3A_241, %mul3A_242 : vector<16xf32>
        %mul3A_244 = arith.constant 2.000000e+00 : f32
        %mul3A_245 = vector.broadcast %mul3A_244 : f32 to vector<16xf32>
        %mul3A_246 = arith.mulf %mul3A_245, %sub3A_237 : vector<16xf32>
        %mul3A_247 = arith.constant 2.000000e+00 : f32
        %mul3A_248 = vector.broadcast %mul3A_247 : f32 to vector<16xf32>
        %mul3A_249 = arith.mulf %mul3A_248, %sub3A_240 : vector<16xf32>
        %mul3A_250 = arith.constant 2.000000e+00 : f32
        %mul3A_251 = vector.broadcast %mul3A_250 : f32 to vector<16xf32>
        %mul3A_252 = arith.mulf %mul3A_251, %sub3A_243 : vector<16xf32>
        %mul3A_253 = arith.mulf %neg3A_229, %mul3A_252 : vector<16xf32>
        %mul3A_254 = arith.mulf %neg3A_232, %mul3A_249 : vector<16xf32>
        %sub3A_255 = arith.subf %mul3A_253, %mul3A_254 : vector<16xf32>
        %mul3A_256 = arith.mulf %neg3A_232, %mul3A_246 : vector<16xf32>
        %mul3A_257 = arith.mulf %neg3A_226, %mul3A_252 : vector<16xf32>
        %sub3A_258 = arith.subf %mul3A_256, %mul3A_257 : vector<16xf32>
        %mul3A_259 = arith.mulf %neg3A_226, %mul3A_249 : vector<16xf32>
        %mul3A_260 = arith.mulf %neg3A_229, %mul3A_246 : vector<16xf32>
        %sub3A_261 = arith.subf %mul3A_259, %mul3A_260 : vector<16xf32>
        %mul3A_262 = arith.mulf %gather3A_210, %mul3A_246 : vector<16xf32>
        %add3A_263 = arith.addf %sub3A, %mul3A_262 : vector<16xf32>
        %add3A_264 = arith.addf %add3A_263, %sub3A_255 : vector<16xf32>
        %mul3A_265 = arith.mulf %gather3A_210, %mul3A_249 : vector<16xf32>
        %add3A_266 = arith.addf %sub3A_233, %mul3A_265 : vector<16xf32>
        %add3A_267 = arith.addf %add3A_266, %sub3A_258 : vector<16xf32>
        %mul3A_268 = arith.mulf %gather3A_210, %mul3A_252 : vector<16xf32>
        %add3A_269 = arith.addf %sub3A_234, %mul3A_268 : vector<16xf32>
        %add3A_270 = arith.addf %add3A_269, %sub3A_261 : vector<16xf32>
        %mul3A_271 = arith.mulf %gather3A_210, %gather3A_214 : vector<16xf32>
        %mul3A_272 = arith.mulf %neg3A_226, %gather3A_217 : vector<16xf32>
        %add3A_273 = arith.addf %mul3A_271, %mul3A_272 : vector<16xf32>
        %mul3A_274 = arith.mulf %neg3A_229, %gather3A_216 : vector<16xf32>
        %add3A_275 = arith.addf %add3A_273, %mul3A_274 : vector<16xf32>
        %mul3A_276 = arith.mulf %neg3A_232, %gather3A_215 : vector<16xf32>
        %sub3A_277 = arith.subf %add3A_275, %mul3A_276 : vector<16xf32>
        %mul3A_278 = arith.mulf %gather3A_210, %gather3A_215 : vector<16xf32>
        %mul3A_279 = arith.mulf %neg3A_226, %gather3A_216 : vector<16xf32>
        %sub3A_280 = arith.subf %mul3A_278, %mul3A_279 : vector<16xf32>
        %mul3A_281 = arith.mulf %neg3A_229, %gather3A_217 : vector<16xf32>
        %add3A_282 = arith.addf %sub3A_280, %mul3A_281 : vector<16xf32>
        %mul3A_283 = arith.mulf %neg3A_232, %gather3A_214 : vector<16xf32>
        %add3A_284 = arith.addf %add3A_282, %mul3A_283 : vector<16xf32>
        %mul3A_285 = arith.mulf %gather3A_210, %gather3A_216 : vector<16xf32>
        %mul3A_286 = arith.mulf %neg3A_226, %gather3A_215 : vector<16xf32>
        %add3A_287 = arith.addf %mul3A_285, %mul3A_286 : vector<16xf32>
        %mul3A_288 = arith.mulf %neg3A_229, %gather3A_214 : vector<16xf32>
        %sub3A_289 = arith.subf %add3A_287, %mul3A_288 : vector<16xf32>
        %mul3A_290 = arith.mulf %neg3A_232, %gather3A_217 : vector<16xf32>
        %add3A_291 = arith.addf %sub3A_289, %mul3A_290 : vector<16xf32>
        %mul3A_292 = arith.mulf %gather3A_210, %gather3A_217 : vector<16xf32>
        %mul3A_293 = arith.mulf %neg3A_226, %gather3A_214 : vector<16xf32>
        %sub3A_294 = arith.subf %mul3A_292, %mul3A_293 : vector<16xf32>
        %mul3A_295 = arith.mulf %neg3A_229, %gather3A_215 : vector<16xf32>
        %sub3A_296 = arith.subf %sub3A_294, %mul3A_295 : vector<16xf32>
        %mul3A_297 = arith.mulf %neg3A_232, %gather3A_216 : vector<16xf32>
        %sub3A_298 = arith.subf %sub3A_296, %mul3A_297 : vector<16xf32>
        %neg3A_299 = arith.constant 0.000000e+00 : f32
        %neg3A_300 = vector.broadcast %neg3A_299 : f32 to vector<16xf32>
        %neg3A_301 = arith.subf %neg3A_300, %gather3A_221 : vector<16xf32>
        %neg3A_302 = arith.constant 0.000000e+00 : f32
        %neg3A_303 = vector.broadcast %neg3A_302 : f32 to vector<16xf32>
        %neg3A_304 = arith.subf %neg3A_303, %gather3A_222 : vector<16xf32>
        %neg3A_305 = arith.constant 0.000000e+00 : f32
        %neg3A_306 = vector.broadcast %neg3A_305 : f32 to vector<16xf32>
        %neg3A_307 = arith.subf %neg3A_306, %gather3A_223 : vector<16xf32>
        %mul3A_308 = arith.mulf %sub3A_298, %neg3A_301 : vector<16xf32>
        %mul3A_309 = arith.mulf %sub3A_277, %gather3A_224 : vector<16xf32>
        %add3A_310 = arith.addf %mul3A_308, %mul3A_309 : vector<16xf32>
        %mul3A_311 = arith.mulf %add3A_284, %neg3A_307 : vector<16xf32>
        %add3A_312 = arith.addf %add3A_310, %mul3A_311 : vector<16xf32>
        %mul3A_313 = arith.mulf %add3A_291, %neg3A_304 : vector<16xf32>
        %sub3A_314 = arith.subf %add3A_312, %mul3A_313 : vector<16xf32>
        %mul3A_315 = arith.mulf %sub3A_298, %neg3A_304 : vector<16xf32>
        %mul3A_316 = arith.mulf %sub3A_277, %neg3A_307 : vector<16xf32>
        %sub3A_317 = arith.subf %mul3A_315, %mul3A_316 : vector<16xf32>
        %mul3A_318 = arith.mulf %add3A_284, %gather3A_224 : vector<16xf32>
        %add3A_319 = arith.addf %sub3A_317, %mul3A_318 : vector<16xf32>
        %mul3A_320 = arith.mulf %add3A_291, %neg3A_301 : vector<16xf32>
        %add3A_321 = arith.addf %add3A_319, %mul3A_320 : vector<16xf32>
        %mul3A_322 = arith.mulf %sub3A_298, %neg3A_307 : vector<16xf32>
        %mul3A_323 = arith.mulf %sub3A_277, %neg3A_304 : vector<16xf32>
        %add3A_324 = arith.addf %mul3A_322, %mul3A_323 : vector<16xf32>
        %mul3A_325 = arith.mulf %add3A_284, %neg3A_301 : vector<16xf32>
        %sub3A_326 = arith.subf %add3A_324, %mul3A_325 : vector<16xf32>
        %mul3A_327 = arith.mulf %add3A_291, %gather3A_224 : vector<16xf32>
        %add3A_328 = arith.addf %sub3A_326, %mul3A_327 : vector<16xf32>
        %mul3A_329 = arith.mulf %sub3A_298, %gather3A_224 : vector<16xf32>
        %mul3A_330 = arith.mulf %sub3A_277, %neg3A_301 : vector<16xf32>
        %sub3A_331 = arith.subf %mul3A_329, %mul3A_330 : vector<16xf32>
        %mul3A_332 = arith.mulf %add3A_284, %neg3A_304 : vector<16xf32>
        %sub3A_333 = arith.subf %sub3A_331, %mul3A_332 : vector<16xf32>
        %mul3A_334 = arith.mulf %add3A_291, %neg3A_307 : vector<16xf32>
        %sub3A_335 = arith.subf %sub3A_333, %mul3A_334 : vector<16xf32>
        %mul3A_336 = arith.mulf %add3A_321, %gather3A_220 : vector<16xf32>
        %mul3A_337 = arith.mulf %add3A_328, %gather3A_219 : vector<16xf32>
        %sub3A_338 = arith.subf %mul3A_336, %mul3A_337 : vector<16xf32>
        %mul3A_339 = arith.mulf %add3A_328, %gather3A_218 : vector<16xf32>
        %mul3A_340 = arith.mulf %sub3A_314, %gather3A_220 : vector<16xf32>
        %sub3A_341 = arith.subf %mul3A_339, %mul3A_340 : vector<16xf32>
        %mul3A_342 = arith.mulf %sub3A_314, %gather3A_219 : vector<16xf32>
        %mul3A_343 = arith.mulf %add3A_321, %gather3A_218 : vector<16xf32>
        %sub3A_344 = arith.subf %mul3A_342, %mul3A_343 : vector<16xf32>
        %mul3A_345 = arith.constant 2.000000e+00 : f32
        %mul3A_346 = vector.broadcast %mul3A_345 : f32 to vector<16xf32>
        %mul3A_347 = arith.mulf %mul3A_346, %sub3A_338 : vector<16xf32>
        %mul3A_348 = arith.constant 2.000000e+00 : f32
        %mul3A_349 = vector.broadcast %mul3A_348 : f32 to vector<16xf32>
        %mul3A_350 = arith.mulf %mul3A_349, %sub3A_341 : vector<16xf32>
        %mul3A_351 = arith.constant 2.000000e+00 : f32
        %mul3A_352 = vector.broadcast %mul3A_351 : f32 to vector<16xf32>
        %mul3A_353 = arith.mulf %mul3A_352, %sub3A_344 : vector<16xf32>
        %mul3A_354 = arith.mulf %add3A_321, %mul3A_353 : vector<16xf32>
        %mul3A_355 = arith.mulf %add3A_328, %mul3A_350 : vector<16xf32>
        %sub3A_356 = arith.subf %mul3A_354, %mul3A_355 : vector<16xf32>
        %mul3A_357 = arith.mulf %add3A_328, %mul3A_347 : vector<16xf32>
        %mul3A_358 = arith.mulf %sub3A_314, %mul3A_353 : vector<16xf32>
        %sub3A_359 = arith.subf %mul3A_357, %mul3A_358 : vector<16xf32>
        %mul3A_360 = arith.mulf %sub3A_314, %mul3A_350 : vector<16xf32>
        %mul3A_361 = arith.mulf %add3A_321, %mul3A_347 : vector<16xf32>
        %sub3A_362 = arith.subf %mul3A_360, %mul3A_361 : vector<16xf32>
        %mul3A_363 = arith.mulf %sub3A_335, %mul3A_347 : vector<16xf32>
        %add3A_364 = arith.addf %gather3A_218, %mul3A_363 : vector<16xf32>
        %add3A_365 = arith.addf %add3A_364, %sub3A_356 : vector<16xf32>
        %mul3A_366 = arith.mulf %sub3A_335, %mul3A_350 : vector<16xf32>
        %add3A_367 = arith.addf %gather3A_219, %mul3A_366 : vector<16xf32>
        %add3A_368 = arith.addf %add3A_367, %sub3A_359 : vector<16xf32>
        %mul3A_369 = arith.mulf %sub3A_335, %mul3A_353 : vector<16xf32>
        %add3A_370 = arith.addf %gather3A_220, %mul3A_369 : vector<16xf32>
        %add3A_371 = arith.addf %add3A_370, %sub3A_362 : vector<16xf32>
        %sub3A_372 = arith.subf %add3A_264, %add3A_365 : vector<16xf32>
        %sub3A_373 = arith.subf %add3A_267, %add3A_368 : vector<16xf32>
        %sub3A_374 = arith.subf %add3A_270, %add3A_371 : vector<16xf32>
        %lt3A_375 = arith.constant 0.000000e+00 : f32
        %lt3A_376 = vector.broadcast %lt3A_375 : f32 to vector<16xf32>
        %lt3A_377 = arith.cmpf olt, %sub3A_335, %lt3A_376 : vector<16xf32>
        %broadcast_in_dim3A_378 = arith.constant -1.000000e+00 : f32
        %broadcast_in_dim3A_379 = vector.broadcast %broadcast_in_dim3A_378 : f32 to vector<16xf32>
        %broadcast_in_dim3A_380 = arith.constant 1.000000e+00 : f32
        %broadcast_in_dim3A_381 = vector.broadcast %broadcast_in_dim3A_380 : f32 to vector<16xf32>
        %select_n3A = arith.select %lt3A_377, %broadcast_in_dim3A_379, %broadcast_in_dim3A_381 : vector<16xi1>, vector<16xf32>
        %mul3A_382 = arith.mulf %select_n3A, %sub3A_314 : vector<16xf32>
        %mul3A_383 = arith.mulf %select_n3A, %add3A_321 : vector<16xf32>
        %mul3A_384 = arith.mulf %select_n3A, %add3A_328 : vector<16xf32>
        %mul3A_385 = arith.mulf %select_n3A, %sub3A_335 : vector<16xf32>
        %mul3A_386 = arith.mulf %mul3A_382, %mul3A_382 : vector<16xf32>
        %mul3A_387 = arith.mulf %mul3A_383, %mul3A_383 : vector<16xf32>
        %add3A_388 = arith.addf %mul3A_386, %mul3A_387 : vector<16xf32>
        %mul3A_389 = arith.mulf %mul3A_384, %mul3A_384 : vector<16xf32>
        %add3A_390 = arith.addf %add3A_388, %mul3A_389 : vector<16xf32>
        %add3A_391 = arith.constant 1.000000e-24 : f32
        %add3A_392 = vector.broadcast %add3A_391 : f32 to vector<16xf32>
        %add3A_393 = arith.addf %add3A_390, %add3A_392 : vector<16xf32>
        %bitcast3A = vector.bitcast %add3A_393 : vector<16xf32> to vector<16xi32>
        %shift_right_arithmetic3A = arith.constant 1 : i32
        %shift_right_arithmetic3A_394 = vector.broadcast %shift_right_arithmetic3A : i32 to vector<16xi32>
        %shift_right_arithmetic3A_395 = arith.shrsi %bitcast3A, %shift_right_arithmetic3A_394 : vector<16xi32>
        %sub3A_396 = arith.constant 1597463007 : i32
        %sub3A_397 = vector.broadcast %sub3A_396 : i32 to vector<16xi32>
        %sub3A_398 = arith.subi %sub3A_397, %shift_right_arithmetic3A_395 : vector<16xi32>
        %bitcast3A_399 = vector.bitcast %sub3A_398 : vector<16xi32> to vector<16xf32>
        %mul3A_400 = arith.constant 5.000000e-01 : f32
        %mul3A_401 = vector.broadcast %mul3A_400 : f32 to vector<16xf32>
        %mul3A_402 = arith.mulf %mul3A_401, %add3A_393 : vector<16xf32>
        %mul3A_403 = arith.mulf %mul3A_402, %bitcast3A_399 : vector<16xf32>
        %mul3A_404 = arith.mulf %mul3A_403, %bitcast3A_399 : vector<16xf32>
        %sub3A_405 = arith.constant 1.500000e+00 : f32
        %sub3A_406 = vector.broadcast %sub3A_405 : f32 to vector<16xf32>
        %sub3A_407 = arith.subf %sub3A_406, %mul3A_404 : vector<16xf32>
        %mul3A_408 = arith.mulf %bitcast3A_399, %sub3A_407 : vector<16xf32>
        %mul3A_409 = arith.mulf %mul3A_402, %mul3A_408 : vector<16xf32>
        %mul3A_410 = arith.mulf %mul3A_409, %mul3A_408 : vector<16xf32>
        %sub3A_411 = arith.constant 1.500000e+00 : f32
        %sub3A_412 = vector.broadcast %sub3A_411 : f32 to vector<16xf32>
        %sub3A_413 = arith.subf %sub3A_412, %mul3A_410 : vector<16xf32>
        %mul3A_414 = arith.mulf %mul3A_408, %sub3A_413 : vector<16xf32>
        %mul3A_415 = arith.mulf %mul3A_402, %mul3A_414 : vector<16xf32>
        %mul3A_416 = arith.mulf %mul3A_415, %mul3A_414 : vector<16xf32>
        %sub3A_417 = arith.constant 1.500000e+00 : f32
        %sub3A_418 = vector.broadcast %sub3A_417 : f32 to vector<16xf32>
        %sub3A_419 = arith.subf %sub3A_418, %mul3A_416 : vector<16xf32>
        %mul3A_420 = arith.mulf %mul3A_414, %sub3A_419 : vector<16xf32>
        %mul3A_421 = arith.mulf %add3A_393, %mul3A_420 : vector<16xf32>
        %min3A = arith.minimumf %mul3A_421, %mul3A_385 : vector<16xf32>
        %max3A = arith.maximumf %mul3A_421, %mul3A_385 : vector<16xf32>
        %max3A_422 = arith.constant 1.000000e-30 : f32
        %max3A_423 = vector.broadcast %max3A_422 : f32 to vector<16xf32>
        %max3A_424 = arith.maximumf %max3A, %max3A_423 : vector<16xf32>
        %div3A = arith.divf %min3A, %max3A_424 : vector<16xf32>
        %mul3A_425 = arith.mulf %div3A, %div3A : vector<16xf32>
        %broadcast_in_dim3A_426 = arith.constant 0.00782548263 : f32
        %broadcast_in_dim3A_427 = vector.broadcast %broadcast_in_dim3A_426 : f32 to vector<16xf32>
        %mul3A_428 = arith.mulf %broadcast_in_dim3A_427, %mul3A_425 : vector<16xf32>
        %add3A_429 = arith.constant -0.0368986279 : f32
        %add3A_430 = vector.broadcast %add3A_429 : f32 to vector<16xf32>
        %add3A_431 = arith.addf %mul3A_428, %add3A_430 : vector<16xf32>
        %mul3A_432 = arith.mulf %add3A_431, %mul3A_425 : vector<16xf32>
        %add3A_433 = arith.constant 0.0837415531 : f32
        %add3A_434 = vector.broadcast %add3A_433 : f32 to vector<16xf32>
        %add3A_435 = arith.addf %mul3A_432, %add3A_434 : vector<16xf32>
        %mul3A_436 = arith.mulf %add3A_435, %mul3A_425 : vector<16xf32>
        %add3A_437 = arith.constant -0.134804055 : f32
        %add3A_438 = vector.broadcast %add3A_437 : f32 to vector<16xf32>
        %add3A_439 = arith.addf %mul3A_436, %add3A_438 : vector<16xf32>
        %mul3A_440 = arith.mulf %add3A_439, %mul3A_425 : vector<16xf32>
        %add3A_441 = arith.constant 0.198798716 : f32
        %add3A_442 = vector.broadcast %add3A_441 : f32 to vector<16xf32>
        %add3A_443 = arith.addf %mul3A_440, %add3A_442 : vector<16xf32>
        %mul3A_444 = arith.mulf %add3A_443, %mul3A_425 : vector<16xf32>
        %add3A_445 = arith.constant -0.333263755 : f32
        %add3A_446 = vector.broadcast %add3A_445 : f32 to vector<16xf32>
        %add3A_447 = arith.addf %mul3A_444, %add3A_446 : vector<16xf32>
        %mul3A_448 = arith.mulf %add3A_447, %mul3A_425 : vector<16xf32>
        %add3A_449 = arith.constant 0.999999344 : f32
        %add3A_450 = vector.broadcast %add3A_449 : f32 to vector<16xf32>
        %add3A_451 = arith.addf %mul3A_448, %add3A_450 : vector<16xf32>
        %mul3A_452 = arith.mulf %add3A_451, %div3A : vector<16xf32>
        %gt3A = arith.cmpf ogt, %mul3A_421, %mul3A_385 : vector<16xf32>
        %sub3A_453 = arith.constant 1.57079637 : f32
        %sub3A_454 = vector.broadcast %sub3A_453 : f32 to vector<16xf32>
        %sub3A_455 = arith.subf %sub3A_454, %mul3A_452 : vector<16xf32>
        %select_n3A_456 = arith.select %gt3A, %sub3A_455, %mul3A_452 : vector<16xi1>, vector<16xf32>
        %mul3A_457 = arith.constant 2.000000e+00 : f32
        %mul3A_458 = vector.broadcast %mul3A_457 : f32 to vector<16xf32>
        %mul3A_459 = arith.mulf %mul3A_458, %select_n3A_456 : vector<16xf32>
        %lt3A_460 = arith.constant 9.99999997E-7 : f32
        %lt3A_461 = vector.broadcast %lt3A_460 : f32 to vector<16xf32>
        %lt3A_462 = arith.cmpf olt, %mul3A_421, %lt3A_461 : vector<16xf32>
        %max3A_463 = arith.constant 9.99999997E-7 : f32
        %max3A_464 = vector.broadcast %max3A_463 : f32 to vector<16xf32>
        %max3A_465 = arith.maximumf %mul3A_385, %max3A_464 : vector<16xf32>
        %div3A_466 = arith.constant 2.000000e+00 : f32
        %div3A_467 = vector.broadcast %div3A_466 : f32 to vector<16xf32>
        %div3A_468 = arith.divf %div3A_467, %max3A_465 : vector<16xf32>
        %mul3A_469 = arith.mulf %mul3A_459, %mul3A_420 : vector<16xf32>
        %select_n3A_470 = arith.select %lt3A_462, %div3A_468, %mul3A_469 : vector<16xi1>, vector<16xf32>
        %mul3A_471 = arith.mulf %select_n3A_470, %mul3A_382 : vector<16xf32>
        %mul3A_472 = arith.mulf %select_n3A_470, %mul3A_383 : vector<16xf32>
        %mul3A_473 = arith.mulf %select_n3A_470, %mul3A_384 : vector<16xf32>
        %mul3A_474 = arith.mulf %mul3A_421, %mul3A_421 : vector<16xf32>
        %mul3A_475 = arith.mulf %mul3A_385, %mul3A_385 : vector<16xf32>
        %add3A_476 = arith.addf %mul3A_474, %mul3A_475 : vector<16xf32>
        %div3A_477 = arith.constant 1.000000e+00 : f32
        %div3A_478 = vector.broadcast %div3A_477 : f32 to vector<16xf32>
        %div3A_479 = arith.divf %div3A_478, %add3A_476 : vector<16xf32>
        %mul3A_480 = arith.constant 2.000000e+00 : f32
        %mul3A_481 = vector.broadcast %mul3A_480 : f32 to vector<16xf32>
        %mul3A_482 = arith.mulf %mul3A_481, %mul3A_474 : vector<16xf32>
        %mul3A_483 = arith.mulf %mul3A_482, %div3A_479 : vector<16xf32>
        %mul3A_484 = arith.constant 2.000000e+00 : f32
        %mul3A_485 = vector.broadcast %mul3A_484 : f32 to vector<16xf32>
        %mul3A_486 = arith.mulf %mul3A_485, %mul3A_421 : vector<16xf32>
        %mul3A_487 = arith.mulf %mul3A_486, %mul3A_385 : vector<16xf32>
        %mul3A_488 = arith.mulf %mul3A_487, %div3A_479 : vector<16xf32>
        %mul3A_489 = arith.mulf %mul3A_459, %mul3A_459 : vector<16xf32>
        %mul3A_490 = arith.constant 2.000000e+00 : f32
        %mul3A_491 = vector.broadcast %mul3A_490 : f32 to vector<16xf32>
        %mul3A_492 = arith.mulf %mul3A_491, %mul3A_489 : vector<16xf32>
        %mul3A_493 = arith.mulf %mul3A_492, %mul3A_483 : vector<16xf32>
        %broadcast_in_dim3A_494 = arith.constant 1.000000e+00 : f32
        %broadcast_in_dim3A_495 = vector.broadcast %broadcast_in_dim3A_494 : f32 to vector<16xf32>
        %select_n3A_496 = arith.select %lt3A_462, %broadcast_in_dim3A_495, %mul3A_493 : vector<16xi1>, vector<16xf32>
        %broadcast_in_dim3A_497 = arith.constant 0.0833333358 : f32
        %broadcast_in_dim3A_498 = vector.broadcast %broadcast_in_dim3A_497 : f32 to vector<16xf32>
        %mul3A_499 = arith.constant 2.000000e+00 : f32
        %mul3A_500 = vector.broadcast %mul3A_499 : f32 to vector<16xf32>
        %mul3A_501 = arith.mulf %mul3A_500, %mul3A_483 : vector<16xf32>
        %mul3A_502 = arith.mulf %mul3A_459, %mul3A_488 : vector<16xf32>
        %sub3A_503 = arith.subf %mul3A_501, %mul3A_502 : vector<16xf32>
        %div3A_504 = arith.divf %sub3A_503, %select_n3A_496 : vector<16xf32>
        %select_n3A_505 = arith.select %lt3A_462, %broadcast_in_dim3A_498, %div3A_504 : vector<16xi1>, vector<16xf32>
        %mul3A_506 = arith.mulf %mul3A_472, %sub3A_374 : vector<16xf32>
        %mul3A_507 = arith.mulf %mul3A_473, %sub3A_373 : vector<16xf32>
        %sub3A_508 = arith.subf %mul3A_506, %mul3A_507 : vector<16xf32>
        %mul3A_509 = arith.mulf %mul3A_473, %sub3A_372 : vector<16xf32>
        %mul3A_510 = arith.mulf %mul3A_471, %sub3A_374 : vector<16xf32>
        %sub3A_511 = arith.subf %mul3A_509, %mul3A_510 : vector<16xf32>
        %mul3A_512 = arith.mulf %mul3A_471, %sub3A_373 : vector<16xf32>
        %mul3A_513 = arith.mulf %mul3A_472, %sub3A_372 : vector<16xf32>
        %sub3A_514 = arith.subf %mul3A_512, %mul3A_513 : vector<16xf32>
        %mul3A_515 = arith.mulf %mul3A_472, %sub3A_514 : vector<16xf32>
        %mul3A_516 = arith.mulf %mul3A_473, %sub3A_511 : vector<16xf32>
        %sub3A_517 = arith.subf %mul3A_515, %mul3A_516 : vector<16xf32>
        %mul3A_518 = arith.mulf %mul3A_473, %sub3A_508 : vector<16xf32>
        %mul3A_519 = arith.mulf %mul3A_471, %sub3A_514 : vector<16xf32>
        %sub3A_520 = arith.subf %mul3A_518, %mul3A_519 : vector<16xf32>
        %mul3A_521 = arith.mulf %mul3A_471, %sub3A_511 : vector<16xf32>
        %mul3A_522 = arith.mulf %mul3A_472, %sub3A_508 : vector<16xf32>
        %sub3A_523 = arith.subf %mul3A_521, %mul3A_522 : vector<16xf32>
        %mul3A_524 = arith.constant 5.000000e-01 : f32
        %mul3A_525 = vector.broadcast %mul3A_524 : f32 to vector<16xf32>
        %mul3A_526 = arith.mulf %mul3A_525, %sub3A_508 : vector<16xf32>
        %sub3A_527 = arith.subf %sub3A_372, %mul3A_526 : vector<16xf32>
        %mul3A_528 = arith.mulf %select_n3A_505, %sub3A_517 : vector<16xf32>
        %add3A_529 = arith.addf %sub3A_527, %mul3A_528 : vector<16xf32>
        %mul3A_530 = arith.constant 5.000000e-01 : f32
        %mul3A_531 = vector.broadcast %mul3A_530 : f32 to vector<16xf32>
        %mul3A_532 = arith.mulf %mul3A_531, %sub3A_511 : vector<16xf32>
        %sub3A_533 = arith.subf %sub3A_373, %mul3A_532 : vector<16xf32>
        %mul3A_534 = arith.mulf %select_n3A_505, %sub3A_520 : vector<16xf32>
        %add3A_535 = arith.addf %sub3A_533, %mul3A_534 : vector<16xf32>
        %mul3A_536 = arith.constant 5.000000e-01 : f32
        %mul3A_537 = vector.broadcast %mul3A_536 : f32 to vector<16xf32>
        %mul3A_538 = arith.mulf %mul3A_537, %sub3A_514 : vector<16xf32>
        %sub3A_539 = arith.subf %sub3A_374, %mul3A_538 : vector<16xf32>
        %mul3A_540 = arith.mulf %select_n3A_505, %sub3A_523 : vector<16xf32>
        %add3A_541 = arith.addf %sub3A_539, %mul3A_540 : vector<16xf32>
        tpu.vector_store_idx %arg17[%add3A_204, %broadcast_in_dim3A_3], %add3A_529 : memref<800x6xf32, #tpu.memory_space<vmem>>[vector<16xi32>, vector<16xi32>], vector<16xf32>,
        tpu.vector_store_idx %arg17[%add3A_204, %broadcast_in_dim3A_5], %add3A_535 : memref<800x6xf32, #tpu.memory_space<vmem>>[vector<16xi32>, vector<16xi32>], vector<16xf32>,
        tpu.vector_store_idx %arg17[%add3A_204, %broadcast_in_dim3A_7], %add3A_541 : memref<800x6xf32, #tpu.memory_space<vmem>>[vector<16xi32>, vector<16xi32>], vector<16xf32>,
        tpu.vector_store_idx %arg17[%add3A_204, %broadcast_in_dim3A_9], %mul3A_471 : memref<800x6xf32, #tpu.memory_space<vmem>>[vector<16xi32>, vector<16xi32>], vector<16xf32>,
        tpu.vector_store_idx %arg17[%add3A_204, %broadcast_in_dim3A_11], %mul3A_472 : memref<800x6xf32, #tpu.memory_space<vmem>>[vector<16xi32>, vector<16xi32>], vector<16xf32>,
        tpu.vector_store_idx %arg17[%add3A_204, %broadcast_in_dim3A_13], %mul3A_473 : memref<800x6xf32, #tpu.memory_space<vmem>>[vector<16xi32>, vector<16xi32>], vector<16xf32>,
      }
      %scan3A_140 = arith.constant 50 : i32
      %mul3A_141 = arith.constant 800 : i32
      %mul3A_142 = arith.muli %mul3A_101, %mul3A_141 : i32
      %add3A_143 = arith.addi %mul3A_2, %mul3A_142 : i32
      %dma_start3A_144 = arith.constant 0 : i32
      %dma_start3A_145 = tpu.memref_slice %arg6[%add3A_143, %dma_start3A_144] : memref<3200000x6xf32, #tpu.memory_space<hbm>> -> memref<800x6xf32, #tpu.memory_space<hbm>>
      %dma_start3A_146 = arith.constant 0 : i32
      %dma_start3A_147 = tpu.memref_slice %arg6[%add3A_143, %dma_start3A_146] : memref<3200000x6xf32, #tpu.memory_space<hbm>> -> memref<800x6xf32, #tpu.memory_space<hbm>>
      tpu.enqueue_dma source(%arg17 : memref<800x6xf32, #tpu.memory_space<vmem>>) target(%dma_start3A_147 : memref<800x6xf32, #tpu.memory_space<hbm>>) target_semaphore(%arg23 : memref<!tpu.dma_semaphore, #tpu.memory_space<semaphore_mem>>)
      %add3A_148 = arith.constant 1 : i32
      %add3A_149 = arith.addi %mul3A_101, %add3A_148 : i32
      %dma_wait3A_150 = arith.constant 0 : i32
      %dma_wait3A_151 = arith.constant 0 : i32
      %dma_wait3A_152 = tpu.memref_slice %arg5[%dma_wait3A_150, %dma_wait3A_151] : memref<100000x8xf32, #tpu.memory_space<hbm>> -> memref<800x8xf32, #tpu.memory_space<hbm>>
      %dma_wait3A_153 = arith.constant 0 : i32
      %dma_wait3A_154 = arith.constant 0 : i32
      %dma_wait3A_155 = tpu.memref_slice %arg5[%dma_wait3A_153, %dma_wait3A_154] : memref<100000x8xf32, #tpu.memory_space<hbm>> -> memref<800x8xf32, #tpu.memory_space<hbm>>
      tpu.wait_dma2 semaphore(%arg22 : memref<!tpu.dma_semaphore, #tpu.memory_space<semaphore_mem>>) src(%dma_wait3A_155 : memref<800x8xf32, #tpu.memory_space<hbm>>) dst(%arg12 : memref<800x8xf32, #tpu.memory_space<vmem>>)
      %dma_wait3A_156 = arith.constant 0 : i32
      %dma_wait3A_157 = arith.constant 0 : i32
      %dma_wait3A_158 = tpu.memref_slice %arg5[%dma_wait3A_156, %dma_wait3A_157] : memref<100000x8xf32, #tpu.memory_space<hbm>> -> memref<800x8xf32, #tpu.memory_space<hbm>>
      %dma_wait3A_159 = arith.constant 0 : i32
      %dma_wait3A_160 = arith.constant 0 : i32
      %dma_wait3A_161 = tpu.memref_slice %arg5[%dma_wait3A_159, %dma_wait3A_160] : memref<100000x8xf32, #tpu.memory_space<hbm>> -> memref<800x8xf32, #tpu.memory_space<hbm>>
      tpu.wait_dma2 semaphore(%arg22 : memref<!tpu.dma_semaphore, #tpu.memory_space<semaphore_mem>>) src(%dma_wait3A_161 : memref<800x8xf32, #tpu.memory_space<hbm>>) dst(%arg14 : memref<800x8xf32, #tpu.memory_space<vmem>>)
      %dma_wait3A_162 = arith.constant 0 : i32
      %dma_wait3A_163 = arith.constant 0 : i32
      %dma_wait3A_164 = tpu.memref_slice %arg4[%dma_wait3A_162, %dma_wait3A_163] : memref<3200000x7xf32, #tpu.memory_space<hbm>> -> memref<800x7xf32, #tpu.memory_space<hbm>>
      %dma_wait3A_165 = arith.constant 0 : i32
      %dma_wait3A_166 = arith.constant 0 : i32
      %dma_wait3A_167 = tpu.memref_slice %arg4[%dma_wait3A_165, %dma_wait3A_166] : memref<3200000x7xf32, #tpu.memory_space<hbm>> -> memref<800x7xf32, #tpu.memory_space<hbm>>
      tpu.wait_dma2 semaphore(%arg22 : memref<!tpu.dma_semaphore, #tpu.memory_space<semaphore_mem>>) src(%dma_wait3A_167 : memref<800x7xf32, #tpu.memory_space<hbm>>) dst(%arg16 : memref<800x7xf32, #tpu.memory_space<vmem>>)
      %add3A_168 = arith.constant 1 : i32
      %add3A_169 = arith.addi %add3A_149, %add3A_168 : i32
      %lt3A_170 = arith.constant 125 : i32
      %lt3A_171 = arith.cmpi slt, %add3A_169, %lt3A_170 : i32
      %convert_element_type3A_172 = arith.extui %lt3A_171 : i1 to i32
      %cond3A_173 = arith.constant 0 : i32
      %cond3A_174 = arith.cmpi ne, %convert_element_type3A_172, %cond3A_173 : i32
      scf.if %cond3A_174 {
        %dma_wait3A_200 = arith.constant 0 : i32
        %dma_wait3A_201 = tpu.memref_slice %arg2[%dma_wait3A_200] : memref<3200000xi32, #tpu.memory_space<hbm>> -> memref<800xi32, #tpu.memory_space<hbm>>
        %dma_wait3A_202 = arith.constant 0 : i32
        %dma_wait3A_203 = tpu.memref_slice %arg2[%dma_wait3A_202] : memref<3200000xi32, #tpu.memory_space<hbm>> -> memref<800xi32, #tpu.memory_space<hbm>>
        tpu.wait_dma2 semaphore(%arg19 : memref<!tpu.dma_semaphore, #tpu.memory_space<semaphore_mem>>) src(%dma_wait3A_203 : memref<800xi32, #tpu.memory_space<hbm>>) dst(%arg7 : memref<800xi32, #tpu.memory_space<vmem>>)
        %dma_wait3A_204 = arith.constant 0 : i32
        %dma_wait3A_205 = tpu.memref_slice %arg3[%dma_wait3A_204] : memref<3200000xi32, #tpu.memory_space<hbm>> -> memref<800xi32, #tpu.memory_space<hbm>>
        %dma_wait3A_206 = arith.constant 0 : i32
        %dma_wait3A_207 = tpu.memref_slice %arg3[%dma_wait3A_206] : memref<3200000xi32, #tpu.memory_space<hbm>> -> memref<800xi32, #tpu.memory_space<hbm>>
        tpu.wait_dma2 semaphore(%arg19 : memref<!tpu.dma_semaphore, #tpu.memory_space<semaphore_mem>>) src(%dma_wait3A_207 : memref<800xi32, #tpu.memory_space<hbm>>) dst(%arg9 : memref<800xi32, #tpu.memory_space<vmem>>)
        %add3A_208 = arith.constant 1 : i32
        %add3A_209 = arith.addi %add3A_149, %add3A_208 : i32
        %mul3A_210 = arith.constant 800 : i32
        %mul3A_211 = arith.muli %add3A_209, %mul3A_210 : i32
        %add3A_212 = arith.addi %mul3A_2, %mul3A_211 : i32
        %dma_start3A_213 = arith.constant 0 : i32
        %dma_start3A_214 = arith.constant 0 : i32
        %dma_start3A_215 = tpu.memref_slice %arg5[%dma_start3A_213, %dma_start3A_214] : memref<100000x8xf32, #tpu.memory_space<hbm>> -> memref<100000x8xf32, #tpu.memory_space<hbm>>
        tpu.enqueue_indirect_dma source(%dma_start3A_215 : memref<100000x8xf32, #tpu.memory_space<hbm>>) target(%arg11 : memref<800x8xf32, #tpu.memory_space<vmem>>) offsets(%arg7 : memref<800xi32, #tpu.memory_space<vmem>>) semaphore(%arg21 : memref<!tpu.dma_semaphore, #tpu.memory_space<semaphore_mem>>)
        %dma_start3A_216 = arith.constant 0 : i32
        %dma_start3A_217 = arith.constant 0 : i32
        %dma_start3A_218 = tpu.memref_slice %arg5[%dma_start3A_216, %dma_start3A_217] : memref<100000x8xf32, #tpu.memory_space<hbm>> -> memref<100000x8xf32, #tpu.memory_space<hbm>>
        tpu.enqueue_indirect_dma source(%dma_start3A_218 : memref<100000x8xf32, #tpu.memory_space<hbm>>) target(%arg13 : memref<800x8xf32, #tpu.memory_space<vmem>>) offsets(%arg9 : memref<800xi32, #tpu.memory_space<vmem>>) semaphore(%arg21 : memref<!tpu.dma_semaphore, #tpu.memory_space<semaphore_mem>>)
        %dma_start3A_219 = arith.constant 0 : i32
        %dma_start3A_220 = tpu.memref_slice %arg4[%add3A_212, %dma_start3A_219] : memref<3200000x7xf32, #tpu.memory_space<hbm>> -> memref<800x7xf32, #tpu.memory_space<hbm>>
        %dma_start3A_221 = arith.constant 0 : i32
        %dma_start3A_222 = tpu.memref_slice %arg4[%add3A_212, %dma_start3A_221] : memref<3200000x7xf32, #tpu.memory_space<hbm>> -> memref<800x7xf32, #tpu.memory_space<hbm>>
        tpu.enqueue_dma source(%dma_start3A_222 : memref<800x7xf32, #tpu.memory_space<hbm>>) target(%arg15 : memref<800x7xf32, #tpu.memory_space<vmem>>) target_semaphore(%arg21 : memref<!tpu.dma_semaphore, #tpu.memory_space<semaphore_mem>>)
      } else {
      }
      %add3A_175 = arith.constant 2 : i32
      %add3A_176 = arith.addi %add3A_149, %add3A_175 : i32
      %lt3A_177 = arith.constant 125 : i32
      %lt3A_178 = arith.cmpi slt, %add3A_176, %lt3A_177 : i32
      %convert_element_type3A_179 = arith.extui %lt3A_178 : i1 to i32
      %cond3A_180 = arith.constant 0 : i32
      %cond3A_181 = arith.cmpi ne, %convert_element_type3A_179, %cond3A_180 : i32
      scf.if %cond3A_181 {
        %add3A_200 = arith.constant 2 : i32
        %add3A_201 = arith.addi %add3A_149, %add3A_200 : i32
        %mul3A_202 = arith.constant 800 : i32
        %mul3A_203 = arith.muli %add3A_201, %mul3A_202 : i32
        %add3A_204 = arith.addi %mul3A_2, %mul3A_203 : i32
        %dma_start3A_205 = tpu.memref_slice %arg2[%add3A_204] : memref<3200000xi32, #tpu.memory_space<hbm>> -> memref<800xi32, #tpu.memory_space<hbm>>
        %dma_start3A_206 = tpu.memref_slice %arg2[%add3A_204] : memref<3200000xi32, #tpu.memory_space<hbm>> -> memref<800xi32, #tpu.memory_space<hbm>>
        tpu.enqueue_dma source(%dma_start3A_206 : memref<800xi32, #tpu.memory_space<hbm>>) target(%arg8 : memref<800xi32, #tpu.memory_space<vmem>>) target_semaphore(%arg20 : memref<!tpu.dma_semaphore, #tpu.memory_space<semaphore_mem>>)
        %dma_start3A_207 = tpu.memref_slice %arg3[%add3A_204] : memref<3200000xi32, #tpu.memory_space<hbm>> -> memref<800xi32, #tpu.memory_space<hbm>>
        %dma_start3A_208 = tpu.memref_slice %arg3[%add3A_204] : memref<3200000xi32, #tpu.memory_space<hbm>> -> memref<800xi32, #tpu.memory_space<hbm>>
        tpu.enqueue_dma source(%dma_start3A_208 : memref<800xi32, #tpu.memory_space<hbm>>) target(%arg10 : memref<800xi32, #tpu.memory_space<vmem>>) target_semaphore(%arg20 : memref<!tpu.dma_semaphore, #tpu.memory_space<semaphore_mem>>)
      } else {
      }
      %ge3A_182 = arith.constant 2 : i32
      %ge3A_183 = arith.cmpi sge, %add3A_149, %ge3A_182 : i32
      %convert_element_type3A_184 = arith.extui %ge3A_183 : i1 to i32
      %cond3A_185 = arith.constant 0 : i32
      %cond3A_186 = arith.cmpi ne, %convert_element_type3A_184, %cond3A_185 : i32
      scf.if %cond3A_186 {
        %dma_wait3A_200 = arith.constant 0 : i32
        %dma_wait3A_201 = arith.constant 0 : i32
        %dma_wait3A_202 = tpu.memref_slice %arg6[%dma_wait3A_200, %dma_wait3A_201] : memref<3200000x6xf32, #tpu.memory_space<hbm>> -> memref<800x6xf32, #tpu.memory_space<hbm>>
        %dma_wait3A_203 = arith.constant 0 : i32
        %dma_wait3A_204 = arith.constant 0 : i32
        %dma_wait3A_205 = tpu.memref_slice %arg6[%dma_wait3A_203, %dma_wait3A_204] : memref<3200000x6xf32, #tpu.memory_space<hbm>> -> memref<800x6xf32, #tpu.memory_space<hbm>>
        tpu.wait_dma2 semaphore(%arg24 : memref<!tpu.dma_semaphore, #tpu.memory_space<semaphore_mem>>) src(%arg18 : memref<800x6xf32, #tpu.memory_space<vmem>>) dst(%dma_wait3A_205 : memref<800x6xf32, #tpu.memory_space<hbm>>)
      } else {
      }
      %scan3A_187 = arith.constant 0 : i32
      %scan3A_188 = arith.constant 0 : i32
      %scan3A_189 = arith.constant 50 : i32
      %scan3A_190 = arith.addi %scan3A_188, %scan3A_189 : i32
      %scan3A_191 = arith.constant 1 : i32
      scf.for %scan3A_200 = %scan3A_188 to %scan3A_190 step %scan3A_191  : i32 {
        %mul3A_201 = arith.constant 16 : i32
        %mul3A_202 = arith.muli %scan3A_200, %mul3A_201 : i32
        %add3A_203 = vector.broadcast %mul3A_202 : i32 to vector<16xi32>
        %add3A_204 = arith.addi %add3A_203, %iota3A : vector<16xi32>
        %gather3A = tpu.vector_load_idx %arg12[%add3A_204, %broadcast_in_dim3A_3] : memref<800x8xf32, #tpu.memory_space<vmem>>[vector<16xi32>, vector<16xi32>], vector<16xf32>,
        %gather3A_205 = tpu.vector_load_idx %arg12[%add3A_204, %broadcast_in_dim3A_5] : memref<800x8xf32, #tpu.memory_space<vmem>>[vector<16xi32>, vector<16xi32>], vector<16xf32>,
        %gather3A_206 = tpu.vector_load_idx %arg12[%add3A_204, %broadcast_in_dim3A_7] : memref<800x8xf32, #tpu.memory_space<vmem>>[vector<16xi32>, vector<16xi32>], vector<16xf32>,
        %gather3A_207 = tpu.vector_load_idx %arg12[%add3A_204, %broadcast_in_dim3A_9] : memref<800x8xf32, #tpu.memory_space<vmem>>[vector<16xi32>, vector<16xi32>], vector<16xf32>,
        %gather3A_208 = tpu.vector_load_idx %arg12[%add3A_204, %broadcast_in_dim3A_11] : memref<800x8xf32, #tpu.memory_space<vmem>>[vector<16xi32>, vector<16xi32>], vector<16xf32>,
        %gather3A_209 = tpu.vector_load_idx %arg12[%add3A_204, %broadcast_in_dim3A_13] : memref<800x8xf32, #tpu.memory_space<vmem>>[vector<16xi32>, vector<16xi32>], vector<16xf32>,
        %gather3A_210 = tpu.vector_load_idx %arg12[%add3A_204, %broadcast_in_dim3A_15] : memref<800x8xf32, #tpu.memory_space<vmem>>[vector<16xi32>, vector<16xi32>], vector<16xf32>,
        %gather3A_211 = tpu.vector_load_idx %arg14[%add3A_204, %broadcast_in_dim3A_3] : memref<800x8xf32, #tpu.memory_space<vmem>>[vector<16xi32>, vector<16xi32>], vector<16xf32>,
        %gather3A_212 = tpu.vector_load_idx %arg14[%add3A_204, %broadcast_in_dim3A_5] : memref<800x8xf32, #tpu.memory_space<vmem>>[vector<16xi32>, vector<16xi32>], vector<16xf32>,
        %gather3A_213 = tpu.vector_load_idx %arg14[%add3A_204, %broadcast_in_dim3A_7] : memref<800x8xf32, #tpu.memory_space<vmem>>[vector<16xi32>, vector<16xi32>], vector<16xf32>,
        %gather3A_214 = tpu.vector_load_idx %arg14[%add3A_204, %broadcast_in_dim3A_9] : memref<800x8xf32, #tpu.memory_space<vmem>>[vector<16xi32>, vector<16xi32>], vector<16xf32>,
        %gather3A_215 = tpu.vector_load_idx %arg14[%add3A_204, %broadcast_in_dim3A_11] : memref<800x8xf32, #tpu.memory_space<vmem>>[vector<16xi32>, vector<16xi32>], vector<16xf32>,
        %gather3A_216 = tpu.vector_load_idx %arg14[%add3A_204, %broadcast_in_dim3A_13] : memref<800x8xf32, #tpu.memory_space<vmem>>[vector<16xi32>, vector<16xi32>], vector<16xf32>,
        %gather3A_217 = tpu.vector_load_idx %arg14[%add3A_204, %broadcast_in_dim3A_15] : memref<800x8xf32, #tpu.memory_space<vmem>>[vector<16xi32>, vector<16xi32>], vector<16xf32>,
        %gather3A_218 = tpu.vector_load_idx %arg16[%add3A_204, %broadcast_in_dim3A_3] : memref<800x7xf32, #tpu.memory_space<vmem>>[vector<16xi32>, vector<16xi32>], vector<16xf32>,
        %gather3A_219 = tpu.vector_load_idx %arg16[%add3A_204, %broadcast_in_dim3A_5] : memref<800x7xf32, #tpu.memory_space<vmem>>[vector<16xi32>, vector<16xi32>], vector<16xf32>,
        %gather3A_220 = tpu.vector_load_idx %arg16[%add3A_204, %broadcast_in_dim3A_7] : memref<800x7xf32, #tpu.memory_space<vmem>>[vector<16xi32>, vector<16xi32>], vector<16xf32>,
        %gather3A_221 = tpu.vector_load_idx %arg16[%add3A_204, %broadcast_in_dim3A_9] : memref<800x7xf32, #tpu.memory_space<vmem>>[vector<16xi32>, vector<16xi32>], vector<16xf32>,
        %gather3A_222 = tpu.vector_load_idx %arg16[%add3A_204, %broadcast_in_dim3A_11] : memref<800x7xf32, #tpu.memory_space<vmem>>[vector<16xi32>, vector<16xi32>], vector<16xf32>,
        %gather3A_223 = tpu.vector_load_idx %arg16[%add3A_204, %broadcast_in_dim3A_13] : memref<800x7xf32, #tpu.memory_space<vmem>>[vector<16xi32>, vector<16xi32>], vector<16xf32>,
        %gather3A_224 = tpu.vector_load_idx %arg16[%add3A_204, %broadcast_in_dim3A_15] : memref<800x7xf32, #tpu.memory_space<vmem>>[vector<16xi32>, vector<16xi32>], vector<16xf32>,
        %neg3A = arith.constant 0.000000e+00 : f32
        %neg3A_225 = vector.broadcast %neg3A : f32 to vector<16xf32>
        %neg3A_226 = arith.subf %neg3A_225, %gather3A_207 : vector<16xf32>
        %neg3A_227 = arith.constant 0.000000e+00 : f32
        %neg3A_228 = vector.broadcast %neg3A_227 : f32 to vector<16xf32>
        %neg3A_229 = arith.subf %neg3A_228, %gather3A_208 : vector<16xf32>
        %neg3A_230 = arith.constant 0.000000e+00 : f32
        %neg3A_231 = vector.broadcast %neg3A_230 : f32 to vector<16xf32>
        %neg3A_232 = arith.subf %neg3A_231, %gather3A_209 : vector<16xf32>
        %sub3A = arith.subf %gather3A_211, %gather3A : vector<16xf32>
        %sub3A_233 = arith.subf %gather3A_212, %gather3A_205 : vector<16xf32>
        %sub3A_234 = arith.subf %gather3A_213, %gather3A_206 : vector<16xf32>
        %mul3A_235 = arith.mulf %neg3A_229, %sub3A_234 : vector<16xf32>
        %mul3A_236 = arith.mulf %neg3A_232, %sub3A_233 : vector<16xf32>
        %sub3A_237 = arith.subf %mul3A_235, %mul3A_236 : vector<16xf32>
        %mul3A_238 = arith.mulf %neg3A_232, %sub3A : vector<16xf32>
        %mul3A_239 = arith.mulf %neg3A_226, %sub3A_234 : vector<16xf32>
        %sub3A_240 = arith.subf %mul3A_238, %mul3A_239 : vector<16xf32>
        %mul3A_241 = arith.mulf %neg3A_226, %sub3A_233 : vector<16xf32>
        %mul3A_242 = arith.mulf %neg3A_229, %sub3A : vector<16xf32>
        %sub3A_243 = arith.subf %mul3A_241, %mul3A_242 : vector<16xf32>
        %mul3A_244 = arith.constant 2.000000e+00 : f32
        %mul3A_245 = vector.broadcast %mul3A_244 : f32 to vector<16xf32>
        %mul3A_246 = arith.mulf %mul3A_245, %sub3A_237 : vector<16xf32>
        %mul3A_247 = arith.constant 2.000000e+00 : f32
        %mul3A_248 = vector.broadcast %mul3A_247 : f32 to vector<16xf32>
        %mul3A_249 = arith.mulf %mul3A_248, %sub3A_240 : vector<16xf32>
        %mul3A_250 = arith.constant 2.000000e+00 : f32
        %mul3A_251 = vector.broadcast %mul3A_250 : f32 to vector<16xf32>
        %mul3A_252 = arith.mulf %mul3A_251, %sub3A_243 : vector<16xf32>
        %mul3A_253 = arith.mulf %neg3A_229, %mul3A_252 : vector<16xf32>
        %mul3A_254 = arith.mulf %neg3A_232, %mul3A_249 : vector<16xf32>
        %sub3A_255 = arith.subf %mul3A_253, %mul3A_254 : vector<16xf32>
        %mul3A_256 = arith.mulf %neg3A_232, %mul3A_246 : vector<16xf32>
        %mul3A_257 = arith.mulf %neg3A_226, %mul3A_252 : vector<16xf32>
        %sub3A_258 = arith.subf %mul3A_256, %mul3A_257 : vector<16xf32>
        %mul3A_259 = arith.mulf %neg3A_226, %mul3A_249 : vector<16xf32>
        %mul3A_260 = arith.mulf %neg3A_229, %mul3A_246 : vector<16xf32>
        %sub3A_261 = arith.subf %mul3A_259, %mul3A_260 : vector<16xf32>
        %mul3A_262 = arith.mulf %gather3A_210, %mul3A_246 : vector<16xf32>
        %add3A_263 = arith.addf %sub3A, %mul3A_262 : vector<16xf32>
        %add3A_264 = arith.addf %add3A_263, %sub3A_255 : vector<16xf32>
        %mul3A_265 = arith.mulf %gather3A_210, %mul3A_249 : vector<16xf32>
        %add3A_266 = arith.addf %sub3A_233, %mul3A_265 : vector<16xf32>
        %add3A_267 = arith.addf %add3A_266, %sub3A_258 : vector<16xf32>
        %mul3A_268 = arith.mulf %gather3A_210, %mul3A_252 : vector<16xf32>
        %add3A_269 = arith.addf %sub3A_234, %mul3A_268 : vector<16xf32>
        %add3A_270 = arith.addf %add3A_269, %sub3A_261 : vector<16xf32>
        %mul3A_271 = arith.mulf %gather3A_210, %gather3A_214 : vector<16xf32>
        %mul3A_272 = arith.mulf %neg3A_226, %gather3A_217 : vector<16xf32>
        %add3A_273 = arith.addf %mul3A_271, %mul3A_272 : vector<16xf32>
        %mul3A_274 = arith.mulf %neg3A_229, %gather3A_216 : vector<16xf32>
        %add3A_275 = arith.addf %add3A_273, %mul3A_274 : vector<16xf32>
        %mul3A_276 = arith.mulf %neg3A_232, %gather3A_215 : vector<16xf32>
        %sub3A_277 = arith.subf %add3A_275, %mul3A_276 : vector<16xf32>
        %mul3A_278 = arith.mulf %gather3A_210, %gather3A_215 : vector<16xf32>
        %mul3A_279 = arith.mulf %neg3A_226, %gather3A_216 : vector<16xf32>
        %sub3A_280 = arith.subf %mul3A_278, %mul3A_279 : vector<16xf32>
        %mul3A_281 = arith.mulf %neg3A_229, %gather3A_217 : vector<16xf32>
        %add3A_282 = arith.addf %sub3A_280, %mul3A_281 : vector<16xf32>
        %mul3A_283 = arith.mulf %neg3A_232, %gather3A_214 : vector<16xf32>
        %add3A_284 = arith.addf %add3A_282, %mul3A_283 : vector<16xf32>
        %mul3A_285 = arith.mulf %gather3A_210, %gather3A_216 : vector<16xf32>
        %mul3A_286 = arith.mulf %neg3A_226, %gather3A_215 : vector<16xf32>
        %add3A_287 = arith.addf %mul3A_285, %mul3A_286 : vector<16xf32>
        %mul3A_288 = arith.mulf %neg3A_229, %gather3A_214 : vector<16xf32>
        %sub3A_289 = arith.subf %add3A_287, %mul3A_288 : vector<16xf32>
        %mul3A_290 = arith.mulf %neg3A_232, %gather3A_217 : vector<16xf32>
        %add3A_291 = arith.addf %sub3A_289, %mul3A_290 : vector<16xf32>
        %mul3A_292 = arith.mulf %gather3A_210, %gather3A_217 : vector<16xf32>
        %mul3A_293 = arith.mulf %neg3A_226, %gather3A_214 : vector<16xf32>
        %sub3A_294 = arith.subf %mul3A_292, %mul3A_293 : vector<16xf32>
        %mul3A_295 = arith.mulf %neg3A_229, %gather3A_215 : vector<16xf32>
        %sub3A_296 = arith.subf %sub3A_294, %mul3A_295 : vector<16xf32>
        %mul3A_297 = arith.mulf %neg3A_232, %gather3A_216 : vector<16xf32>
        %sub3A_298 = arith.subf %sub3A_296, %mul3A_297 : vector<16xf32>
        %neg3A_299 = arith.constant 0.000000e+00 : f32
        %neg3A_300 = vector.broadcast %neg3A_299 : f32 to vector<16xf32>
        %neg3A_301 = arith.subf %neg3A_300, %gather3A_221 : vector<16xf32>
        %neg3A_302 = arith.constant 0.000000e+00 : f32
        %neg3A_303 = vector.broadcast %neg3A_302 : f32 to vector<16xf32>
        %neg3A_304 = arith.subf %neg3A_303, %gather3A_222 : vector<16xf32>
        %neg3A_305 = arith.constant 0.000000e+00 : f32
        %neg3A_306 = vector.broadcast %neg3A_305 : f32 to vector<16xf32>
        %neg3A_307 = arith.subf %neg3A_306, %gather3A_223 : vector<16xf32>
        %mul3A_308 = arith.mulf %sub3A_298, %neg3A_301 : vector<16xf32>
        %mul3A_309 = arith.mulf %sub3A_277, %gather3A_224 : vector<16xf32>
        %add3A_310 = arith.addf %mul3A_308, %mul3A_309 : vector<16xf32>
        %mul3A_311 = arith.mulf %add3A_284, %neg3A_307 : vector<16xf32>
        %add3A_312 = arith.addf %add3A_310, %mul3A_311 : vector<16xf32>
        %mul3A_313 = arith.mulf %add3A_291, %neg3A_304 : vector<16xf32>
        %sub3A_314 = arith.subf %add3A_312, %mul3A_313 : vector<16xf32>
        %mul3A_315 = arith.mulf %sub3A_298, %neg3A_304 : vector<16xf32>
        %mul3A_316 = arith.mulf %sub3A_277, %neg3A_307 : vector<16xf32>
        %sub3A_317 = arith.subf %mul3A_315, %mul3A_316 : vector<16xf32>
        %mul3A_318 = arith.mulf %add3A_284, %gather3A_224 : vector<16xf32>
        %add3A_319 = arith.addf %sub3A_317, %mul3A_318 : vector<16xf32>
        %mul3A_320 = arith.mulf %add3A_291, %neg3A_301 : vector<16xf32>
        %add3A_321 = arith.addf %add3A_319, %mul3A_320 : vector<16xf32>
        %mul3A_322 = arith.mulf %sub3A_298, %neg3A_307 : vector<16xf32>
        %mul3A_323 = arith.mulf %sub3A_277, %neg3A_304 : vector<16xf32>
        %add3A_324 = arith.addf %mul3A_322, %mul3A_323 : vector<16xf32>
        %mul3A_325 = arith.mulf %add3A_284, %neg3A_301 : vector<16xf32>
        %sub3A_326 = arith.subf %add3A_324, %mul3A_325 : vector<16xf32>
        %mul3A_327 = arith.mulf %add3A_291, %gather3A_224 : vector<16xf32>
        %add3A_328 = arith.addf %sub3A_326, %mul3A_327 : vector<16xf32>
        %mul3A_329 = arith.mulf %sub3A_298, %gather3A_224 : vector<16xf32>
        %mul3A_330 = arith.mulf %sub3A_277, %neg3A_301 : vector<16xf32>
        %sub3A_331 = arith.subf %mul3A_329, %mul3A_330 : vector<16xf32>
        %mul3A_332 = arith.mulf %add3A_284, %neg3A_304 : vector<16xf32>
        %sub3A_333 = arith.subf %sub3A_331, %mul3A_332 : vector<16xf32>
        %mul3A_334 = arith.mulf %add3A_291, %neg3A_307 : vector<16xf32>
        %sub3A_335 = arith.subf %sub3A_333, %mul3A_334 : vector<16xf32>
        %mul3A_336 = arith.mulf %add3A_321, %gather3A_220 : vector<16xf32>
        %mul3A_337 = arith.mulf %add3A_328, %gather3A_219 : vector<16xf32>
        %sub3A_338 = arith.subf %mul3A_336, %mul3A_337 : vector<16xf32>
        %mul3A_339 = arith.mulf %add3A_328, %gather3A_218 : vector<16xf32>
        %mul3A_340 = arith.mulf %sub3A_314, %gather3A_220 : vector<16xf32>
        %sub3A_341 = arith.subf %mul3A_339, %mul3A_340 : vector<16xf32>
        %mul3A_342 = arith.mulf %sub3A_314, %gather3A_219 : vector<16xf32>
        %mul3A_343 = arith.mulf %add3A_321, %gather3A_218 : vector<16xf32>
        %sub3A_344 = arith.subf %mul3A_342, %mul3A_343 : vector<16xf32>
        %mul3A_345 = arith.constant 2.000000e+00 : f32
        %mul3A_346 = vector.broadcast %mul3A_345 : f32 to vector<16xf32>
        %mul3A_347 = arith.mulf %mul3A_346, %sub3A_338 : vector<16xf32>
        %mul3A_348 = arith.constant 2.000000e+00 : f32
        %mul3A_349 = vector.broadcast %mul3A_348 : f32 to vector<16xf32>
        %mul3A_350 = arith.mulf %mul3A_349, %sub3A_341 : vector<16xf32>
        %mul3A_351 = arith.constant 2.000000e+00 : f32
        %mul3A_352 = vector.broadcast %mul3A_351 : f32 to vector<16xf32>
        %mul3A_353 = arith.mulf %mul3A_352, %sub3A_344 : vector<16xf32>
        %mul3A_354 = arith.mulf %add3A_321, %mul3A_353 : vector<16xf32>
        %mul3A_355 = arith.mulf %add3A_328, %mul3A_350 : vector<16xf32>
        %sub3A_356 = arith.subf %mul3A_354, %mul3A_355 : vector<16xf32>
        %mul3A_357 = arith.mulf %add3A_328, %mul3A_347 : vector<16xf32>
        %mul3A_358 = arith.mulf %sub3A_314, %mul3A_353 : vector<16xf32>
        %sub3A_359 = arith.subf %mul3A_357, %mul3A_358 : vector<16xf32>
        %mul3A_360 = arith.mulf %sub3A_314, %mul3A_350 : vector<16xf32>
        %mul3A_361 = arith.mulf %add3A_321, %mul3A_347 : vector<16xf32>
        %sub3A_362 = arith.subf %mul3A_360, %mul3A_361 : vector<16xf32>
        %mul3A_363 = arith.mulf %sub3A_335, %mul3A_347 : vector<16xf32>
        %add3A_364 = arith.addf %gather3A_218, %mul3A_363 : vector<16xf32>
        %add3A_365 = arith.addf %add3A_364, %sub3A_356 : vector<16xf32>
        %mul3A_366 = arith.mulf %sub3A_335, %mul3A_350 : vector<16xf32>
        %add3A_367 = arith.addf %gather3A_219, %mul3A_366 : vector<16xf32>
        %add3A_368 = arith.addf %add3A_367, %sub3A_359 : vector<16xf32>
        %mul3A_369 = arith.mulf %sub3A_335, %mul3A_353 : vector<16xf32>
        %add3A_370 = arith.addf %gather3A_220, %mul3A_369 : vector<16xf32>
        %add3A_371 = arith.addf %add3A_370, %sub3A_362 : vector<16xf32>
        %sub3A_372 = arith.subf %add3A_264, %add3A_365 : vector<16xf32>
        %sub3A_373 = arith.subf %add3A_267, %add3A_368 : vector<16xf32>
        %sub3A_374 = arith.subf %add3A_270, %add3A_371 : vector<16xf32>
        %lt3A_375 = arith.constant 0.000000e+00 : f32
        %lt3A_376 = vector.broadcast %lt3A_375 : f32 to vector<16xf32>
        %lt3A_377 = arith.cmpf olt, %sub3A_335, %lt3A_376 : vector<16xf32>
        %broadcast_in_dim3A_378 = arith.constant -1.000000e+00 : f32
        %broadcast_in_dim3A_379 = vector.broadcast %broadcast_in_dim3A_378 : f32 to vector<16xf32>
        %broadcast_in_dim3A_380 = arith.constant 1.000000e+00 : f32
        %broadcast_in_dim3A_381 = vector.broadcast %broadcast_in_dim3A_380 : f32 to vector<16xf32>
        %select_n3A = arith.select %lt3A_377, %broadcast_in_dim3A_379, %broadcast_in_dim3A_381 : vector<16xi1>, vector<16xf32>
        %mul3A_382 = arith.mulf %select_n3A, %sub3A_314 : vector<16xf32>
        %mul3A_383 = arith.mulf %select_n3A, %add3A_321 : vector<16xf32>
        %mul3A_384 = arith.mulf %select_n3A, %add3A_328 : vector<16xf32>
        %mul3A_385 = arith.mulf %select_n3A, %sub3A_335 : vector<16xf32>
        %mul3A_386 = arith.mulf %mul3A_382, %mul3A_382 : vector<16xf32>
        %mul3A_387 = arith.mulf %mul3A_383, %mul3A_383 : vector<16xf32>
        %add3A_388 = arith.addf %mul3A_386, %mul3A_387 : vector<16xf32>
        %mul3A_389 = arith.mulf %mul3A_384, %mul3A_384 : vector<16xf32>
        %add3A_390 = arith.addf %add3A_388, %mul3A_389 : vector<16xf32>
        %add3A_391 = arith.constant 1.000000e-24 : f32
        %add3A_392 = vector.broadcast %add3A_391 : f32 to vector<16xf32>
        %add3A_393 = arith.addf %add3A_390, %add3A_392 : vector<16xf32>
        %bitcast3A = vector.bitcast %add3A_393 : vector<16xf32> to vector<16xi32>
        %shift_right_arithmetic3A = arith.constant 1 : i32
        %shift_right_arithmetic3A_394 = vector.broadcast %shift_right_arithmetic3A : i32 to vector<16xi32>
        %shift_right_arithmetic3A_395 = arith.shrsi %bitcast3A, %shift_right_arithmetic3A_394 : vector<16xi32>
        %sub3A_396 = arith.constant 1597463007 : i32
        %sub3A_397 = vector.broadcast %sub3A_396 : i32 to vector<16xi32>
        %sub3A_398 = arith.subi %sub3A_397, %shift_right_arithmetic3A_395 : vector<16xi32>
        %bitcast3A_399 = vector.bitcast %sub3A_398 : vector<16xi32> to vector<16xf32>
        %mul3A_400 = arith.constant 5.000000e-01 : f32
        %mul3A_401 = vector.broadcast %mul3A_400 : f32 to vector<16xf32>
        %mul3A_402 = arith.mulf %mul3A_401, %add3A_393 : vector<16xf32>
        %mul3A_403 = arith.mulf %mul3A_402, %bitcast3A_399 : vector<16xf32>
        %mul3A_404 = arith.mulf %mul3A_403, %bitcast3A_399 : vector<16xf32>
        %sub3A_405 = arith.constant 1.500000e+00 : f32
        %sub3A_406 = vector.broadcast %sub3A_405 : f32 to vector<16xf32>
        %sub3A_407 = arith.subf %sub3A_406, %mul3A_404 : vector<16xf32>
        %mul3A_408 = arith.mulf %bitcast3A_399, %sub3A_407 : vector<16xf32>
        %mul3A_409 = arith.mulf %mul3A_402, %mul3A_408 : vector<16xf32>
        %mul3A_410 = arith.mulf %mul3A_409, %mul3A_408 : vector<16xf32>
        %sub3A_411 = arith.constant 1.500000e+00 : f32
        %sub3A_412 = vector.broadcast %sub3A_411 : f32 to vector<16xf32>
        %sub3A_413 = arith.subf %sub3A_412, %mul3A_410 : vector<16xf32>
        %mul3A_414 = arith.mulf %mul3A_408, %sub3A_413 : vector<16xf32>
        %mul3A_415 = arith.mulf %mul3A_402, %mul3A_414 : vector<16xf32>
        %mul3A_416 = arith.mulf %mul3A_415, %mul3A_414 : vector<16xf32>
        %sub3A_417 = arith.constant 1.500000e+00 : f32
        %sub3A_418 = vector.broadcast %sub3A_417 : f32 to vector<16xf32>
        %sub3A_419 = arith.subf %sub3A_418, %mul3A_416 : vector<16xf32>
        %mul3A_420 = arith.mulf %mul3A_414, %sub3A_419 : vector<16xf32>
        %mul3A_421 = arith.mulf %add3A_393, %mul3A_420 : vector<16xf32>
        %min3A = arith.minimumf %mul3A_421, %mul3A_385 : vector<16xf32>
        %max3A = arith.maximumf %mul3A_421, %mul3A_385 : vector<16xf32>
        %max3A_422 = arith.constant 1.000000e-30 : f32
        %max3A_423 = vector.broadcast %max3A_422 : f32 to vector<16xf32>
        %max3A_424 = arith.maximumf %max3A, %max3A_423 : vector<16xf32>
        %div3A = arith.divf %min3A, %max3A_424 : vector<16xf32>
        %mul3A_425 = arith.mulf %div3A, %div3A : vector<16xf32>
        %broadcast_in_dim3A_426 = arith.constant 0.00782548263 : f32
        %broadcast_in_dim3A_427 = vector.broadcast %broadcast_in_dim3A_426 : f32 to vector<16xf32>
        %mul3A_428 = arith.mulf %broadcast_in_dim3A_427, %mul3A_425 : vector<16xf32>
        %add3A_429 = arith.constant -0.0368986279 : f32
        %add3A_430 = vector.broadcast %add3A_429 : f32 to vector<16xf32>
        %add3A_431 = arith.addf %mul3A_428, %add3A_430 : vector<16xf32>
        %mul3A_432 = arith.mulf %add3A_431, %mul3A_425 : vector<16xf32>
        %add3A_433 = arith.constant 0.0837415531 : f32
        %add3A_434 = vector.broadcast %add3A_433 : f32 to vector<16xf32>
        %add3A_435 = arith.addf %mul3A_432, %add3A_434 : vector<16xf32>
        %mul3A_436 = arith.mulf %add3A_435, %mul3A_425 : vector<16xf32>
        %add3A_437 = arith.constant -0.134804055 : f32
        %add3A_438 = vector.broadcast %add3A_437 : f32 to vector<16xf32>
        %add3A_439 = arith.addf %mul3A_436, %add3A_438 : vector<16xf32>
        %mul3A_440 = arith.mulf %add3A_439, %mul3A_425 : vector<16xf32>
        %add3A_441 = arith.constant 0.198798716 : f32
        %add3A_442 = vector.broadcast %add3A_441 : f32 to vector<16xf32>
        %add3A_443 = arith.addf %mul3A_440, %add3A_442 : vector<16xf32>
        %mul3A_444 = arith.mulf %add3A_443, %mul3A_425 : vector<16xf32>
        %add3A_445 = arith.constant -0.333263755 : f32
        %add3A_446 = vector.broadcast %add3A_445 : f32 to vector<16xf32>
        %add3A_447 = arith.addf %mul3A_444, %add3A_446 : vector<16xf32>
        %mul3A_448 = arith.mulf %add3A_447, %mul3A_425 : vector<16xf32>
        %add3A_449 = arith.constant 0.999999344 : f32
        %add3A_450 = vector.broadcast %add3A_449 : f32 to vector<16xf32>
        %add3A_451 = arith.addf %mul3A_448, %add3A_450 : vector<16xf32>
        %mul3A_452 = arith.mulf %add3A_451, %div3A : vector<16xf32>
        %gt3A = arith.cmpf ogt, %mul3A_421, %mul3A_385 : vector<16xf32>
        %sub3A_453 = arith.constant 1.57079637 : f32
        %sub3A_454 = vector.broadcast %sub3A_453 : f32 to vector<16xf32>
        %sub3A_455 = arith.subf %sub3A_454, %mul3A_452 : vector<16xf32>
        %select_n3A_456 = arith.select %gt3A, %sub3A_455, %mul3A_452 : vector<16xi1>, vector<16xf32>
        %mul3A_457 = arith.constant 2.000000e+00 : f32
        %mul3A_458 = vector.broadcast %mul3A_457 : f32 to vector<16xf32>
        %mul3A_459 = arith.mulf %mul3A_458, %select_n3A_456 : vector<16xf32>
        %lt3A_460 = arith.constant 9.99999997E-7 : f32
        %lt3A_461 = vector.broadcast %lt3A_460 : f32 to vector<16xf32>
        %lt3A_462 = arith.cmpf olt, %mul3A_421, %lt3A_461 : vector<16xf32>
        %max3A_463 = arith.constant 9.99999997E-7 : f32
        %max3A_464 = vector.broadcast %max3A_463 : f32 to vector<16xf32>
        %max3A_465 = arith.maximumf %mul3A_385, %max3A_464 : vector<16xf32>
        %div3A_466 = arith.constant 2.000000e+00 : f32
        %div3A_467 = vector.broadcast %div3A_466 : f32 to vector<16xf32>
        %div3A_468 = arith.divf %div3A_467, %max3A_465 : vector<16xf32>
        %mul3A_469 = arith.mulf %mul3A_459, %mul3A_420 : vector<16xf32>
        %select_n3A_470 = arith.select %lt3A_462, %div3A_468, %mul3A_469 : vector<16xi1>, vector<16xf32>
        %mul3A_471 = arith.mulf %select_n3A_470, %mul3A_382 : vector<16xf32>
        %mul3A_472 = arith.mulf %select_n3A_470, %mul3A_383 : vector<16xf32>
        %mul3A_473 = arith.mulf %select_n3A_470, %mul3A_384 : vector<16xf32>
        %mul3A_474 = arith.mulf %mul3A_421, %mul3A_421 : vector<16xf32>
        %mul3A_475 = arith.mulf %mul3A_385, %mul3A_385 : vector<16xf32>
        %add3A_476 = arith.addf %mul3A_474, %mul3A_475 : vector<16xf32>
        %div3A_477 = arith.constant 1.000000e+00 : f32
        %div3A_478 = vector.broadcast %div3A_477 : f32 to vector<16xf32>
        %div3A_479 = arith.divf %div3A_478, %add3A_476 : vector<16xf32>
        %mul3A_480 = arith.constant 2.000000e+00 : f32
        %mul3A_481 = vector.broadcast %mul3A_480 : f32 to vector<16xf32>
        %mul3A_482 = arith.mulf %mul3A_481, %mul3A_474 : vector<16xf32>
        %mul3A_483 = arith.mulf %mul3A_482, %div3A_479 : vector<16xf32>
        %mul3A_484 = arith.constant 2.000000e+00 : f32
        %mul3A_485 = vector.broadcast %mul3A_484 : f32 to vector<16xf32>
        %mul3A_486 = arith.mulf %mul3A_485, %mul3A_421 : vector<16xf32>
        %mul3A_487 = arith.mulf %mul3A_486, %mul3A_385 : vector<16xf32>
        %mul3A_488 = arith.mulf %mul3A_487, %div3A_479 : vector<16xf32>
        %mul3A_489 = arith.mulf %mul3A_459, %mul3A_459 : vector<16xf32>
        %mul3A_490 = arith.constant 2.000000e+00 : f32
        %mul3A_491 = vector.broadcast %mul3A_490 : f32 to vector<16xf32>
        %mul3A_492 = arith.mulf %mul3A_491, %mul3A_489 : vector<16xf32>
        %mul3A_493 = arith.mulf %mul3A_492, %mul3A_483 : vector<16xf32>
        %broadcast_in_dim3A_494 = arith.constant 1.000000e+00 : f32
        %broadcast_in_dim3A_495 = vector.broadcast %broadcast_in_dim3A_494 : f32 to vector<16xf32>
        %select_n3A_496 = arith.select %lt3A_462, %broadcast_in_dim3A_495, %mul3A_493 : vector<16xi1>, vector<16xf32>
        %broadcast_in_dim3A_497 = arith.constant 0.0833333358 : f32
        %broadcast_in_dim3A_498 = vector.broadcast %broadcast_in_dim3A_497 : f32 to vector<16xf32>
        %mul3A_499 = arith.constant 2.000000e+00 : f32
        %mul3A_500 = vector.broadcast %mul3A_499 : f32 to vector<16xf32>
        %mul3A_501 = arith.mulf %mul3A_500, %mul3A_483 : vector<16xf32>
        %mul3A_502 = arith.mulf %mul3A_459, %mul3A_488 : vector<16xf32>
        %sub3A_503 = arith.subf %mul3A_501, %mul3A_502 : vector<16xf32>
        %div3A_504 = arith.divf %sub3A_503, %select_n3A_496 : vector<16xf32>
        %select_n3A_505 = arith.select %lt3A_462, %broadcast_in_dim3A_498, %div3A_504 : vector<16xi1>, vector<16xf32>
        %mul3A_506 = arith.mulf %mul3A_472, %sub3A_374 : vector<16xf32>
        %mul3A_507 = arith.mulf %mul3A_473, %sub3A_373 : vector<16xf32>
        %sub3A_508 = arith.subf %mul3A_506, %mul3A_507 : vector<16xf32>
        %mul3A_509 = arith.mulf %mul3A_473, %sub3A_372 : vector<16xf32>
        %mul3A_510 = arith.mulf %mul3A_471, %sub3A_374 : vector<16xf32>
        %sub3A_511 = arith.subf %mul3A_509, %mul3A_510 : vector<16xf32>
        %mul3A_512 = arith.mulf %mul3A_471, %sub3A_373 : vector<16xf32>
        %mul3A_513 = arith.mulf %mul3A_472, %sub3A_372 : vector<16xf32>
        %sub3A_514 = arith.subf %mul3A_512, %mul3A_513 : vector<16xf32>
        %mul3A_515 = arith.mulf %mul3A_472, %sub3A_514 : vector<16xf32>
        %mul3A_516 = arith.mulf %mul3A_473, %sub3A_511 : vector<16xf32>
        %sub3A_517 = arith.subf %mul3A_515, %mul3A_516 : vector<16xf32>
        %mul3A_518 = arith.mulf %mul3A_473, %sub3A_508 : vector<16xf32>
        %mul3A_519 = arith.mulf %mul3A_471, %sub3A_514 : vector<16xf32>
        %sub3A_520 = arith.subf %mul3A_518, %mul3A_519 : vector<16xf32>
        %mul3A_521 = arith.mulf %mul3A_471, %sub3A_511 : vector<16xf32>
        %mul3A_522 = arith.mulf %mul3A_472, %sub3A_508 : vector<16xf32>
        %sub3A_523 = arith.subf %mul3A_521, %mul3A_522 : vector<16xf32>
        %mul3A_524 = arith.constant 5.000000e-01 : f32
        %mul3A_525 = vector.broadcast %mul3A_524 : f32 to vector<16xf32>
        %mul3A_526 = arith.mulf %mul3A_525, %sub3A_508 : vector<16xf32>
        %sub3A_527 = arith.subf %sub3A_372, %mul3A_526 : vector<16xf32>
        %mul3A_528 = arith.mulf %select_n3A_505, %sub3A_517 : vector<16xf32>
        %add3A_529 = arith.addf %sub3A_527, %mul3A_528 : vector<16xf32>
        %mul3A_530 = arith.constant 5.000000e-01 : f32
        %mul3A_531 = vector.broadcast %mul3A_530 : f32 to vector<16xf32>
        %mul3A_532 = arith.mulf %mul3A_531, %sub3A_511 : vector<16xf32>
        %sub3A_533 = arith.subf %sub3A_373, %mul3A_532 : vector<16xf32>
        %mul3A_534 = arith.mulf %select_n3A_505, %sub3A_520 : vector<16xf32>
        %add3A_535 = arith.addf %sub3A_533, %mul3A_534 : vector<16xf32>
        %mul3A_536 = arith.constant 5.000000e-01 : f32
        %mul3A_537 = vector.broadcast %mul3A_536 : f32 to vector<16xf32>
        %mul3A_538 = arith.mulf %mul3A_537, %sub3A_514 : vector<16xf32>
        %sub3A_539 = arith.subf %sub3A_374, %mul3A_538 : vector<16xf32>
        %mul3A_540 = arith.mulf %select_n3A_505, %sub3A_523 : vector<16xf32>
        %add3A_541 = arith.addf %sub3A_539, %mul3A_540 : vector<16xf32>
        tpu.vector_store_idx %arg18[%add3A_204, %broadcast_in_dim3A_3], %add3A_529 : memref<800x6xf32, #tpu.memory_space<vmem>>[vector<16xi32>, vector<16xi32>], vector<16xf32>,
        tpu.vector_store_idx %arg18[%add3A_204, %broadcast_in_dim3A_5], %add3A_535 : memref<800x6xf32, #tpu.memory_space<vmem>>[vector<16xi32>, vector<16xi32>], vector<16xf32>,
        tpu.vector_store_idx %arg18[%add3A_204, %broadcast_in_dim3A_7], %add3A_541 : memref<800x6xf32, #tpu.memory_space<vmem>>[vector<16xi32>, vector<16xi32>], vector<16xf32>,
        tpu.vector_store_idx %arg18[%add3A_204, %broadcast_in_dim3A_9], %mul3A_471 : memref<800x6xf32, #tpu.memory_space<vmem>>[vector<16xi32>, vector<16xi32>], vector<16xf32>,
        tpu.vector_store_idx %arg18[%add3A_204, %broadcast_in_dim3A_11], %mul3A_472 : memref<800x6xf32, #tpu.memory_space<vmem>>[vector<16xi32>, vector<16xi32>], vector<16xf32>,
        tpu.vector_store_idx %arg18[%add3A_204, %broadcast_in_dim3A_13], %mul3A_473 : memref<800x6xf32, #tpu.memory_space<vmem>>[vector<16xi32>, vector<16xi32>], vector<16xf32>,
      }
      %scan3A_192 = arith.constant 50 : i32
      %mul3A_193 = arith.constant 800 : i32
      %mul3A_194 = arith.muli %add3A_149, %mul3A_193 : i32
      %add3A_195 = arith.addi %mul3A_2, %mul3A_194 : i32
      %dma_start3A_196 = arith.constant 0 : i32
      %dma_start3A_197 = tpu.memref_slice %arg6[%add3A_195, %dma_start3A_196] : memref<3200000x6xf32, #tpu.memory_space<hbm>> -> memref<800x6xf32, #tpu.memory_space<hbm>>
      %dma_start3A_198 = arith.constant 0 : i32
      %dma_start3A_199 = tpu.memref_slice %arg6[%add3A_195, %dma_start3A_198] : memref<3200000x6xf32, #tpu.memory_space<hbm>> -> memref<800x6xf32, #tpu.memory_space<hbm>>
      tpu.enqueue_dma source(%arg18 : memref<800x6xf32, #tpu.memory_space<vmem>>) target(%dma_start3A_199 : memref<800x6xf32, #tpu.memory_space<hbm>>) target_semaphore(%arg24 : memref<!tpu.dma_semaphore, #tpu.memory_space<semaphore_mem>>)
    }
    %scan3A_50 = arith.constant 62 : i32
    %dma_wait3A_51 = arith.constant 0 : i32
    %dma_wait3A_52 = arith.constant 0 : i32
    %dma_wait3A_53 = tpu.memref_slice %arg5[%dma_wait3A_51, %dma_wait3A_52] : memref<100000x8xf32, #tpu.memory_space<hbm>> -> memref<800x8xf32, #tpu.memory_space<hbm>>
    %dma_wait3A_54 = arith.constant 0 : i32
    %dma_wait3A_55 = arith.constant 0 : i32
    %dma_wait3A_56 = tpu.memref_slice %arg5[%dma_wait3A_54, %dma_wait3A_55] : memref<100000x8xf32, #tpu.memory_space<hbm>> -> memref<800x8xf32, #tpu.memory_space<hbm>>
    tpu.wait_dma2 semaphore(%arg21 : memref<!tpu.dma_semaphore, #tpu.memory_space<semaphore_mem>>) src(%dma_wait3A_56 : memref<800x8xf32, #tpu.memory_space<hbm>>) dst(%arg11 : memref<800x8xf32, #tpu.memory_space<vmem>>)
    %dma_wait3A_57 = arith.constant 0 : i32
    %dma_wait3A_58 = arith.constant 0 : i32
    %dma_wait3A_59 = tpu.memref_slice %arg5[%dma_wait3A_57, %dma_wait3A_58] : memref<100000x8xf32, #tpu.memory_space<hbm>> -> memref<800x8xf32, #tpu.memory_space<hbm>>
    %dma_wait3A_60 = arith.constant 0 : i32
    %dma_wait3A_61 = arith.constant 0 : i32
    %dma_wait3A_62 = tpu.memref_slice %arg5[%dma_wait3A_60, %dma_wait3A_61] : memref<100000x8xf32, #tpu.memory_space<hbm>> -> memref<800x8xf32, #tpu.memory_space<hbm>>
    tpu.wait_dma2 semaphore(%arg21 : memref<!tpu.dma_semaphore, #tpu.memory_space<semaphore_mem>>) src(%dma_wait3A_62 : memref<800x8xf32, #tpu.memory_space<hbm>>) dst(%arg13 : memref<800x8xf32, #tpu.memory_space<vmem>>)
    %dma_wait3A_63 = arith.constant 0 : i32
    %dma_wait3A_64 = arith.constant 0 : i32
    %dma_wait3A_65 = tpu.memref_slice %arg4[%dma_wait3A_63, %dma_wait3A_64] : memref<3200000x7xf32, #tpu.memory_space<hbm>> -> memref<800x7xf32, #tpu.memory_space<hbm>>
    %dma_wait3A_66 = arith.constant 0 : i32
    %dma_wait3A_67 = arith.constant 0 : i32
    %dma_wait3A_68 = tpu.memref_slice %arg4[%dma_wait3A_66, %dma_wait3A_67] : memref<3200000x7xf32, #tpu.memory_space<hbm>> -> memref<800x7xf32, #tpu.memory_space<hbm>>
    tpu.wait_dma2 semaphore(%arg21 : memref<!tpu.dma_semaphore, #tpu.memory_space<semaphore_mem>>) src(%dma_wait3A_68 : memref<800x7xf32, #tpu.memory_space<hbm>>) dst(%arg15 : memref<800x7xf32, #tpu.memory_space<vmem>>)
    %dma_wait3A_69 = arith.constant 0 : i32
    %dma_wait3A_70 = arith.constant 0 : i32
    %dma_wait3A_71 = tpu.memref_slice %arg6[%dma_wait3A_69, %dma_wait3A_70] : memref<3200000x6xf32, #tpu.memory_space<hbm>> -> memref<800x6xf32, #tpu.memory_space<hbm>>
    %dma_wait3A_72 = arith.constant 0 : i32
    %dma_wait3A_73 = arith.constant 0 : i32
    %dma_wait3A_74 = tpu.memref_slice %arg6[%dma_wait3A_72, %dma_wait3A_73] : memref<3200000x6xf32, #tpu.memory_space<hbm>> -> memref<800x6xf32, #tpu.memory_space<hbm>>
    tpu.wait_dma2 semaphore(%arg23 : memref<!tpu.dma_semaphore, #tpu.memory_space<semaphore_mem>>) src(%arg17 : memref<800x6xf32, #tpu.memory_space<vmem>>) dst(%dma_wait3A_74 : memref<800x6xf32, #tpu.memory_space<hbm>>)
    %scan3A_75 = arith.constant 0 : i32
    %scan3A_76 = arith.constant 0 : i32
    %scan3A_77 = arith.constant 50 : i32
    %scan3A_78 = arith.addi %scan3A_76, %scan3A_77 : i32
    %scan3A_79 = arith.constant 1 : i32
    scf.for %scan3A_99 = %scan3A_76 to %scan3A_78 step %scan3A_79  : i32 {
      %mul3A_100 = arith.constant 16 : i32
      %mul3A_101 = arith.muli %scan3A_99, %mul3A_100 : i32
      %add3A_102 = vector.broadcast %mul3A_101 : i32 to vector<16xi32>
      %add3A_103 = arith.addi %add3A_102, %iota3A : vector<16xi32>
      %gather3A = tpu.vector_load_idx %arg11[%add3A_103, %broadcast_in_dim3A_3] : memref<800x8xf32, #tpu.memory_space<vmem>>[vector<16xi32>, vector<16xi32>], vector<16xf32>,
      %gather3A_104 = tpu.vector_load_idx %arg11[%add3A_103, %broadcast_in_dim3A_5] : memref<800x8xf32, #tpu.memory_space<vmem>>[vector<16xi32>, vector<16xi32>], vector<16xf32>,
      %gather3A_105 = tpu.vector_load_idx %arg11[%add3A_103, %broadcast_in_dim3A_7] : memref<800x8xf32, #tpu.memory_space<vmem>>[vector<16xi32>, vector<16xi32>], vector<16xf32>,
      %gather3A_106 = tpu.vector_load_idx %arg11[%add3A_103, %broadcast_in_dim3A_9] : memref<800x8xf32, #tpu.memory_space<vmem>>[vector<16xi32>, vector<16xi32>], vector<16xf32>,
      %gather3A_107 = tpu.vector_load_idx %arg11[%add3A_103, %broadcast_in_dim3A_11] : memref<800x8xf32, #tpu.memory_space<vmem>>[vector<16xi32>, vector<16xi32>], vector<16xf32>,
      %gather3A_108 = tpu.vector_load_idx %arg11[%add3A_103, %broadcast_in_dim3A_13] : memref<800x8xf32, #tpu.memory_space<vmem>>[vector<16xi32>, vector<16xi32>], vector<16xf32>,
      %gather3A_109 = tpu.vector_load_idx %arg11[%add3A_103, %broadcast_in_dim3A_15] : memref<800x8xf32, #tpu.memory_space<vmem>>[vector<16xi32>, vector<16xi32>], vector<16xf32>,
      %gather3A_110 = tpu.vector_load_idx %arg13[%add3A_103, %broadcast_in_dim3A_3] : memref<800x8xf32, #tpu.memory_space<vmem>>[vector<16xi32>, vector<16xi32>], vector<16xf32>,
      %gather3A_111 = tpu.vector_load_idx %arg13[%add3A_103, %broadcast_in_dim3A_5] : memref<800x8xf32, #tpu.memory_space<vmem>>[vector<16xi32>, vector<16xi32>], vector<16xf32>,
      %gather3A_112 = tpu.vector_load_idx %arg13[%add3A_103, %broadcast_in_dim3A_7] : memref<800x8xf32, #tpu.memory_space<vmem>>[vector<16xi32>, vector<16xi32>], vector<16xf32>,
      %gather3A_113 = tpu.vector_load_idx %arg13[%add3A_103, %broadcast_in_dim3A_9] : memref<800x8xf32, #tpu.memory_space<vmem>>[vector<16xi32>, vector<16xi32>], vector<16xf32>,
      %gather3A_114 = tpu.vector_load_idx %arg13[%add3A_103, %broadcast_in_dim3A_11] : memref<800x8xf32, #tpu.memory_space<vmem>>[vector<16xi32>, vector<16xi32>], vector<16xf32>,
      %gather3A_115 = tpu.vector_load_idx %arg13[%add3A_103, %broadcast_in_dim3A_13] : memref<800x8xf32, #tpu.memory_space<vmem>>[vector<16xi32>, vector<16xi32>], vector<16xf32>,
      %gather3A_116 = tpu.vector_load_idx %arg13[%add3A_103, %broadcast_in_dim3A_15] : memref<800x8xf32, #tpu.memory_space<vmem>>[vector<16xi32>, vector<16xi32>], vector<16xf32>,
      %gather3A_117 = tpu.vector_load_idx %arg15[%add3A_103, %broadcast_in_dim3A_3] : memref<800x7xf32, #tpu.memory_space<vmem>>[vector<16xi32>, vector<16xi32>], vector<16xf32>,
      %gather3A_118 = tpu.vector_load_idx %arg15[%add3A_103, %broadcast_in_dim3A_5] : memref<800x7xf32, #tpu.memory_space<vmem>>[vector<16xi32>, vector<16xi32>], vector<16xf32>,
      %gather3A_119 = tpu.vector_load_idx %arg15[%add3A_103, %broadcast_in_dim3A_7] : memref<800x7xf32, #tpu.memory_space<vmem>>[vector<16xi32>, vector<16xi32>], vector<16xf32>,
      %gather3A_120 = tpu.vector_load_idx %arg15[%add3A_103, %broadcast_in_dim3A_9] : memref<800x7xf32, #tpu.memory_space<vmem>>[vector<16xi32>, vector<16xi32>], vector<16xf32>,
      %gather3A_121 = tpu.vector_load_idx %arg15[%add3A_103, %broadcast_in_dim3A_11] : memref<800x7xf32, #tpu.memory_space<vmem>>[vector<16xi32>, vector<16xi32>], vector<16xf32>,
      %gather3A_122 = tpu.vector_load_idx %arg15[%add3A_103, %broadcast_in_dim3A_13] : memref<800x7xf32, #tpu.memory_space<vmem>>[vector<16xi32>, vector<16xi32>], vector<16xf32>,
      %gather3A_123 = tpu.vector_load_idx %arg15[%add3A_103, %broadcast_in_dim3A_15] : memref<800x7xf32, #tpu.memory_space<vmem>>[vector<16xi32>, vector<16xi32>], vector<16xf32>,
      %neg3A = arith.constant 0.000000e+00 : f32
      %neg3A_124 = vector.broadcast %neg3A : f32 to vector<16xf32>
      %neg3A_125 = arith.subf %neg3A_124, %gather3A_106 : vector<16xf32>
      %neg3A_126 = arith.constant 0.000000e+00 : f32
      %neg3A_127 = vector.broadcast %neg3A_126 : f32 to vector<16xf32>
      %neg3A_128 = arith.subf %neg3A_127, %gather3A_107 : vector<16xf32>
      %neg3A_129 = arith.constant 0.000000e+00 : f32
      %neg3A_130 = vector.broadcast %neg3A_129 : f32 to vector<16xf32>
      %neg3A_131 = arith.subf %neg3A_130, %gather3A_108 : vector<16xf32>
      %sub3A = arith.subf %gather3A_110, %gather3A : vector<16xf32>
      %sub3A_132 = arith.subf %gather3A_111, %gather3A_104 : vector<16xf32>
      %sub3A_133 = arith.subf %gather3A_112, %gather3A_105 : vector<16xf32>
      %mul3A_134 = arith.mulf %neg3A_128, %sub3A_133 : vector<16xf32>
      %mul3A_135 = arith.mulf %neg3A_131, %sub3A_132 : vector<16xf32>
      %sub3A_136 = arith.subf %mul3A_134, %mul3A_135 : vector<16xf32>
      %mul3A_137 = arith.mulf %neg3A_131, %sub3A : vector<16xf32>
      %mul3A_138 = arith.mulf %neg3A_125, %sub3A_133 : vector<16xf32>
      %sub3A_139 = arith.subf %mul3A_137, %mul3A_138 : vector<16xf32>
      %mul3A_140 = arith.mulf %neg3A_125, %sub3A_132 : vector<16xf32>
      %mul3A_141 = arith.mulf %neg3A_128, %sub3A : vector<16xf32>
      %sub3A_142 = arith.subf %mul3A_140, %mul3A_141 : vector<16xf32>
      %mul3A_143 = arith.constant 2.000000e+00 : f32
      %mul3A_144 = vector.broadcast %mul3A_143 : f32 to vector<16xf32>
      %mul3A_145 = arith.mulf %mul3A_144, %sub3A_136 : vector<16xf32>
      %mul3A_146 = arith.constant 2.000000e+00 : f32
      %mul3A_147 = vector.broadcast %mul3A_146 : f32 to vector<16xf32>
      %mul3A_148 = arith.mulf %mul3A_147, %sub3A_139 : vector<16xf32>
      %mul3A_149 = arith.constant 2.000000e+00 : f32
      %mul3A_150 = vector.broadcast %mul3A_149 : f32 to vector<16xf32>
      %mul3A_151 = arith.mulf %mul3A_150, %sub3A_142 : vector<16xf32>
      %mul3A_152 = arith.mulf %neg3A_128, %mul3A_151 : vector<16xf32>
      %mul3A_153 = arith.mulf %neg3A_131, %mul3A_148 : vector<16xf32>
      %sub3A_154 = arith.subf %mul3A_152, %mul3A_153 : vector<16xf32>
      %mul3A_155 = arith.mulf %neg3A_131, %mul3A_145 : vector<16xf32>
      %mul3A_156 = arith.mulf %neg3A_125, %mul3A_151 : vector<16xf32>
      %sub3A_157 = arith.subf %mul3A_155, %mul3A_156 : vector<16xf32>
      %mul3A_158 = arith.mulf %neg3A_125, %mul3A_148 : vector<16xf32>
      %mul3A_159 = arith.mulf %neg3A_128, %mul3A_145 : vector<16xf32>
      %sub3A_160 = arith.subf %mul3A_158, %mul3A_159 : vector<16xf32>
      %mul3A_161 = arith.mulf %gather3A_109, %mul3A_145 : vector<16xf32>
      %add3A_162 = arith.addf %sub3A, %mul3A_161 : vector<16xf32>
      %add3A_163 = arith.addf %add3A_162, %sub3A_154 : vector<16xf32>
      %mul3A_164 = arith.mulf %gather3A_109, %mul3A_148 : vector<16xf32>
      %add3A_165 = arith.addf %sub3A_132, %mul3A_164 : vector<16xf32>
      %add3A_166 = arith.addf %add3A_165, %sub3A_157 : vector<16xf32>
      %mul3A_167 = arith.mulf %gather3A_109, %mul3A_151 : vector<16xf32>
      %add3A_168 = arith.addf %sub3A_133, %mul3A_167 : vector<16xf32>
      %add3A_169 = arith.addf %add3A_168, %sub3A_160 : vector<16xf32>
      %mul3A_170 = arith.mulf %gather3A_109, %gather3A_113 : vector<16xf32>
      %mul3A_171 = arith.mulf %neg3A_125, %gather3A_116 : vector<16xf32>
      %add3A_172 = arith.addf %mul3A_170, %mul3A_171 : vector<16xf32>
      %mul3A_173 = arith.mulf %neg3A_128, %gather3A_115 : vector<16xf32>
      %add3A_174 = arith.addf %add3A_172, %mul3A_173 : vector<16xf32>
      %mul3A_175 = arith.mulf %neg3A_131, %gather3A_114 : vector<16xf32>
      %sub3A_176 = arith.subf %add3A_174, %mul3A_175 : vector<16xf32>
      %mul3A_177 = arith.mulf %gather3A_109, %gather3A_114 : vector<16xf32>
      %mul3A_178 = arith.mulf %neg3A_125, %gather3A_115 : vector<16xf32>
      %sub3A_179 = arith.subf %mul3A_177, %mul3A_178 : vector<16xf32>
      %mul3A_180 = arith.mulf %neg3A_128, %gather3A_116 : vector<16xf32>
      %add3A_181 = arith.addf %sub3A_179, %mul3A_180 : vector<16xf32>
      %mul3A_182 = arith.mulf %neg3A_131, %gather3A_113 : vector<16xf32>
      %add3A_183 = arith.addf %add3A_181, %mul3A_182 : vector<16xf32>
      %mul3A_184 = arith.mulf %gather3A_109, %gather3A_115 : vector<16xf32>
      %mul3A_185 = arith.mulf %neg3A_125, %gather3A_114 : vector<16xf32>
      %add3A_186 = arith.addf %mul3A_184, %mul3A_185 : vector<16xf32>
      %mul3A_187 = arith.mulf %neg3A_128, %gather3A_113 : vector<16xf32>
      %sub3A_188 = arith.subf %add3A_186, %mul3A_187 : vector<16xf32>
      %mul3A_189 = arith.mulf %neg3A_131, %gather3A_116 : vector<16xf32>
      %add3A_190 = arith.addf %sub3A_188, %mul3A_189 : vector<16xf32>
      %mul3A_191 = arith.mulf %gather3A_109, %gather3A_116 : vector<16xf32>
      %mul3A_192 = arith.mulf %neg3A_125, %gather3A_113 : vector<16xf32>
      %sub3A_193 = arith.subf %mul3A_191, %mul3A_192 : vector<16xf32>
      %mul3A_194 = arith.mulf %neg3A_128, %gather3A_114 : vector<16xf32>
      %sub3A_195 = arith.subf %sub3A_193, %mul3A_194 : vector<16xf32>
      %mul3A_196 = arith.mulf %neg3A_131, %gather3A_115 : vector<16xf32>
      %sub3A_197 = arith.subf %sub3A_195, %mul3A_196 : vector<16xf32>
      %neg3A_198 = arith.constant 0.000000e+00 : f32
      %neg3A_199 = vector.broadcast %neg3A_198 : f32 to vector<16xf32>
      %neg3A_200 = arith.subf %neg3A_199, %gather3A_120 : vector<16xf32>
      %neg3A_201 = arith.constant 0.000000e+00 : f32
      %neg3A_202 = vector.broadcast %neg3A_201 : f32 to vector<16xf32>
      %neg3A_203 = arith.subf %neg3A_202, %gather3A_121 : vector<16xf32>
      %neg3A_204 = arith.constant 0.000000e+00 : f32
      %neg3A_205 = vector.broadcast %neg3A_204 : f32 to vector<16xf32>
      %neg3A_206 = arith.subf %neg3A_205, %gather3A_122 : vector<16xf32>
      %mul3A_207 = arith.mulf %sub3A_197, %neg3A_200 : vector<16xf32>
      %mul3A_208 = arith.mulf %sub3A_176, %gather3A_123 : vector<16xf32>
      %add3A_209 = arith.addf %mul3A_207, %mul3A_208 : vector<16xf32>
      %mul3A_210 = arith.mulf %add3A_183, %neg3A_206 : vector<16xf32>
      %add3A_211 = arith.addf %add3A_209, %mul3A_210 : vector<16xf32>
      %mul3A_212 = arith.mulf %add3A_190, %neg3A_203 : vector<16xf32>
      %sub3A_213 = arith.subf %add3A_211, %mul3A_212 : vector<16xf32>
      %mul3A_214 = arith.mulf %sub3A_197, %neg3A_203 : vector<16xf32>
      %mul3A_215 = arith.mulf %sub3A_176, %neg3A_206 : vector<16xf32>
      %sub3A_216 = arith.subf %mul3A_214, %mul3A_215 : vector<16xf32>
      %mul3A_217 = arith.mulf %add3A_183, %gather3A_123 : vector<16xf32>
      %add3A_218 = arith.addf %sub3A_216, %mul3A_217 : vector<16xf32>
      %mul3A_219 = arith.mulf %add3A_190, %neg3A_200 : vector<16xf32>
      %add3A_220 = arith.addf %add3A_218, %mul3A_219 : vector<16xf32>
      %mul3A_221 = arith.mulf %sub3A_197, %neg3A_206 : vector<16xf32>
      %mul3A_222 = arith.mulf %sub3A_176, %neg3A_203 : vector<16xf32>
      %add3A_223 = arith.addf %mul3A_221, %mul3A_222 : vector<16xf32>
      %mul3A_224 = arith.mulf %add3A_183, %neg3A_200 : vector<16xf32>
      %sub3A_225 = arith.subf %add3A_223, %mul3A_224 : vector<16xf32>
      %mul3A_226 = arith.mulf %add3A_190, %gather3A_123 : vector<16xf32>
      %add3A_227 = arith.addf %sub3A_225, %mul3A_226 : vector<16xf32>
      %mul3A_228 = arith.mulf %sub3A_197, %gather3A_123 : vector<16xf32>
      %mul3A_229 = arith.mulf %sub3A_176, %neg3A_200 : vector<16xf32>
      %sub3A_230 = arith.subf %mul3A_228, %mul3A_229 : vector<16xf32>
      %mul3A_231 = arith.mulf %add3A_183, %neg3A_203 : vector<16xf32>
      %sub3A_232 = arith.subf %sub3A_230, %mul3A_231 : vector<16xf32>
      %mul3A_233 = arith.mulf %add3A_190, %neg3A_206 : vector<16xf32>
      %sub3A_234 = arith.subf %sub3A_232, %mul3A_233 : vector<16xf32>
      %mul3A_235 = arith.mulf %add3A_220, %gather3A_119 : vector<16xf32>
      %mul3A_236 = arith.mulf %add3A_227, %gather3A_118 : vector<16xf32>
      %sub3A_237 = arith.subf %mul3A_235, %mul3A_236 : vector<16xf32>
      %mul3A_238 = arith.mulf %add3A_227, %gather3A_117 : vector<16xf32>
      %mul3A_239 = arith.mulf %sub3A_213, %gather3A_119 : vector<16xf32>
      %sub3A_240 = arith.subf %mul3A_238, %mul3A_239 : vector<16xf32>
      %mul3A_241 = arith.mulf %sub3A_213, %gather3A_118 : vector<16xf32>
      %mul3A_242 = arith.mulf %add3A_220, %gather3A_117 : vector<16xf32>
      %sub3A_243 = arith.subf %mul3A_241, %mul3A_242 : vector<16xf32>
      %mul3A_244 = arith.constant 2.000000e+00 : f32
      %mul3A_245 = vector.broadcast %mul3A_244 : f32 to vector<16xf32>
      %mul3A_246 = arith.mulf %mul3A_245, %sub3A_237 : vector<16xf32>
      %mul3A_247 = arith.constant 2.000000e+00 : f32
      %mul3A_248 = vector.broadcast %mul3A_247 : f32 to vector<16xf32>
      %mul3A_249 = arith.mulf %mul3A_248, %sub3A_240 : vector<16xf32>
      %mul3A_250 = arith.constant 2.000000e+00 : f32
      %mul3A_251 = vector.broadcast %mul3A_250 : f32 to vector<16xf32>
      %mul3A_252 = arith.mulf %mul3A_251, %sub3A_243 : vector<16xf32>
      %mul3A_253 = arith.mulf %add3A_220, %mul3A_252 : vector<16xf32>
      %mul3A_254 = arith.mulf %add3A_227, %mul3A_249 : vector<16xf32>
      %sub3A_255 = arith.subf %mul3A_253, %mul3A_254 : vector<16xf32>
      %mul3A_256 = arith.mulf %add3A_227, %mul3A_246 : vector<16xf32>
      %mul3A_257 = arith.mulf %sub3A_213, %mul3A_252 : vector<16xf32>
      %sub3A_258 = arith.subf %mul3A_256, %mul3A_257 : vector<16xf32>
      %mul3A_259 = arith.mulf %sub3A_213, %mul3A_249 : vector<16xf32>
      %mul3A_260 = arith.mulf %add3A_220, %mul3A_246 : vector<16xf32>
      %sub3A_261 = arith.subf %mul3A_259, %mul3A_260 : vector<16xf32>
      %mul3A_262 = arith.mulf %sub3A_234, %mul3A_246 : vector<16xf32>
      %add3A_263 = arith.addf %gather3A_117, %mul3A_262 : vector<16xf32>
      %add3A_264 = arith.addf %add3A_263, %sub3A_255 : vector<16xf32>
      %mul3A_265 = arith.mulf %sub3A_234, %mul3A_249 : vector<16xf32>
      %add3A_266 = arith.addf %gather3A_118, %mul3A_265 : vector<16xf32>
      %add3A_267 = arith.addf %add3A_266, %sub3A_258 : vector<16xf32>
      %mul3A_268 = arith.mulf %sub3A_234, %mul3A_252 : vector<16xf32>
      %add3A_269 = arith.addf %gather3A_119, %mul3A_268 : vector<16xf32>
      %add3A_270 = arith.addf %add3A_269, %sub3A_261 : vector<16xf32>
      %sub3A_271 = arith.subf %add3A_163, %add3A_264 : vector<16xf32>
      %sub3A_272 = arith.subf %add3A_166, %add3A_267 : vector<16xf32>
      %sub3A_273 = arith.subf %add3A_169, %add3A_270 : vector<16xf32>
      %lt3A = arith.constant 0.000000e+00 : f32
      %lt3A_274 = vector.broadcast %lt3A : f32 to vector<16xf32>
      %lt3A_275 = arith.cmpf olt, %sub3A_234, %lt3A_274 : vector<16xf32>
      %broadcast_in_dim3A_276 = arith.constant -1.000000e+00 : f32
      %broadcast_in_dim3A_277 = vector.broadcast %broadcast_in_dim3A_276 : f32 to vector<16xf32>
      %broadcast_in_dim3A_278 = arith.constant 1.000000e+00 : f32
      %broadcast_in_dim3A_279 = vector.broadcast %broadcast_in_dim3A_278 : f32 to vector<16xf32>
      %select_n3A = arith.select %lt3A_275, %broadcast_in_dim3A_277, %broadcast_in_dim3A_279 : vector<16xi1>, vector<16xf32>
      %mul3A_280 = arith.mulf %select_n3A, %sub3A_213 : vector<16xf32>
      %mul3A_281 = arith.mulf %select_n3A, %add3A_220 : vector<16xf32>
      %mul3A_282 = arith.mulf %select_n3A, %add3A_227 : vector<16xf32>
      %mul3A_283 = arith.mulf %select_n3A, %sub3A_234 : vector<16xf32>
      %mul3A_284 = arith.mulf %mul3A_280, %mul3A_280 : vector<16xf32>
      %mul3A_285 = arith.mulf %mul3A_281, %mul3A_281 : vector<16xf32>
      %add3A_286 = arith.addf %mul3A_284, %mul3A_285 : vector<16xf32>
      %mul3A_287 = arith.mulf %mul3A_282, %mul3A_282 : vector<16xf32>
      %add3A_288 = arith.addf %add3A_286, %mul3A_287 : vector<16xf32>
      %add3A_289 = arith.constant 1.000000e-24 : f32
      %add3A_290 = vector.broadcast %add3A_289 : f32 to vector<16xf32>
      %add3A_291 = arith.addf %add3A_288, %add3A_290 : vector<16xf32>
      %bitcast3A = vector.bitcast %add3A_291 : vector<16xf32> to vector<16xi32>
      %shift_right_arithmetic3A = arith.constant 1 : i32
      %shift_right_arithmetic3A_292 = vector.broadcast %shift_right_arithmetic3A : i32 to vector<16xi32>
      %shift_right_arithmetic3A_293 = arith.shrsi %bitcast3A, %shift_right_arithmetic3A_292 : vector<16xi32>
      %sub3A_294 = arith.constant 1597463007 : i32
      %sub3A_295 = vector.broadcast %sub3A_294 : i32 to vector<16xi32>
      %sub3A_296 = arith.subi %sub3A_295, %shift_right_arithmetic3A_293 : vector<16xi32>
      %bitcast3A_297 = vector.bitcast %sub3A_296 : vector<16xi32> to vector<16xf32>
      %mul3A_298 = arith.constant 5.000000e-01 : f32
      %mul3A_299 = vector.broadcast %mul3A_298 : f32 to vector<16xf32>
      %mul3A_300 = arith.mulf %mul3A_299, %add3A_291 : vector<16xf32>
      %mul3A_301 = arith.mulf %mul3A_300, %bitcast3A_297 : vector<16xf32>
      %mul3A_302 = arith.mulf %mul3A_301, %bitcast3A_297 : vector<16xf32>
      %sub3A_303 = arith.constant 1.500000e+00 : f32
      %sub3A_304 = vector.broadcast %sub3A_303 : f32 to vector<16xf32>
      %sub3A_305 = arith.subf %sub3A_304, %mul3A_302 : vector<16xf32>
      %mul3A_306 = arith.mulf %bitcast3A_297, %sub3A_305 : vector<16xf32>
      %mul3A_307 = arith.mulf %mul3A_300, %mul3A_306 : vector<16xf32>
      %mul3A_308 = arith.mulf %mul3A_307, %mul3A_306 : vector<16xf32>
      %sub3A_309 = arith.constant 1.500000e+00 : f32
      %sub3A_310 = vector.broadcast %sub3A_309 : f32 to vector<16xf32>
      %sub3A_311 = arith.subf %sub3A_310, %mul3A_308 : vector<16xf32>
      %mul3A_312 = arith.mulf %mul3A_306, %sub3A_311 : vector<16xf32>
      %mul3A_313 = arith.mulf %mul3A_300, %mul3A_312 : vector<16xf32>
      %mul3A_314 = arith.mulf %mul3A_313, %mul3A_312 : vector<16xf32>
      %sub3A_315 = arith.constant 1.500000e+00 : f32
      %sub3A_316 = vector.broadcast %sub3A_315 : f32 to vector<16xf32>
      %sub3A_317 = arith.subf %sub3A_316, %mul3A_314 : vector<16xf32>
      %mul3A_318 = arith.mulf %mul3A_312, %sub3A_317 : vector<16xf32>
      %mul3A_319 = arith.mulf %add3A_291, %mul3A_318 : vector<16xf32>
      %min3A = arith.minimumf %mul3A_319, %mul3A_283 : vector<16xf32>
      %max3A = arith.maximumf %mul3A_319, %mul3A_283 : vector<16xf32>
      %max3A_320 = arith.constant 1.000000e-30 : f32
      %max3A_321 = vector.broadcast %max3A_320 : f32 to vector<16xf32>
      %max3A_322 = arith.maximumf %max3A, %max3A_321 : vector<16xf32>
      %div3A = arith.divf %min3A, %max3A_322 : vector<16xf32>
      %mul3A_323 = arith.mulf %div3A, %div3A : vector<16xf32>
      %broadcast_in_dim3A_324 = arith.constant 0.00782548263 : f32
      %broadcast_in_dim3A_325 = vector.broadcast %broadcast_in_dim3A_324 : f32 to vector<16xf32>
      %mul3A_326 = arith.mulf %broadcast_in_dim3A_325, %mul3A_323 : vector<16xf32>
      %add3A_327 = arith.constant -0.0368986279 : f32
      %add3A_328 = vector.broadcast %add3A_327 : f32 to vector<16xf32>
      %add3A_329 = arith.addf %mul3A_326, %add3A_328 : vector<16xf32>
      %mul3A_330 = arith.mulf %add3A_329, %mul3A_323 : vector<16xf32>
      %add3A_331 = arith.constant 0.0837415531 : f32
      %add3A_332 = vector.broadcast %add3A_331 : f32 to vector<16xf32>
      %add3A_333 = arith.addf %mul3A_330, %add3A_332 : vector<16xf32>
      %mul3A_334 = arith.mulf %add3A_333, %mul3A_323 : vector<16xf32>
      %add3A_335 = arith.constant -0.134804055 : f32
      %add3A_336 = vector.broadcast %add3A_335 : f32 to vector<16xf32>
      %add3A_337 = arith.addf %mul3A_334, %add3A_336 : vector<16xf32>
      %mul3A_338 = arith.mulf %add3A_337, %mul3A_323 : vector<16xf32>
      %add3A_339 = arith.constant 0.198798716 : f32
      %add3A_340 = vector.broadcast %add3A_339 : f32 to vector<16xf32>
      %add3A_341 = arith.addf %mul3A_338, %add3A_340 : vector<16xf32>
      %mul3A_342 = arith.mulf %add3A_341, %mul3A_323 : vector<16xf32>
      %add3A_343 = arith.constant -0.333263755 : f32
      %add3A_344 = vector.broadcast %add3A_343 : f32 to vector<16xf32>
      %add3A_345 = arith.addf %mul3A_342, %add3A_344 : vector<16xf32>
      %mul3A_346 = arith.mulf %add3A_345, %mul3A_323 : vector<16xf32>
      %add3A_347 = arith.constant 0.999999344 : f32
      %add3A_348 = vector.broadcast %add3A_347 : f32 to vector<16xf32>
      %add3A_349 = arith.addf %mul3A_346, %add3A_348 : vector<16xf32>
      %mul3A_350 = arith.mulf %add3A_349, %div3A : vector<16xf32>
      %gt3A = arith.cmpf ogt, %mul3A_319, %mul3A_283 : vector<16xf32>
      %sub3A_351 = arith.constant 1.57079637 : f32
      %sub3A_352 = vector.broadcast %sub3A_351 : f32 to vector<16xf32>
      %sub3A_353 = arith.subf %sub3A_352, %mul3A_350 : vector<16xf32>
      %select_n3A_354 = arith.select %gt3A, %sub3A_353, %mul3A_350 : vector<16xi1>, vector<16xf32>
      %mul3A_355 = arith.constant 2.000000e+00 : f32
      %mul3A_356 = vector.broadcast %mul3A_355 : f32 to vector<16xf32>
      %mul3A_357 = arith.mulf %mul3A_356, %select_n3A_354 : vector<16xf32>
      %lt3A_358 = arith.constant 9.99999997E-7 : f32
      %lt3A_359 = vector.broadcast %lt3A_358 : f32 to vector<16xf32>
      %lt3A_360 = arith.cmpf olt, %mul3A_319, %lt3A_359 : vector<16xf32>
      %max3A_361 = arith.constant 9.99999997E-7 : f32
      %max3A_362 = vector.broadcast %max3A_361 : f32 to vector<16xf32>
      %max3A_363 = arith.maximumf %mul3A_283, %max3A_362 : vector<16xf32>
      %div3A_364 = arith.constant 2.000000e+00 : f32
      %div3A_365 = vector.broadcast %div3A_364 : f32 to vector<16xf32>
      %div3A_366 = arith.divf %div3A_365, %max3A_363 : vector<16xf32>
      %mul3A_367 = arith.mulf %mul3A_357, %mul3A_318 : vector<16xf32>
      %select_n3A_368 = arith.select %lt3A_360, %div3A_366, %mul3A_367 : vector<16xi1>, vector<16xf32>
      %mul3A_369 = arith.mulf %select_n3A_368, %mul3A_280 : vector<16xf32>
      %mul3A_370 = arith.mulf %select_n3A_368, %mul3A_281 : vector<16xf32>
      %mul3A_371 = arith.mulf %select_n3A_368, %mul3A_282 : vector<16xf32>
      %mul3A_372 = arith.mulf %mul3A_319, %mul3A_319 : vector<16xf32>
      %mul3A_373 = arith.mulf %mul3A_283, %mul3A_283 : vector<16xf32>
      %add3A_374 = arith.addf %mul3A_372, %mul3A_373 : vector<16xf32>
      %div3A_375 = arith.constant 1.000000e+00 : f32
      %div3A_376 = vector.broadcast %div3A_375 : f32 to vector<16xf32>
      %div3A_377 = arith.divf %div3A_376, %add3A_374 : vector<16xf32>
      %mul3A_378 = arith.constant 2.000000e+00 : f32
      %mul3A_379 = vector.broadcast %mul3A_378 : f32 to vector<16xf32>
      %mul3A_380 = arith.mulf %mul3A_379, %mul3A_372 : vector<16xf32>
      %mul3A_381 = arith.mulf %mul3A_380, %div3A_377 : vector<16xf32>
      %mul3A_382 = arith.constant 2.000000e+00 : f32
      %mul3A_383 = vector.broadcast %mul3A_382 : f32 to vector<16xf32>
      %mul3A_384 = arith.mulf %mul3A_383, %mul3A_319 : vector<16xf32>
      %mul3A_385 = arith.mulf %mul3A_384, %mul3A_283 : vector<16xf32>
      %mul3A_386 = arith.mulf %mul3A_385, %div3A_377 : vector<16xf32>
      %mul3A_387 = arith.mulf %mul3A_357, %mul3A_357 : vector<16xf32>
      %mul3A_388 = arith.constant 2.000000e+00 : f32
      %mul3A_389 = vector.broadcast %mul3A_388 : f32 to vector<16xf32>
      %mul3A_390 = arith.mulf %mul3A_389, %mul3A_387 : vector<16xf32>
      %mul3A_391 = arith.mulf %mul3A_390, %mul3A_381 : vector<16xf32>
      %broadcast_in_dim3A_392 = arith.constant 1.000000e+00 : f32
      %broadcast_in_dim3A_393 = vector.broadcast %broadcast_in_dim3A_392 : f32 to vector<16xf32>
      %select_n3A_394 = arith.select %lt3A_360, %broadcast_in_dim3A_393, %mul3A_391 : vector<16xi1>, vector<16xf32>
      %broadcast_in_dim3A_395 = arith.constant 0.0833333358 : f32
      %broadcast_in_dim3A_396 = vector.broadcast %broadcast_in_dim3A_395 : f32 to vector<16xf32>
      %mul3A_397 = arith.constant 2.000000e+00 : f32
      %mul3A_398 = vector.broadcast %mul3A_397 : f32 to vector<16xf32>
      %mul3A_399 = arith.mulf %mul3A_398, %mul3A_381 : vector<16xf32>
      %mul3A_400 = arith.mulf %mul3A_357, %mul3A_386 : vector<16xf32>
      %sub3A_401 = arith.subf %mul3A_399, %mul3A_400 : vector<16xf32>
      %div3A_402 = arith.divf %sub3A_401, %select_n3A_394 : vector<16xf32>
      %select_n3A_403 = arith.select %lt3A_360, %broadcast_in_dim3A_396, %div3A_402 : vector<16xi1>, vector<16xf32>
      %mul3A_404 = arith.mulf %mul3A_370, %sub3A_273 : vector<16xf32>
      %mul3A_405 = arith.mulf %mul3A_371, %sub3A_272 : vector<16xf32>
      %sub3A_406 = arith.subf %mul3A_404, %mul3A_405 : vector<16xf32>
      %mul3A_407 = arith.mulf %mul3A_371, %sub3A_271 : vector<16xf32>
      %mul3A_408 = arith.mulf %mul3A_369, %sub3A_273 : vector<16xf32>
      %sub3A_409 = arith.subf %mul3A_407, %mul3A_408 : vector<16xf32>
      %mul3A_410 = arith.mulf %mul3A_369, %sub3A_272 : vector<16xf32>
      %mul3A_411 = arith.mulf %mul3A_370, %sub3A_271 : vector<16xf32>
      %sub3A_412 = arith.subf %mul3A_410, %mul3A_411 : vector<16xf32>
      %mul3A_413 = arith.mulf %mul3A_370, %sub3A_412 : vector<16xf32>
      %mul3A_414 = arith.mulf %mul3A_371, %sub3A_409 : vector<16xf32>
      %sub3A_415 = arith.subf %mul3A_413, %mul3A_414 : vector<16xf32>
      %mul3A_416 = arith.mulf %mul3A_371, %sub3A_406 : vector<16xf32>
      %mul3A_417 = arith.mulf %mul3A_369, %sub3A_412 : vector<16xf32>
      %sub3A_418 = arith.subf %mul3A_416, %mul3A_417 : vector<16xf32>
      %mul3A_419 = arith.mulf %mul3A_369, %sub3A_409 : vector<16xf32>
      %mul3A_420 = arith.mulf %mul3A_370, %sub3A_406 : vector<16xf32>
      %sub3A_421 = arith.subf %mul3A_419, %mul3A_420 : vector<16xf32>
      %mul3A_422 = arith.constant 5.000000e-01 : f32
      %mul3A_423 = vector.broadcast %mul3A_422 : f32 to vector<16xf32>
      %mul3A_424 = arith.mulf %mul3A_423, %sub3A_406 : vector<16xf32>
      %sub3A_425 = arith.subf %sub3A_271, %mul3A_424 : vector<16xf32>
      %mul3A_426 = arith.mulf %select_n3A_403, %sub3A_415 : vector<16xf32>
      %add3A_427 = arith.addf %sub3A_425, %mul3A_426 : vector<16xf32>
      %mul3A_428 = arith.constant 5.000000e-01 : f32
      %mul3A_429 = vector.broadcast %mul3A_428 : f32 to vector<16xf32>
      %mul3A_430 = arith.mulf %mul3A_429, %sub3A_409 : vector<16xf32>
      %sub3A_431 = arith.subf %sub3A_272, %mul3A_430 : vector<16xf32>
      %mul3A_432 = arith.mulf %select_n3A_403, %sub3A_418 : vector<16xf32>
      %add3A_433 = arith.addf %sub3A_431, %mul3A_432 : vector<16xf32>
      %mul3A_434 = arith.constant 5.000000e-01 : f32
      %mul3A_435 = vector.broadcast %mul3A_434 : f32 to vector<16xf32>
      %mul3A_436 = arith.mulf %mul3A_435, %sub3A_412 : vector<16xf32>
      %sub3A_437 = arith.subf %sub3A_273, %mul3A_436 : vector<16xf32>
      %mul3A_438 = arith.mulf %select_n3A_403, %sub3A_421 : vector<16xf32>
      %add3A_439 = arith.addf %sub3A_437, %mul3A_438 : vector<16xf32>
      tpu.vector_store_idx %arg17[%add3A_103, %broadcast_in_dim3A_3], %add3A_427 : memref<800x6xf32, #tpu.memory_space<vmem>>[vector<16xi32>, vector<16xi32>], vector<16xf32>,
      tpu.vector_store_idx %arg17[%add3A_103, %broadcast_in_dim3A_5], %add3A_433 : memref<800x6xf32, #tpu.memory_space<vmem>>[vector<16xi32>, vector<16xi32>], vector<16xf32>,
      tpu.vector_store_idx %arg17[%add3A_103, %broadcast_in_dim3A_7], %add3A_439 : memref<800x6xf32, #tpu.memory_space<vmem>>[vector<16xi32>, vector<16xi32>], vector<16xf32>,
      tpu.vector_store_idx %arg17[%add3A_103, %broadcast_in_dim3A_9], %mul3A_369 : memref<800x6xf32, #tpu.memory_space<vmem>>[vector<16xi32>, vector<16xi32>], vector<16xf32>,
      tpu.vector_store_idx %arg17[%add3A_103, %broadcast_in_dim3A_11], %mul3A_370 : memref<800x6xf32, #tpu.memory_space<vmem>>[vector<16xi32>, vector<16xi32>], vector<16xf32>,
      tpu.vector_store_idx %arg17[%add3A_103, %broadcast_in_dim3A_13], %mul3A_371 : memref<800x6xf32, #tpu.memory_space<vmem>>[vector<16xi32>, vector<16xi32>], vector<16xf32>,
    }
    %scan3A_80 = arith.constant 50 : i32
    %add3A_81 = arith.constant 99200 : i32
    %add3A_82 = arith.addi %mul3A_2, %add3A_81 : i32
    %dma_start3A_83 = arith.constant 0 : i32
    %dma_start3A_84 = tpu.memref_slice %arg6[%add3A_82, %dma_start3A_83] : memref<3200000x6xf32, #tpu.memory_space<hbm>> -> memref<800x6xf32, #tpu.memory_space<hbm>>
    %dma_start3A_85 = arith.constant 0 : i32
    %dma_start3A_86 = tpu.memref_slice %arg6[%add3A_82, %dma_start3A_85] : memref<3200000x6xf32, #tpu.memory_space<hbm>> -> memref<800x6xf32, #tpu.memory_space<hbm>>
    tpu.enqueue_dma source(%arg17 : memref<800x6xf32, #tpu.memory_space<vmem>>) target(%dma_start3A_86 : memref<800x6xf32, #tpu.memory_space<hbm>>) target_semaphore(%arg23 : memref<!tpu.dma_semaphore, #tpu.memory_space<semaphore_mem>>)
    %dma_wait3A_87 = arith.constant 0 : i32
    %dma_wait3A_88 = arith.constant 0 : i32
    %dma_wait3A_89 = tpu.memref_slice %arg6[%dma_wait3A_87, %dma_wait3A_88] : memref<3200000x6xf32, #tpu.memory_space<hbm>> -> memref<800x6xf32, #tpu.memory_space<hbm>>
    %dma_wait3A_90 = arith.constant 0 : i32
    %dma_wait3A_91 = arith.constant 0 : i32
    %dma_wait3A_92 = tpu.memref_slice %arg6[%dma_wait3A_90, %dma_wait3A_91] : memref<3200000x6xf32, #tpu.memory_space<hbm>> -> memref<800x6xf32, #tpu.memory_space<hbm>>
    tpu.wait_dma2 semaphore(%arg24 : memref<!tpu.dma_semaphore, #tpu.memory_space<semaphore_mem>>) src(%arg18 : memref<800x6xf32, #tpu.memory_space<vmem>>) dst(%dma_wait3A_92 : memref<800x6xf32, #tpu.memory_space<hbm>>)
    %dma_wait3A_93 = arith.constant 0 : i32
    %dma_wait3A_94 = arith.constant 0 : i32
    %dma_wait3A_95 = tpu.memref_slice %arg6[%dma_wait3A_93, %dma_wait3A_94] : memref<3200000x6xf32, #tpu.memory_space<hbm>> -> memref<800x6xf32, #tpu.memory_space<hbm>>
    %dma_wait3A_96 = arith.constant 0 : i32
    %dma_wait3A_97 = arith.constant 0 : i32
    %dma_wait3A_98 = tpu.memref_slice %arg6[%dma_wait3A_96, %dma_wait3A_97] : memref<3200000x6xf32, #tpu.memory_space<hbm>> -> memref<800x6xf32, #tpu.memory_space<hbm>>
    tpu.wait_dma2 semaphore(%arg23 : memref<!tpu.dma_semaphore, #tpu.memory_space<semaphore_mem>>) src(%arg17 : memref<800x6xf32, #tpu.memory_space<vmem>>) dst(%dma_wait3A_98 : memref<800x6xf32, #tpu.memory_space<hbm>>)
    return
  }
}

</mosaic_0001>

<sc_bundles>
// kernel: kernel.3.cloned.1.call-start
scs
__scs_entry_jumppad:
0x0: {  	(pc) =	sbr.rel $0x88, $3  }
0x1: {  	(tag) =	ssettag $0x0;
	lr =	simm.s32 $0x1  }
0x2: {  	[smem:$0x3F9E] =	sst lr;
	_ =	strace $0xD0000000  }
0x3: {  	_ = 	snop  }
0x4: {  	_ = 	snop  }
0x5: {  	_ = 	snop  }
0x6: {  	_ = 	snop  }
0x7: {  	_ = 	snop  }
__scs_overlays_trampoline_lowered:
0x8: {  	[smem:$0x3FAD] =	sst s0  }
0x9: {  	[smem:$0x3FAE] =	sst s1  }
0xa: {  	[smem:$0x3FAF] =	sst s2  }
0xb: {  	[smem:$0x3FB0] =	sst s3  }
0xc: {  	[smem:$0x3FB1] =	sst s4  }
0xd: {  	[smem:$0x3FB2] =	sst s5  }
0xe: {  	[smem:$0x3FB3] =	sst s6  }
0xf: {  	[smem:$0x3FB4] =	sst s7  }
0x10: {  	[smem:$0x3FB5] =	sst s8  }
0x11: {  	[smem:$0x3FB6] =	sst s9;
	s0 =	simm.s32 @!p0 $0x0  }
0x12: {  	s1 =	sld [smem:$0x3F9C];
	s0 =	simm.s32 @p0 $0x1  }
0x13: {  	[smem:$0x3FB7] =	sst s0;
	s0 =	simm.s32 @!p1 $0x0  }
0x14: {  	s2 =	sld [smem:$0x3F9B];
	s0 =	simm.s32 @p1 $0x1  }
0x15: {  	[smem:$0x3FB8] =	sst s0;
	s0 =	simm.s32 @!p2 $0x0  }
0x16: {  	s3 =	sld [smem:$0x3FDB];
	s0 =	simm.s32 @p2 $0x1  }
0x17: {  	s4 =	simm.s32 $0x1BF5;
	[smem:$0x3FBA] =	sst s0  }
0x18: {  	s0 =	sld [smem:$0x3F9D];
	_ =	swait.ge [sflag:s4], $0x0  }
0x19: {  	s7 =	sld [smem:$0x3F9E]  }
0x1a: {  	s8 =	sadd.s32 $0xFFFFE003, lr  }
0x1b: {  	s9 =	sadd.s32 $0xFFFFFEF7, lr;
	s5 =	simm.s32 $0xFFFFFFFF;
	p2 =	slt.u32 s8, $0xFFFFF086  }
0x1c: {  	p1 =	slt.u32 s9, $0xF7A;
	s5 =	simm.s32 @!p2 $0x0  }
0x1d: {  	s5 =	simm.s32 @p1 $0x1;
	p0 =	seq.s32 s7, s2  }
0x1e: {  	s7 =	smul.u32 @!p0 $0xF7A, s2;
	p2 =	seq.s32 @!p0 s5, $0x0  }
0x1f: {  	s9 =	smul.u32 $0xF7A, s1;
	s8 =	simm.s32 @!p0 $0x1BF5;
	p2 =	por !p2, p0  }
0x20: {  	[sflag:s8] =	ssyncset.s32 @!p0 $0xFFFFF086;
	s6 =	sadd.s32 @!p0 s3, s7;
	s7 =	simm.s32 @!p0 $0x108  }
0x21: {  	s3 =	sadd.s32 s3, s9;
	s6 =	sadd.s32 @!p0 $0x88, s6;
	s7 =	simm.s32 @p2 $0x1082  }
0x22: {  	[simem:s7], [sflag:s8] =	dma.local @!p0 [hbm:s6], $0xF7A  }
0x23: {  	s9 =	sor.u32 $0xD0000000, s2;
	s6 =	simm.s32 $0x108;
	_ =	swait.ge @!p0 [sflag:s8], $0x0  }
0x24: {  	s3 =	sadd.s32 $0x88, s3;
	s6 =	simm.s32 @!p1 $0x1082;
	[sflag:s4] =	ssyncset.s32 $0xFFFFF086  }
0x25: {  	[simem:s6], [sflag:s4] =	dma.local [hbm:s3], $0xF7A  }
0x26: {  	[smem:$0x3F9E] =	sst s1;
	(tag) =	ssettag s2;
	_ =	strace s9  }
0x27: {  	s1 =	sld [smem:$0x3FAE]  }
0x28: {  	s2 =	sld [smem:$0x3FAF]  }
0x29: {  	s4 =	sld [smem:$0x3FB1]  }
0x2a: {  	p0 =	seq.s32 s5, $0x0;
	s5 =	sld [smem:$0x3FB2]  }
0x2b: {  	s6 =	sld [smem:$0x3FB3]  }
0x2c: {  	s7 =	sld [smem:$0x3FB4]  }
0x2d: {  	s3 =	simm.s32 $0x108;
	s8 =	sld [smem:$0x3FB5]  }
0x2e: {  	s3 =	simm.s32 @!p0 $0x1082;
	s9 =	sld [smem:$0x3FB6]  }
0x2f: {  	lr =	sadd.s32 s0, s3;
	s0 =	sld [smem:$0x3FAD]  }
0x30: {  	s3 =	sld [smem:$0x3FB0]  }
0x31: {  	[smem:$0x3FB9] =	sst s10  }
0x32: {  	s10 =	sld [smem:$0x3FB7];
	_ =	sdelay $0x3  }
0x33: {  	p0 =	seq.s32 s10, $0x1;
	s10 =	sld [smem:$0x3FB9];
	_ =	sdelay $0x3  }
0x34: {  	[smem:$0x3FB9] =	sst s10  }
0x35: {  	s10 =	sld [smem:$0x3FB8];
	_ =	sdelay $0x3  }
0x36: {  	p1 =	seq.s32 s10, $0x1;
	s10 =	sld [smem:$0x3FB9];
	_ =	sdelay $0x3  }
0x37: {  	[smem:$0x3FB9] =	sst s10  }
0x38: {  	s10 =	sld [smem:$0x3FBA]  }
0x39: {  	_ = 	snop;
	(pc) =	sbr.ind lr, $3  }
0x3a: {  	_ = 	snop  }
0x3b: {  	_ = 	snop  }
0x3c: {  	p2 =	seq.s32 s10, $0x1;
	s10 =	sld [smem:$0x3FB9]  }
0x3d: {  	_ =	shalt  }
0x3e: {  	_ =	shalt  }
0x3f: {  	_ =	shalt  }
0x40: {  	_ =	shalt  }
0x41: {  	_ =	shalt  }
0x42: {  	_ =	shalt  }
0x43: {  	_ =	shalt  }
0x44: {  	_ =	shalt  }
0x45: {  	_ =	shalt  }
0x46: {  	_ =	shalt  }
0x47: {  	_ =	shalt  }
0x48: {  	_ =	shalt  }
0x49: {  	_ =	shalt  }
0x4a: {  	_ =	shalt  }
0x4b: {  	_ =	shalt  }
0x4c: {  	_ =	shalt  }
0x4d: {  	_ =	shalt  }
0x4e: {  	_ =	shalt  }
0x4f: {  	_ =	shalt  }
0x50: {  	_ =	shalt  }
0x51: {  	_ =	shalt  }
0x52: {  	_ =	shalt  }
0x53: {  	_ =	shalt  }
0x54: {  	_ =	shalt  }
0x55: {  	_ =	shalt  }
0x56: {  	_ =	shalt  }
0x57: {  	_ =	shalt  }
0x58: {  	_ =	shalt  }
0x59: {  	_ =	shalt  }
0x5a: {  	_ =	shalt  }
0x5b: {  	_ =	shalt  }
0x5c: {  	_ =	shalt  }
0x5d: {  	_ =	shalt  }
0x5e: {  	_ =	shalt  }
0x5f: {  	_ =	shalt  }
0x60: {  	_ =	shalt  }
0x61: {  	_ =	shalt  }
0x62: {  	_ =	shalt  }
0x63: {  	_ =	shalt  }
0x64: {  	_ =	shalt  }
0x65: {  	_ =	shalt  }
0x66: {  	_ =	shalt  }
0x67: {  	_ =	shalt  }
0x68: {  	_ =	shalt  }
0x69: {  	_ =	shalt  }
0x6a: {  	_ =	shalt  }
0x6b: {  	_ =	shalt  }
0x6c: {  	_ =	shalt  }
0x6d: {  	_ =	shalt  }
0x6e: {  	_ =	shalt  }
0x6f: {  	_ =	shalt  }
0x70: {  	_ =	shalt  }
0x71: {  	_ =	shalt  }
0x72: {  	_ =	shalt  }
0x73: {  	_ =	shalt  }
0x74: {  	_ =	shalt  }
0x75: {  	_ =	shalt  }
0x76: {  	_ =	shalt  }
0x77: {  	_ =	shalt  }
0x78: {  	_ =	shalt  }
0x79: {  	_ =	shalt  }
0x7a: {  	_ =	shalt  }
0x7b: {  	_ =	shalt  }
0x7c: {  	_ =	shalt  }
0x7d: {  	_ =	shalt  }
0x7e: {  	_ =	shalt  }
0x7f: {  	_ =	shalt  }
0x80: {  	_ =	shalt  }
0x81: {  	_ =	shalt  }
0x82: {  	_ =	shalt  }
0x83: {  	_ =	shalt  }
0x84: {  	_ =	shalt  }
0x85: {  	_ =	shalt  }
0x86: {  	_ =	shalt  }
0x87: {  	_ =	shalt  }
.Lfunc_end0:
.L_simem_size_0:
called_computation.1_lowered:
.L_overlay_start_0:
0x88: {  	s2 =	sld [smem:$0x3FD9]  }
0x89: {  	s3 =	sld [smem:$0x3FFE];
	_ =	sdelay $0x1  }
0x8a: {  	s1 =	srdreg.scid  }
0x8b: {  	s0 =	sand.u32 $0x1, s1  }
0x8c: {  	s17 =	sshll.u32 s0, $0xA;
	s2 =	sadd.s32 s3, s2  }
0x8d: {  	s2 =	sadd.s32 s2, s17  }
0x8e: {  	[smem:$0x3FC5] =	sst s2  }
0x8f: {  	_ = 	snop  }
0x90: {  	s2 =	sld [smem:$0x3FD0];
	(tm) =	ssettm $0x1  }
0x91: {  	s18 =	sld [smem:$0x3FFB];
	_ =	sdelay $0x3  }
0x92: {  	_ =	strace s18  }
0x93: {  	s3 =	sld [smem:$0x3FFC];
	_ =	sdelay $0x3  }
0x94: {  	_ =	strace s3  }
0x95: {  	s3 =	sld [smem:$0x3FFD];
	_ =	sdelay $0x3  }
0x96: {  	_ =	strace s3  }
0x97: {  	_ =	strace $0x8FFFFFFF  }
0x98: {  	s19 =	sld [smem:$0x3FDB];
	_ =	sdelay $0x1  }
0x99: {  	s4 =	simm.s32 $_scs_section_size  }
0x9a: {  	s5 =	simm.s32 $_size__tile_overlayer_lowered;
	s6 =	simm.s32 $_tile_overlayer_lowered  }
0x9b: {  	s22 =	simm.s32 $0x1BFF;
	s21 =	sshll.u32 s6, $0x1;
	s3 =	sadd.s32 s4, s19  }
0x9c: {  	s7 =	simm.s32 $0x0;
	s20 =	sshll.u32 s5, $0x1;
	s5 =	sadd.s32 s21, s3  }
0x9d: {  	[timem:s7], [sflag:s22] =	dma.local [hbm:s5], s20  }
0x9e: {  	_ =	swait.ge [sflag:s22], s20  }
0x9f: {  	s4 =	ssub.s32 $0x0, s20;
	[sflag:s22] =	ssyncset.done $0x0  }
0xa0: {  	[sflag:s22] =	ssyncadd.s32 s4;
	_ =	sdelay $0x1  }
0xa1: {  	s23 =	simm.s32 $0x1B8B  }
0xa2: {  	_ =	swait.ge [sflag:s23], $0x1  }
0xa3: {  	[sflag:s23] =	ssyncset.done $0x0  }
0xa4: {  	s25 =	simm.s32 $0x1B8E;
	s24 =	sld [smem:$0x3FFE];
	[sflag:s23] =	ssyncadd.s32 $0xFFFFFFFF  }
0xa5: {  	s26 =	simm.s32 $execute0_lowered;
	[smem:$0x3FD2] =	sst s25  }
0xa6: {  	s5 =	sshll.u32 s26, $0x1;
	_ =	strace $0x80000046;
	[dreg:$0x1] =	wrdreg $0xFFFFFFFF  }
0xa7: {  	s28 =	simm.s32 $_size_execute0_lowered;
	s3 =	sadd.s32 s3, s5;
	[dreg:$0x0] =	wrdreg $0x0  }
0xa8: {  	s5 =	sshll.u32 s28, $0x1;
	[dreg:$0x2] =	wrdreg s3  }
0xa9: {  	[dreg:$0x3] =	wrdreg s5  }
0xaa: {  	[dreg:$0x4] =	wrdreg $0xC0  }
0xab: {  	_ =	task [dreg:s7], $0x5FFFF  }
0xac: {  	[dreg:$0x1] =	wrdreg $0xFFFFFFFF  }
0xad: {  	[dreg:$0x0] =	wrdreg $0x60  }
0xae: {  	[dreg:$0x2] =	wrdreg s24  }
0xaf: {  	[dreg:$0x3] =	wrdreg s2  }
0xb0: {  	[dreg:$0x4] =	wrdreg $0x9  }
0xb1: {  	_ =	task.clear_ibuf [dreg:s7], $0x5FFFF;
	_ =	strace $0x90000046  }
0xb2: {  	s29 =	simm.s32 $0x9;
	_ =	strace $0x80000048  }
0xb3: {  	_ =	swait.ge [sflag:s29], $0x1  }
0xb4: {  	[sflag:s29] =	ssyncadd.s32 $0xFFFFFFFF  }
0xb5: {  	_ =	strace $0x90000048  }
0xb6: {  	_ =	sfence  }
0xb7: {  	s30 =	sld [smem:$0x0];
	_ =	sdelay $0x2  }
0xb8: {  	s31 =	sshll.u32 s1, $0xD;
	s1 =	sshrl.u32 s1, $0x2  }
0xb9: {  	s3 =	sand.u32 $0x4000, s31;
	s1 =	sadd.s32 s1, s30  }
0xba: {  	s0 =	sor.u32 s3, s0;
	s1 =	sshll.u32 s1, $0x11  }
0xbb: {  	s0 =	sor.u32 s1, s0  }
0xbc: {  	s0 =	sadd.s32 $0x8F2B, s0  }
0xbd: {  	[sflag:s0] =	ssyncadd.remote.s32 $0x1  }
0xbe: {  	_ =	sfence.sel $0xFFFF  }
0xbf: {  	[dreg:$0x0] =	wrdreg $0xFFFFFFFF;
	(pc) =	sbr.abs _section_cstart, $3  }
0xc0: {  	[dreg:$0x1] =	wrdreg $0xFFFFFFFF  }
0xc1: {  	_ =	task.clear_ibuf [dreg:s7], $0x2FFFF;
	_ =	strace $0x9FFFFFFF  }
0xc2: {  	(tm) =	ssettm $0x7FFFFFFF  }
0xc3: {  	_ =	shalt  }
tec
execute0_lowered:
.L_overlay_start_1:
0x0: {  	(tag) =	ssettag $0x1  }
0x1: {  	s0 =	rddreg [dreg:$0x0]  }
0x2: {  	s11 =	rddreg [dreg:$0x1]  }
0x3: {  	s1 =	srdreg.scid;
	s2 =	stileid.u32;
	s3 =	simm.s32 $0x0  }
0x4: {  	s17 =	simm.s32 $0x640;
	s18 =	simm.s32 $0x320;
	s19 =	simm.s32 $0x960  }
0x5: {  	s20 =	simm.s32 $0x1;
	s28 =	simm.s32 $0x5780;
	s29 =	simm.s32 $0x8980  }
0x6: {  	s30 =	simm.s32 $0xA280;
	s31 =	simm.s32 $0x4;
	s1 =	sand.u32 $0x1, s1  }
0x7: {  	s4 =	sshll.u32 s2, $0x1;
	[smem:$0x7FF] =	sst s3;
	s5 =	sadd.s32 $0xC00, s0  }
0x8: {  	s6 =	sadd.s32 $0xC4400, s0;
	s2 =	simm.s32 $0x0;
	s7 =	sor.u32 s1, s4  }
0x9: {  	_ =	strace $0x80000047;
	s1 =	ssub.s32 $0x2, s1;
	s8 =	smul.u32 $0x186A0, s7  }
0xa: {  	s4 =	sadd.s32 $0x62800, s0;
	s9 =	sshrl.u32 s1, $0x1;
	s7 =	smul.u32 $0xC3500, s7  }
0xb: {  	s0 =	sadd.s32 $0xDCC00, s0;
	s1 =	ssub.s32 s1, s9;
	s10 =	sshrl.u32 s8, $0x3  }
0xc: {  	s11 =	sadd.s32 s11, s8;
	s7 =	sshrl.u32 s7, $0x3;
	s12 =	sadd.s32 $0x640, s8  }
0xd: {  	s13 =	sadd.s32 s0, s8;
	s14 =	sadd.s32 $0x960, s8;
	s26 =	smax.u32 s1, $0x1  }
0xe: {  	s21 =	sadd.s32 $0x64, s10;
	s22 =	sadd.s32 s4, s10;
	[dreg:$0x8] =	wrdreg s26  }
0xf: {  	s23 =	sadd.s32 s5, s10;
	s0 =	sadd.s32 s0, s7;
	[dreg:$0x3] =	wrdreg s22  }
0x10: {  	s26 =	simm.s32 $0x2580;
	[dreg:$0x4] =	wrdreg s23;
	s24 =	sadd.s32 s4, s21  }
0x11: {  	s7 =	simm.s32 $0x6;
	s25 =	sadd.s32 s5, s21;
	[dreg:$0x5] =	wrdreg s24  }
0x12: {  	s0 =	sadd.s32 $0x18380, s0;
	s21 =	simm.s32 $0xC80;
	[dreg:$0x6] =	wrdreg s25  }
0x13: {  	v0 =	vlaneseq.u32;
	s22 =	simm.s32 $0x3E80;
	s23 =	simm.s32 $0x7080;
	[dreg:$0x7] =	wrdreg s0  }
0x14: {  	v1 =	vimm.f32 $1.000000000e+00;
	v0 =	vmul.u32 $0x8, v0;
	s24 =	simm.s32 $0x3;
	s25 =	simm.s32 $0x2;
	s0 =	simm.s32 $0xBB80  }
.LBB2_1:
0x15: {  	[dreg:$0x9] =	wrdreg s2  }
0x16: {  	s1 =	rddreg [dreg:$0x3]  }
0x17: {  	[tilespmem:s3], [sflag:$0x1] =	stream.linear.gather [hbm4b:s1+s3], $0x320, $0x38;
	[tilespmem:$0xD480] =	vst v63  }
0x18: {  	s10 =	rddreg [dreg:$0x4]  }
0x19: {  	[tilespmem:s17], [sflag:$0x1] =	stream.linear.gather [hbm4b:s10+s3], $0x320, $0x38;
	[tilespmem:$0xD480] =	vst v63  }
0x1a: {  	s15 =	rddreg [dreg:$0x5]  }
0x1b: {  	[tilespmem:s18], [sflag:$0x2] =	stream.linear.gather [hbm4b:s15+s3], $0x320, $0x38;
	[tilespmem:$0xD480] =	vst v63  }
0x1c: {  	s16 =	rddreg [dreg:$0x6]  }
0x1d: {  	[tilespmem:s19], [sflag:$0x2] =	stream.linear.gather [hbm4b:s16+s3], $0x320, $0x38;
	[tilespmem:$0xD480] =	vst v63  }
0x1e: {  	_ =	swait.ge [sflag:s20], $0x320  }
0x1f: {  	[sflag:s20] =	ssyncset.done $0x0  }
0x20: {  	[sflag:s20] =	ssyncadd.s32 $0xFFFFFCE0  }
0x21: {  	_ =	swait.ge [sflag:s20], $0x320  }
0x22: {  	[sflag:s20] =	ssyncset.done $0x0  }
0x23: {  	[sflag:s20] =	ssyncadd.s32 $0xFFFFFCE0  }
0x24: {  	[tilespmem:s21], [sflag:$0x3] =	stream.indirect.gather [hbm4b:s6+s18], $0x8, s3, s18, $0xb8;
	[tilespmem:$0xD480] =	vst v63  }
0x25: {  	_ = 	snop  }
0x26: {  	[tilespmem:s22], [sflag:$0x3] =	stream.indirect.gather [hbm4b:s6+s18], $0x8, s17, s18, $0xb8;
	[tilespmem:$0xD480] =	vst v63  }
0x27: {  	s9 =	simm.s32 $0x0  }
0x28: {  	[tilespmem:s23], [sflag:$0x3] =	stream.linear.gather [hbm4b:s11+s3], $0x1900, $0x38;
	[tilespmem:$0xD480] =	vst v63  }
.LBB2_2:
0x29: {  	_ =	swait.ge [sflag:s24], $0x1900  }
0x2a: {  	[sflag:s24] =	ssyncset.done $0x0  }
0x2b: {  	[sflag:s24] =	ssyncadd.s32 $0xFFFFE700  }
0x2c: {  	_ =	swait.ge [sflag:s24], $0x1900  }
0x2d: {  	[sflag:s24] =	ssyncset.done $0x0  }
0x2e: {  	[sflag:s24] =	ssyncadd.s32 $0xFFFFE700  }
0x2f: {  	_ =	swait.ge [sflag:s24], $0x1900  }
0x30: {  	[sflag:s24] =	ssyncset.done $0x0  }
0x31: {  	[sflag:s24] =	ssyncadd.s32 $0xFFFFE700  }
0x32: {  	_ =	swait.ge [sflag:s25], $0x320  }
0x33: {  	[sflag:s25] =	ssyncset.done $0x0  }
0x34: {  	[sflag:s25] =	ssyncadd.s32 $0xFFFFFCE0  }
0x35: {  	_ =	swait.ge [sflag:s25], $0x320  }
0x36: {  	[sflag:s25] =	ssyncset.done $0x0  }
0x37: {  	s15 =	smul.u32 $0x640, s9;
	[sflag:s25] =	ssyncadd.s32 $0xFFFFFCE0  }
0x38: {  	[tilespmem:s26], [sflag:$0x4] =	stream.indirect.gather [hbm4b:s6+s18], $0x8, s18, s18, $0xb8;
	[tilespmem:$0xD480] =	vst v63  }
0x39: {  	s10 =	sadd.s32 $0x320, s15  }
0x3a: {  	[tilespmem:s28], [sflag:$0x4] =	stream.indirect.gather [hbm4b:s6+s18], $0x8, s19, s18, $0xb8;
	[tilespmem:$0xD480] =	vst v63  }
0x3b: {  	s16 =	sadd.s32 s15, s12;
	s1 =	sadd.s32 s10, s11  }
0x3c: {  	[tilespmem:s29], [sflag:$0x4] =	stream.linear.gather [hbm4b:s1+s3], $0x1900, $0x38;
	[tilespmem:$0xD480] =	vst v63  }
0x3d: {  	s2 =	simm.s32 $0x0;
	s1 =	sshrl.u32 s16, $0x3  }
0x3e: {  	v2 =	vmov s2;
	s8 =	sadd.s32 s4, s1  }
0x3f: {  	v2 =	vshll.u32 v2, $0x3;
	[tilespmem:s3], [sflag:$0x1] =	stream.linear.gather [hbm4b:s8+s3], $0x320, $0x38;
	[tilespmem:$0xD480] =	vst v63  }
0x40: {  	p0 =	seq.s32 s9, $0x0;
	v3 =	vor.u32 v0, v2;
	s1 =	sadd.s32 s5, s1  }
0x41: {  	v2 =	vor.u32 $0x3, v3;
	[tilespmem:s17], [sflag:$0x1] =	stream.linear.gather [hbm4b:s1+s3], $0x320, $0x38;
	[tilespmem:$0xD480] =	vst v63  }
0x42: {  	v6 =	vor.u32 $0x6, v3;
	s1 =	simm.s32 @!p0 $0x5  }
0x43: {  	_ =	swait.ge @!p0 [sflag:s1], $0x1900  }
0x44: {  	v4 =	vor.u32 $0x4, v3;
	[sflag:s1] =	ssyncset.done @!p0 $0x0  }
0x45: {  	[sflag:s1] =	ssyncadd.s32 @!p0 $0xFFFFE700  }
0x46: {  	v7 =	vld.idx.msk [tilespmem:v2+s21+$0x0], $0xffff  }
0x47: {  	v5 =	vor.u32 $0x5, v3;
	v12 =	vld.idx.msk [tilespmem:v6+s22+$0x0], $0xffff  }
0x48: {  	v8 =	vld.idx.msk [tilespmem:v6+s21+$0x0], $0xffff  }
0x49: {  	v13 =	vld.idx.msk [tilespmem:v4+s22+$0x0], $0xffff  }
0x4a: {  	v14 =	vld.idx.msk [tilespmem:v2+s22+$0x0], $0xffff  }
0x4b: {  	v10 =	vld.idx.msk [tilespmem:v4+s21+$0x0], $0xffff  }
0x4c: {  	v15 =	vld.idx.msk [tilespmem:v5+s22+$0x0], $0xffff;
	_ =	sdelay $0x1  }
0x4d: {  	v9 =	vsub.f32 $0.0e+00, v7  }
0x4e: {  	v7 =	vld.idx.msk [tilespmem:v5+s21+$0x0], $0xffff;
	v11 =	vmul.f32 v12, v8  }
0x4f: {  	v17 =	vmul.f32 v14, v8;
	v10 =	vsub.f32 $0.0e+00, v10;
	v18 =	vmul.f32 v12, v9  }
0x50: {  	v16 =	vmul.f32 v13, v8;
	v19 =	vmul.f32 v15, v9  }
0x51: {  	v20 =	vmul.f32 v14, v9;
	v24 =	vmul.f32 v12, v10;
	v17 =	vadd.f32 v18, v17  }
0x52: {  	v21 =	vld.idx.msk [tilespmem:v2+s23+$0x0], $0xffff;
	v18 =	vmul.f32 v15, v8;
	v16 =	vsub.f32 v16, v19;
	v19 =	vmul.f32 v13, v9  }
0x53: {  	v6 =	vld.idx.msk [tilespmem:v6+s23+$0x0], $0xffff;
	v20 =	vsub.f32 v11, v20;
	v11 =	vsub.f32 $0.0e+00, v7;
	v7 =	vmul.f32 v15, v10  }
0x54: {  	v23 =	vld.idx.msk [tilespmem:v5+s23+$0x0], $0xffff;
	v22 =	vmul.f32 v13, v10;
	v18 =	vadd.f32 v18, v19;
	v19 =	vmul.f32 v14, v10  }
0x55: {  	v25 =	vld.idx.msk [tilespmem:v4+s23+$0x0], $0xffff;
	v16 =	vadd.f32 v24, v16;
	v7 =	vadd.f32 v17, v7;
	v13 =	vmul.f32 v13, v11  }
0x56: {  	v15 =	vmul.f32 v15, v11;
	v14 =	vmul.f32 v14, v11;
	v17 =	vsub.f32 v20, v22  }
0x57: {  	v7 =	vsub.f32 v7, v13;
	v13 =	vsub.f32 v18, v19  }
0x58: {  	v14 =	vadd.f32 v16, v14;
	v15 =	vsub.f32 v17, v15  }
0x59: {  	v12 =	vmul.f32 v12, v11;
	v16 =	vsub.f32 $0.0e+00, v21;
	v17 =	vsub.f32 $0.0e+00, v23  }
0x5a: {  	v19 =	vsub.f32 $0.0e+00, v25;
	v18 =	vmul.f32 v6, v7;
	v38 =	vmul.f32 v6, v15  }
0x5b: {  	v21 =	vmul.f32 v16, v7;
	v39 =	vmul.f32 v17, v15  }
0x5c: {  	v12 =	vadd.f32 v13, v12;
	v13 =	vmul.f32 v16, v14;
	v40 =	vmul.f32 v19, v15  }
0x5d: {  	v41 =	vmul.f32 v19, v14;
	v43 =	vmul.f32 v17, v7  }
0x5e: {  	v42 =	vmul.f32 v17, v14;
	v15 =	vmul.f32 v16, v15;
	v20 =	vsub.f32 v38, v21  }
0x5f: {  	v7 =	vmul.f32 v19, v7;
	v14 =	vmul.f32 v6, v14;
	v44 =	vsub.f32 v40, v43  }
0x60: {  	v17 =	vmul.f32 v17, v12;
	v15 =	vadd.f32 v18, v15;
	v20 =	vsub.f32 v20, v41  }
0x61: {  	v16 =	vmul.f32 v16, v12;
	v7 =	vadd.f32 v39, v7;
	v14 =	vadd.f32 v44, v14  }
0x62: {  	v18 =	vmul.f32 v19, v12;
	v15 =	vadd.f32 v15, v42;
	v17 =	vsub.f32 v20, v17  }
0x63: {  	v6 =	vmul.f32 v6, v12;
	v7 =	vsub.f32 v7, v13  }
0x64: {  	v16 =	vadd.f32 v14, v16;
	v15 =	vsub.f32 v15, v18;
	vm0 =	vlt.f32 v17, $0.0e+00  }
0x65: {  	v19 =	vadd.f32 v7, v6;
	v18 =	vsel vm0, $0xBF800000, v1  }
0x66: {  	v12 =	vmul.f32 v18, v16;
	v14 =	vmul.f32 v18, v15  }
0x67: {  	v13 =	vmul.f32 v18, v19  }
0x68: {  	v6 =	vmul.f32 v14, v14;
	v7 =	vmul.f32 v12, v12;
	_ =	sdelay $0x1  }
0x69: {  	v6 =	vadd.f32 v7, v6;
	v7 =	vmul.f32 v13, v13;
	_ =	sdelay $0x1  }
0x6a: {  	v6 =	vadd.f32 v6, v7;
	_ =	sdelay $0x1  }
0x6b: {  	v6 =	vadd.f32 $1.000000020e-24, v6;
	_ =	sdelay $0x1  }
0x6c: {  	v7 =	vshra.s32 v6, $0x1;
	v45 =	vmul.f32 $5.000000000e-01, v6  }
0x6d: {  	v7 =	vsub.s32 $0x5F3759DF, v7  }
0x6e: {  	v46 =	vmul.f32 v7, v45;
	_ =	sdelay $0x1  }
0x6f: {  	v21 =	vmul.f32 v7, v46;
	_ =	sdelay $0x1  }
0x70: {  	v21 =	vsub.f32 $1.500000000e+00, v21;
	_ =	sdelay $0x1  }
0x71: {  	v7 =	vmul.f32 v7, v21;
	_ =	sdelay $0x1  }
0x72: {  	v21 =	vmul.f32 v7, v45;
	_ =	sdelay $0x1  }
0x73: {  	v21 =	vmul.f32 v21, v7;
	_ =	sdelay $0x1  }
0x74: {  	v21 =	vsub.f32 $1.500000000e+00, v21;
	_ =	sdelay $0x1  }
0x75: {  	v7 =	vmul.f32 v21, v7;
	_ =	sdelay $0x1  }
0x76: {  	v20 =	vmul.f32 v7, v45;
	_ =	sdelay $0x1  }
0x77: {  	v20 =	vmul.f32 v20, v7;
	_ =	sdelay $0x1  }
0x78: {  	v20 =	vsub.f32 $1.500000000e+00, v20;
	_ =	sdelay $0x1  }
0x79: {  	v20 =	vmul.f32 v20, v7;
	_ =	sdelay $0x1  }
0x7a: {  	v18 =	vmul.f32 v18, v17;
	v47 =	vmul.f32 v20, v6;
	_ =	sdelay $0x1  }
0x7b: {  	v6 =	vmax.f32 v47, v18  }
0x7c: {  	v6 =	vmax.f32 v6, $1.000000000e-30  }
0x7d: {  	(erf) = vrcp.f32 v6;
	_ =	sdelay $0x7  }
0x7e: {  	v7 =	vor.u32 $0x1, v3  }
0x7f: {  	v48 =	vmin.f32 v47, v18;
	v6 =	vor.u32 $0x2, v3;
	v49 =	vpop (erf)  }
0x80: {  	v22 =	vmul.f32 v49, v48;
	_ =	sdelay $0x1  }
0x81: {  	v51 =	vld.idx.msk [tilespmem:v3+s23+$0x0], $0xffff;
	v26 =	vmul.f32 v22, v22  }
0x82: {  	v52 =	vld.idx.msk [tilespmem:v7+s23+$0x0], $0xffff  }
0x83: {  	v50 =	vld.idx.msk [tilespmem:v6+s23+$0x0], $0xffff;
	v27 =	vmul.f32 $7.825482630e-03, v26;
	_ =	sdelay $0x1  }
0x84: {  	v27 =	vadd.f32 $-3.689862790e-02, v27  }
0x85: {  	v29 =	vmul.f32 v16, v51;
	v31 =	vmul.f32 v19, v51  }
0x86: {  	v30 =	vmul.f32 v15, v52;
	v27 =	vmul.f32 v27, v26  }
0x87: {  	v53 =	vmul.f32 v19, v52;
	v28 =	vmul.f32 v15, v50  }
0x88: {  	v29 =	vsub.f32 v30, v29;
	v32 =	vmul.f32 v16, v50;
	v27 =	vadd.f32 $8.374155310e-02, v27  }
0x89: {  	v35 =	vld.idx.msk [tilespmem:v6+s22+$0x0], $0xffff;
	v28 =	vsub.f32 v31, v28  }
0x8a: {  	v36 =	vld.idx.msk [tilespmem:v6+s21+$0x0], $0xffff;
	v29 =	vadd.f32 v29, v29;
	v30 =	vsub.f32 v32, v53;
	v27 =	vmul.f32 v27, v26  }
0x8b: {  	v55 =	vld.idx.msk [tilespmem:v3+s22+$0x0], $0xffff;
	v38 =	vmul.f32 v18, v18;
	v57 =	vmul.f32 v47, v47;
	v28 =	vadd.f32 v28, v28  }
0x8c: {  	v33 =	vld.idx.msk [tilespmem:v3+s21+$0x0], $0xffff;
	v54 =	vmul.f32 v29, v15;
	v30 =	vadd.f32 v30, v30;
	v27 =	vadd.f32 $-1.348040550e-01, v27  }
0x8d: {  	v34 =	vmul.f32 v29, v16;
	v15 =	vmul.f32 v28, v15  }
0x8e: {  	v16 =	vmul.f32 v30, v16;
	v27 =	vmul.f32 v27, v26  }
0x8f: {  	v58 =	vmax.f32 v18, $9.999999970e-07;
	v56 =	vld.idx.msk [tilespmem:v7+s22+$0x0], $0xffff;
	v62 =	vadd.f32 v57, v38;
	v59 =	vsub.f32 v35, v36  }
0x90: {  	(erf) = vrcp.f32 v58;
	v15 =	vsub.f32 v15, v16;
	v16 =	vld.idx.msk [tilespmem:v7+s21+$0x0], $0xffff;
	v27 =	vadd.f32 $1.987987160e-01, v27  }
0x91: {  	v29 =	vmul.f32 v29, v17;
	(erf) = vrcp.f32 v62;
	v32 =	vsub.f32 v55, v33  }
0x92: {  	v63 =	vmul.f32 v59, v10;
	v27 =	vmul.f32 v27, v26  }
0x93: {  	v24 =	vadd.f32 v29, v50;
	v40 =	vmul.f32 v59, v9;
	v60 =	vmul.f32 v32, v10  }
0x94: {  	v37 =	vmul.f32 v30, v19;
	v30 =	vmul.f32 v30, v17;
	v27 =	vadd.f32 $-3.332637550e-01, v27  }
0x95: {  	v19 =	vmul.f32 v28, v19;
	v17 =	vmul.f32 v28, v17;
	v16 =	vsub.f32 v56, v16  }
0x96: {  	v28 =	vadd.f32 v57, v57;
	v31 =	vsub.f32 v37, v54;
	v26 =	vmul.f32 v27, v26  }
0x97: {  	v23 =	vadd.f32 v30, v51;
	v30 =	vadd.f32 v47, v47;
	v41 =	vmul.f32 v16, v11  }
0x98: {  	v17 =	vadd.f32 v17, v52;
	v42 =	vmul.f32 v16, v9;
	v26 =	vadd.f32 $9.999993440e-01, v26  }
0x99: {  	v61 =	vmul.f32 v32, v11;
	v19 =	vsub.f32 v34, v19;
	v43 =	vsub.f32 v63, v41  }
0x9a: {  	v17 =	vadd.f32 v31, v17;
	v25 =	vsub.f32 v42, v60;
	v22 =	vmul.f32 v26, v22  }
0x9b: {  	vm1 =	vgt.f32 v47, v18;
	v45 =	vadd.f32 v43, v43;
	v27 =	vsub.f32 v61, v40  }
0x9c: {  	vm15 =	vlt.f32 v47, $9.999999970e-07;
	v25 =	vadd.f32 v25, v25;
	v46 =	vsub.f32 $1.570796370e+00, v22  }
0x9d: {  	v19 =	vadd.f32 v19, v23;
	v49 =	vmul.f32 v45, v11;
	v44 =	vadd.f32 v27, v27  }
0x9e: {  	v50 =	vmul.f32 v45, v8;
	v51 =	vmul.f32 v25, v10;
	v21 =	vsel vm1, v46, v22  }
0x9f: {  	v10 =	vmul.f32 v45, v10;
	v47 =	vmul.f32 v44, v9;
	v21 =	vadd.f32 v21, v21  }
0xa0: {  	v52 =	vpop (erf);
	v53 =	vadd.f32 v50, v32;
	v48 =	vmul.f32 v44, v8;
	v11 =	vmul.f32 v44, v11  }
0xa1: {  	v27 =	vadd.f32 v52, v52;
	v8 =	vmul.f32 v25, v8;
	v54 =	vmul.f32 v21, v21  }
0xa2: {  	v55 =	vpop (erf);
	v9 =	vmul.f32 v25, v9;
	v16 =	vadd.f32 v48, v16;
	v10 =	vsub.f32 v47, v10  }
0xa3: {  	v56 =	vmul.f32 v55, v28;
	v8 =	vadd.f32 v8, v59;
	v57 =	vadd.f32 v54, v54  }
0xa4: {  	v11 =	vsub.f32 v51, v11;
	v9 =	vsub.f32 v49, v9;
	v20 =	vmul.f32 v21, v20  }
0xa5: {  	v8 =	vadd.f32 v10, v8;
	v10 =	vadd.f32 v15, v24;
	v15 =	vmul.f32 v57, v56  }
0xa6: {  	v11 =	vadd.f32 v11, v53;
	v16 =	vadd.f32 v9, v16;
	v20 =	vsel vm15, v27, v20  }
0xa7: {  	v58 =	vsub.f32 v8, v10;
	v9 =	vmul.f32 v20, v14;
	v10 =	vsel vm15, $0x3F800000, v15  }
0xa8: {  	v8 =	vmul.f32 v20, v13;
	v15 =	vsub.f32 v11, v19;
	(erf) = vrcp.f32 v10  }
0xa9: {  	v13 =	vmul.f32 v9, v58;
	v11 =	vmul.f32 v30, v18  }
0xaa: {  	v10 =	vmul.f32 v20, v12;
	v12 =	vsub.f32 v16, v17;
	v14 =	vmul.f32 v8, v15  }
0xab: {  	v11 =	vmul.f32 v55, v11  }
0xac: {  	v16 =	vmul.f32 v9, v12;
	v17 =	vmul.f32 v10, v15;
	v13 =	vsub.f32 v14, v13  }
0xad: {  	v18 =	vadd.f32 v56, v56;
	v19 =	vmul.f32 v8, v12;
	v14 =	vmul.f32 v10, v58  }
0xae: {  	v11 =	vmul.f32 v21, v11;
	v16 =	vsub.f32 v16, v17;
	v17 =	vmul.f32 v13, v8  }
0xaf: {  	v59 =	vmul.f32 v13, v9;
	v14 =	vsub.f32 v14, v19;
	v13 =	vmul.f32 $5.000000000e-01, v13  }
0xb0: {  	v18 =	vsub.f32 v18, v11;
	v19 =	vmul.f32 v16, v10;
	v60 =	vmul.f32 v16, v9  }
0xb1: {  	v61 =	vmul.f32 v14, v8;
	v62 =	vmul.f32 v14, v10;
	v63 =	vpop (erf)  }
0xb2: {  	v11 =	vsub.f32 v12, v13;
	v12 =	vmul.f32 $5.000000000e-01, v14;
	v13 =	vmul.f32 v63, v18  }
0xb3: {  	v17 =	vsub.f32 v19, v17;
	v19 =	vsub.f32 v61, v60;
	v18 =	vmul.f32 $5.000000000e-01, v16  }
0xb4: {  	v12 =	vsub.f32 v15, v12;
	v16 =	vsub.f32 v59, v62;
	v14 =	vsel vm15, $0x3DAAAAAB, v13  }
0xb5: {  	s1 =	simm.s32 $0x10;
	v13 =	vsub.f32 v58, v18;
	v17 =	vmul.f32 v17, v14;
	v15 =	vmul.f32 v19, v14  }
.LBB2_3:
0xb6: {  	p0 =	sne.s32 s1, $0x310;
	v14 =	vmul.f32 v16, v14;
	s2 =	smov.u32 s1;
	s1 =	sadd.s32 $0x10, s1  }
0xb7: {  	v16 =	vmov s2;
	v12 =	vadd.f32 v17, v12  }
0xb8: {  	v11 =	vadd.f32 v15, v11;
	v16 =	vshll.u32 v16, $0x3  }
0xb9: {  	v13 =	vadd.f32 v14, v13;
	[tilespmem:v3+s30+$0x0] =	vst.idx.msk $0xffff, v12;
	v3 =	vor.u32 v0, v16  }
0xba: {  	v12 =	vor.u32 $0x3, v3;
	v14 =	vor.u32 $0x6, v3;
	[tilespmem:v7+s30+$0x0] =	vst.idx.msk $0xffff, v11  }
0xbb: {  	[tilespmem:v6+s30+$0x0] =	vst.idx.msk $0xffff, v13  }
0xbc: {  	v6 =	vor.u32 $0x4, v3;
	[tilespmem:v2+s30+$0x0] =	vst.idx.msk $0xffff, v9;
	v2 =	vmov v12  }
0xbd: {  	[tilespmem:v4+s30+$0x0] =	vst.idx.msk $0xffff, v10;
	v4 =	vmov v6  }
0xbe: {  	[tilespmem:v5+s30+$0x0] =	vst.idx.msk $0xffff, v8  }
0xbf: {  	v5 =	vor.u32 $0x5, v3;
	v6 =	vld.idx.msk [tilespmem:v12+s21+$0x0], $0xffff  }
0xc0: {  	v7 =	vld.idx.msk [tilespmem:v14+s22+$0x0], $0xffff  }
0xc1: {  	v8 =	vld.idx.msk [tilespmem:v14+s21+$0x0], $0xffff  }
0xc2: {  	v12 =	vld.idx.msk [tilespmem:v4+s22+$0x0], $0xffff  }
0xc3: {  	v13 =	vld.idx.msk [tilespmem:v2+s22+$0x0], $0xffff  }
0xc4: {  	v15 =	vld.idx.msk [tilespmem:v5+s22+$0x0], $0xffff  }
0xc5: {  	v10 =	vld.idx.msk [tilespmem:v4+s21+$0x0], $0xffff  }
0xc6: {  	v11 =	vld.idx.msk [tilespmem:v5+s21+$0x0], $0xffff  }
0xc7: {  	v9 =	vsub.f32 $0.0e+00, v6;
	v6 =	vmul.f32 v7, v8  }
0xc8: {  	v16 =	vmul.f32 v12, v8  }
0xc9: {  	v18 =	vmul.f32 v7, v9;
	v17 =	vmul.f32 v13, v8  }
0xca: {  	v20 =	vmul.f32 v13, v9;
	v19 =	vmul.f32 v15, v9  }
0xcb: {  	v10 =	vsub.f32 $0.0e+00, v10;
	v17 =	vadd.f32 v18, v17;
	v18 =	vmul.f32 v15, v8;
	v21 =	vld.idx.msk [tilespmem:v2+s23+$0x0], $0xffff  }
0xcc: {  	v6 =	vsub.f32 v6, v20;
	v16 =	vsub.f32 v16, v19;
	v19 =	vmul.f32 v12, v9;
	v14 =	vld.idx.msk [tilespmem:v14+s23+$0x0], $0xffff  }
0xcd: {  	v11 =	vsub.f32 $0.0e+00, v11;
	v22 =	vmul.f32 v15, v10;
	v23 =	vmul.f32 v12, v10;
	v20 =	vld.idx.msk [tilespmem:v4+s23+$0x0], $0xffff  }
0xce: {  	v25 =	vmul.f32 v7, v10;
	v18 =	vadd.f32 v18, v19;
	v19 =	vmul.f32 v13, v10;
	v24 =	vld.idx.msk [tilespmem:v5+s23+$0x0], $0xffff  }
0xcf: {  	v12 =	vmul.f32 v12, v11;
	v15 =	vmul.f32 v15, v11;
	v17 =	vadd.f32 v17, v22  }
0xd0: {  	v13 =	vmul.f32 v13, v11;
	v16 =	vadd.f32 v25, v16;
	v6 =	vsub.f32 v6, v23  }
0xd1: {  	v7 =	vmul.f32 v7, v11;
	v12 =	vsub.f32 v17, v12;
	v17 =	vsub.f32 v18, v19  }
0xd2: {  	v13 =	vadd.f32 v16, v13;
	v15 =	vsub.f32 v6, v15  }
0xd3: {  	v16 =	vadd.f32 v17, v7;
	v17 =	vsub.f32 $0.0e+00, v21;
	v18 =	vmul.f32 v14, v12  }
0xd4: {  	v19 =	vsub.f32 $0.0e+00, v20;
	v21 =	vmul.f32 v14, v15;
	v20 =	vsub.f32 $0.0e+00, v24  }
0xd5: {  	v6 =	vor.u32 $0x2, v3;
	v22 =	vmul.f32 v14, v16;
	v23 =	vmul.f32 v17, v12  }
0xd6: {  	v7 =	vor.u32 $0x1, v3;
	v25 =	vmul.f32 v17, v13;
	v24 =	vmul.f32 v20, v15  }
0xd7: {  	v26 =	vmul.f32 v19, v15;
	v21 =	vsub.f32 v21, v23;
	v23 =	vmul.f32 v19, v13  }
0xd8: {  	v27 =	vmul.f32 v20, v13;
	v28 =	vmul.f32 v20, v12  }
0xd9: {  	v15 =	vmul.f32 v17, v15;
	v20 =	vmul.f32 v20, v16;
	v21 =	vsub.f32 v21, v23  }
0xda: {  	v12 =	vmul.f32 v19, v12;
	v13 =	vmul.f32 v14, v13;
	v26 =	vsub.f32 v26, v28;
	v23 =	vld.idx.msk [tilespmem:v6+s23+$0x0], $0xffff  }
0xdb: {  	v17 =	vmul.f32 v17, v16;
	v14 =	vadd.f32 v18, v15;
	v20 =	vsub.f32 v21, v20;
	v28 =	vld.idx.msk [tilespmem:v3+s23+$0x0], $0xffff  }
0xdc: {  	v16 =	vmul.f32 v19, v16;
	v12 =	vadd.f32 v24, v12;
	v13 =	vadd.f32 v26, v13;
	v15 =	vld.idx.msk [tilespmem:v7+s23+$0x0], $0xffff  }
0xdd: {  	v14 =	vadd.f32 v14, v27;
	vm0 =	vlt.f32 v20, $0.0e+00  }
0xde: {  	v12 =	vsub.f32 v12, v25;
	v17 =	vadd.f32 v13, v17;
	v21 =	vsel vm0, $0xBF800000, v1  }
0xdf: {  	v16 =	vsub.f32 v14, v16  }
0xe0: {  	v18 =	vadd.f32 v12, v22;
	v12 =	vmul.f32 v21, v17;
	v19 =	vmul.f32 v17, v23  }
0xe1: {  	v14 =	vmul.f32 v21, v16;
	v22 =	vmul.f32 v16, v23  }
0xe2: {  	v13 =	vmul.f32 v21, v18;
	v24 =	vmul.f32 v17, v28  }
0xe3: {  	v25 =	vmul.f32 v14, v14;
	v26 =	vmul.f32 v12, v12  }
0xe4: {  	v27 =	vmul.f32 v18, v28;
	v29 =	vmul.f32 v16, v15  }
0xe5: {  	v25 =	vadd.f32 v26, v25;
	v26 =	vmul.f32 v13, v13  }
0xe6: {  	v30 =	vmul.f32 v18, v15;
	v22 =	vsub.f32 v27, v22;
	v24 =	vsub.f32 v29, v24  }
0xe7: {  	v25 =	vadd.f32 v25, v26  }
0xe8: {  	v22 =	vadd.f32 v22, v22;
	v24 =	vadd.f32 v24, v24  }
0xe9: {  	v19 =	vsub.f32 v19, v30;
	v25 =	vadd.f32 $1.000000020e-24, v25  }
0xea: {  	v27 =	vmul.f32 v22, v16;
	v26 =	vmul.f32 v24, v16  }
0xeb: {  	v16 =	vadd.f32 v19, v19;
	v19 =	vshra.s32 v25, $0x1;
	v29 =	vmul.f32 $5.000000000e-01, v25  }
0xec: {  	v30 =	vmul.f32 v24, v17;
	v24 =	vmul.f32 v24, v20;
	v31 =	vsub.s32 $0x5F3759DF, v19  }
0xed: {  	v17 =	vmul.f32 v16, v17;
	v19 =	vmul.f32 v31, v29  }
0xee: {  	v32 =	vmul.f32 v16, v18;
	v33 =	vmul.f32 v16, v20;
	v16 =	vadd.f32 v24, v23  }
0xef: {  	v23 =	vmul.f32 v22, v18;
	v17 =	vsub.f32 v27, v17;
	v24 =	vmul.f32 v31, v19  }
0xf0: {  	v22 =	vmul.f32 v22, v20;
	v18 =	vadd.f32 v33, v28;
	v19 =	vsub.f32 v32, v26  }
0xf1: {  	v24 =	vsub.f32 $1.500000000e+00, v24;
	_ =	sdelay $0x1  }
0xf2: {  	v24 =	vmul.f32 v31, v24;
	_ =	sdelay $0x1  }
0xf3: {  	v26 =	vmul.f32 v24, v29;
	_ =	sdelay $0x1  }
0xf4: {  	v26 =	vmul.f32 v26, v24;
	_ =	sdelay $0x1  }
0xf5: {  	v26 =	vsub.f32 $1.500000000e+00, v26;
	_ =	sdelay $0x1  }
0xf6: {  	v24 =	vmul.f32 v26, v24;
	_ =	sdelay $0x1  }
0xf7: {  	v26 =	vmul.f32 v24, v29;
	_ =	sdelay $0x1  }
0xf8: {  	v26 =	vmul.f32 v26, v24;
	_ =	sdelay $0x1  }
0xf9: {  	v26 =	vsub.f32 $1.500000000e+00, v26;
	_ =	sdelay $0x1  }
0xfa: {  	v24 =	vmul.f32 v26, v24;
	_ =	sdelay $0x1  }
0xfb: {  	v20 =	vmul.f32 v21, v20;
	v21 =	vmul.f32 v24, v25;
	_ =	sdelay $0x1  }
0xfc: {  	v25 =	vmax.f32 v21, v20;
	v26 =	vmul.f32 v21, v21;
	v27 =	vadd.f32 v21, v21  }
0xfd: {  	v28 =	vmax.f32 v20, $9.999999970e-07;
	vm0 =	vgt.f32 v21, v20;
	v25 =	vmax.f32 v25, $1.000000000e-30  }
0xfe: {  	v29 =	vmul.f32 v20, v20;
	(erf) = vrcp.f32 v25  }
0xff: {  	v25 =	vmul.f32 v27, v20;
	(erf) = vrcp.f32 v28  }
0x100: {  	v27 =	vadd.f32 v26, v29;
	_ =	sdelay $0x6  }
0x101: {  	v20 =	vmin.f32 v21, v20;
	v28 =	vpop (erf)  }
0x102: {  	v20 =	vmul.f32 v28, v20;
	v28 =	vpop (erf);
	_ =	sdelay $0x1  }
0x103: {  	v29 =	vmul.f32 v20, v20;
	_ =	sdelay $0x1  }
0x104: {  	v31 =	vmul.f32 $7.825482630e-03, v29;
	_ =	sdelay $0x1  }
0x105: {  	v31 =	vadd.f32 $-3.689862790e-02, v31;
	_ =	sdelay $0x1  }
0x106: {  	v31 =	vmul.f32 v31, v29;
	_ =	sdelay $0x1  }
0x107: {  	v31 =	vadd.f32 $8.374155310e-02, v31  }
0x108: {  	v32 =	vld.idx.msk [tilespmem:v3+s22+$0x0], $0xffff  }
0x109: {  	v33 =	vld.idx.msk [tilespmem:v3+s21+$0x0], $0xffff;
	v31 =	vmul.f32 v31, v29  }
0x10a: {  	v34 =	vld.idx.msk [tilespmem:v6+s22+$0x0], $0xffff  }
0x10b: {  	v35 =	vld.idx.msk [tilespmem:v6+s21+$0x0], $0xffff;
	v31 =	vadd.f32 $-1.348040550e-01, v31  }
0x10c: {  	v36 =	vld.idx.msk [tilespmem:v7+s22+$0x0], $0xffff  }
0x10d: {  	v37 =	vld.idx.msk [tilespmem:v7+s21+$0x0], $0xffff;
	v31 =	vmul.f32 v31, v29;
	_ =	sdelay $0x1  }
0x10e: {  	v31 =	vadd.f32 $1.987987160e-01, v31  }
0x10f: {  	v32 =	vsub.f32 v32, v33  }
0x110: {  	v31 =	vmul.f32 v31, v29  }
0x111: {  	v33 =	vsub.f32 v34, v35;
	v34 =	vmul.f32 v32, v10  }
0x112: {  	v35 =	vsub.f32 v36, v37;
	v36 =	vmul.f32 v32, v11;
	v31 =	vadd.f32 $-3.332637550e-01, v31  }
0x113: {  	v23 =	vsub.f32 v30, v23;
	v37 =	vmul.f32 v33, v10;
	v38 =	vmul.f32 v33, v9  }
0x114: {  	v15 =	vadd.f32 v22, v15;
	v30 =	vmul.f32 v35, v11;
	v22 =	vmul.f32 v31, v29  }
0x115: {  	v26 =	vadd.f32 v26, v26;
	v29 =	vsub.f32 v36, v38;
	v31 =	vmul.f32 v35, v9  }
0x116: {  	v30 =	vsub.f32 v37, v30;
	v22 =	vadd.f32 $9.999993440e-01, v22;
	(erf) = vrcp.f32 v27  }
0x117: {  	vm1 =	vlt.f32 v21, $9.999999970e-07;
	v27 =	vsub.f32 v31, v34;
	v29 =	vadd.f32 v29, v29  }
0x118: {  	v15 =	vadd.f32 v19, v15;
	v21 =	vadd.f32 v30, v30;
	v19 =	vmul.f32 v22, v20  }
0x119: {  	v20 =	vadd.f32 v27, v27;
	v22 =	vmul.f32 v29, v9;
	v27 =	vmul.f32 v29, v8  }
0x11a: {  	v30 =	vmul.f32 v21, v11;
	v31 =	vmul.f32 v21, v8;
	v34 =	vsub.f32 $1.570796370e+00, v19  }
0x11b: {  	v36 =	vmul.f32 v20, v10;
	v10 =	vmul.f32 v21, v10;
	v21 =	vadd.f32 v27, v35  }
0x11c: {  	v11 =	vmul.f32 v29, v11;
	v27 =	vadd.f32 v31, v32;
	v19 =	vsel vm0, v34, v19  }
0x11d: {  	v28 =	vadd.f32 v28, v28;
	v9 =	vmul.f32 v20, v9;
	v19 =	vadd.f32 v19, v19  }
0x11e: {  	v8 =	vmul.f32 v20, v8;
	v11 =	vsub.f32 v36, v11;
	v10 =	vsub.f32 v22, v10  }
0x11f: {  	v9 =	vsub.f32 v30, v9;
	v20 =	vmul.f32 v19, v24;
	v22 =	vmul.f32 v19, v19;
	v24 =	vpop (erf)  }
0x120: {  	v8 =	vadd.f32 v8, v33;
	v11 =	vadd.f32 v11, v27;
	v26 =	vmul.f32 v24, v26  }
0x121: {  	v21 =	vadd.f32 v9, v21;
	v20 =	vsel vm1, v28, v20;
	v9 =	vadd.f32 v22, v22  }
0x122: {  	v8 =	vadd.f32 v10, v8;
	v10 =	vadd.f32 v17, v16  }
0x123: {  	v16 =	vadd.f32 v23, v18;
	v17 =	vmul.f32 v24, v25;
	v18 =	vmul.f32 v9, v26  }
0x124: {  	v22 =	vsub.f32 v8, v10;
	v10 =	vmul.f32 v20, v12;
	v9 =	vmul.f32 v20, v14  }
0x125: {  	v12 =	vsub.f32 v11, v16;
	v8 =	vmul.f32 v20, v13;
	v11 =	vsel vm1, $0x3F800000, v18  }
0x126: {  	v13 =	vsub.f32 v21, v15;
	v14 =	vmul.f32 v9, v22;
	(erf) = vrcp.f32 v11  }
0x127: {  	v15 =	vmul.f32 v8, v12;
	v11 =	vmul.f32 v10, v22  }
0x128: {  	v16 =	vmul.f32 v9, v13;
	v18 =	vmul.f32 v10, v12  }
0x129: {  	v14 =	vsub.f32 v15, v14  }
0x12a: {  	v17 =	vmul.f32 v19, v17;
	v19 =	vmul.f32 v8, v13;
	v15 =	vadd.f32 v26, v26  }
0x12b: {  	v16 =	vsub.f32 v16, v18;
	v18 =	vmul.f32 v14, v8;
	v20 =	vmul.f32 v14, v9  }
0x12c: {  	v19 =	vsub.f32 v11, v19;
	v11 =	vmul.f32 $5.000000000e-01, v14  }
0x12d: {  	v14 =	vsub.f32 v15, v17;
	v15 =	vmul.f32 v16, v10;
	v17 =	vmul.f32 v16, v9  }
0x12e: {  	v21 =	vmul.f32 v19, v8;
	v23 =	vmul.f32 v19, v10;
	v11 =	vsub.f32 v13, v11  }
.Ltmp0:
0x12f: {  	v13 =	vmul.f32 $5.000000000e-01, v19;
	v19 =	vmul.f32 $5.000000000e-01, v16;
	v16 =	vpop (erf);
	(pc) =	sbr.rel @p0 .LBB2_3-.Ltmp0, $4  }
0x130: {  	v14 =	vmul.f32 v16, v14  }
0x131: {  	v15 =	vsub.f32 v15, v18;
	v18 =	vsub.f32 v21, v17  }
0x132: {  	v12 =	vsub.f32 v12, v13;
	v16 =	vsub.f32 v20, v23;
	v14 =	vsel vm1, $0x3DAAAAAB, v14  }
0x133: {  	v13 =	vsub.f32 v22, v19;
	v17 =	vmul.f32 v15, v14;
	v15 =	vmul.f32 v18, v14  }
0x134: {  	_ =	sdelay $0x1  }
0x135: {  	v14 =	vmul.f32 v16, v14;
	v12 =	vadd.f32 v17, v12  }
0x136: {  	v11 =	vadd.f32 v15, v11  }
0x137: {  	v13 =	vadd.f32 v14, v13;
	[tilespmem:v3+s30+$0x0] =	vst.idx.msk $0xffff, v12  }
0x138: {  	[tilespmem:v7+s30+$0x0] =	vst.idx.msk $0xffff, v11  }
0x139: {  	[tilespmem:v6+s30+$0x0] =	vst.idx.msk $0xffff, v13  }
0x13a: {  	[tilespmem:v2+s30+$0x0] =	vst.idx.msk $0xffff, v9  }
0x13b: {  	[tilespmem:v4+s30+$0x0] =	vst.idx.msk $0xffff, v10  }
0x13c: {  	s1 =	sadd.s32 s15, s13;
	[tilespmem:v5+s30+$0x0] =	vst.idx.msk $0xffff, v8  }
0x13d: {  	[hbm4b:s1+s3] =	stream.linear.scatter [tilespmem:s30], [sflag:$0x5], $0x1900, $0x38;
	[tilespmem:$0xD480] =	vst v63  }
0x13e: {  	_ =	swait.ge [sflag:s31], $0x1900  }
0x13f: {  	[sflag:s31] =	ssyncset.done $0x0  }
0x140: {  	[sflag:s31] =	ssyncadd.s32 $0xFFFFE700  }
0x141: {  	_ =	swait.ge [sflag:s31], $0x1900  }
0x142: {  	[sflag:s31] =	ssyncset.done $0x0  }
0x143: {  	[sflag:s31] =	ssyncadd.s32 $0xFFFFE700  }
0x144: {  	_ =	swait.ge [sflag:s31], $0x1900  }
0x145: {  	[sflag:s31] =	ssyncset.done $0x0  }
0x146: {  	[sflag:s31] =	ssyncadd.s32 $0xFFFFE700  }
0x147: {  	_ =	swait.ge [sflag:s20], $0x320  }
0x148: {  	[sflag:s20] =	ssyncset.done $0x0  }
0x149: {  	[sflag:s20] =	ssyncadd.s32 $0xFFFFFCE0  }
0x14a: {  	_ =	swait.ge [sflag:s20], $0x320  }
0x14b: {  	[sflag:s20] =	ssyncset.done $0x0  }
0x14c: {  	[sflag:s20] =	ssyncadd.s32 $0xFFFFFCE0  }
0x14d: {  	[tilespmem:s21], [sflag:$0x3] =	stream.indirect.gather [hbm4b:s6+s18], $0x8, s3, s18, $0xb8;
	[tilespmem:$0xD480] =	vst v63  }
0x14e: {  	s8 =	rddreg [dreg:$0x1]  }
0x14f: {  	[tilespmem:s22], [sflag:$0x3] =	stream.indirect.gather [hbm4b:s6+s18], $0x8, s17, s18, $0xb8;
	[tilespmem:$0xD480] =	vst v63  }
0x150: {  	p0 =	seq.s32 s9, $0x3D;
	s1 =	sadd.s32 s8, s16  }
0x151: {  	[tilespmem:s23], [sflag:$0x3] =	stream.linear.gather [hbm4b:s1+s3], $0x1900, $0x38;
	[tilespmem:$0xD480] =	vst v63  }
0x152: {  	s1 =	sadd.s32 @!p0 s15, s14  }
0x153: {  	s16 =	simm.s32 $0x0;
	s1 =	sshrl.u32 @!p0 s1, $0x3  }
0x154: {  	s8 =	simm.s32 @!p0 $0x0;
	v2 =	vmov s16;
	s15 =	simm.s32 @!p0 $0x320;
	s2 =	sadd.s32 @!p0 s4, s1  }
0x155: {  	v2 =	vshll.u32 v2, $0x3;
	[tilespmem:s15], [sflag:$0x2] =	stream.linear.gather @!p0 [hbm4b:s2+s8], $0x320, $0x38;
	[tilespmem:$0xD480] =	vst v63  }
0x156: {  	p1 =	seq.s32 @!p0 s9, $0x0;
	v4 =	vor.u32 v0, v2;
	s1 =	sadd.s32 @!p0 s5, s1;
	s2 =	simm.s32 @!p0 $0x960  }
0x157: {  	v2 =	vor.u32 $0x3, v4;
	[tilespmem:s2], [sflag:$0x2] =	stream.linear.gather @!p0 [hbm4b:s1+s8], $0x320, $0x38;
	[tilespmem:$0xD480] =	vst v63  }
0x158: {  	v6 =	vor.u32 $0x6, v4;
	p0 =	por p0, !p1  }
0x159: {  	_ =	swait.ge @p0 [sflag:s7], $0x1900  }
0x15a: {  	v3 =	vor.u32 $0x4, v4;
	[sflag:s7] =	ssyncset.done @p0 $0x0  }
0x15b: {  	[sflag:s7] =	ssyncadd.s32 @p0 $0xFFFFE700  }
0x15c: {  	v7 =	vld.idx.msk [tilespmem:v2+s26+$0x0], $0xffff  }
0x15d: {  	v5 =	vor.u32 $0x5, v4;
	v12 =	vld.idx.msk [tilespmem:v6+s28+$0x0], $0xffff  }
0x15e: {  	v8 =	vld.idx.msk [tilespmem:v6+s26+$0x0], $0xffff  }
0x15f: {  	v13 =	vld.idx.msk [tilespmem:v3+s28+$0x0], $0xffff  }
0x160: {  	v14 =	vld.idx.msk [tilespmem:v2+s28+$0x0], $0xffff  }
0x161: {  	v10 =	vld.idx.msk [tilespmem:v3+s26+$0x0], $0xffff  }
0x162: {  	v15 =	vld.idx.msk [tilespmem:v5+s28+$0x0], $0xffff;
	_ =	sdelay $0x1  }
0x163: {  	v9 =	vsub.f32 $0.0e+00, v7  }
0x164: {  	v7 =	vld.idx.msk [tilespmem:v5+s26+$0x0], $0xffff;
	v11 =	vmul.f32 v12, v8  }
0x165: {  	v17 =	vmul.f32 v14, v8;
	v10 =	vsub.f32 $0.0e+00, v10;
	v18 =	vmul.f32 v12, v9  }
0x166: {  	v16 =	vmul.f32 v13, v8;
	v19 =	vmul.f32 v15, v9  }
0x167: {  	v20 =	vmul.f32 v14, v9;
	v24 =	vmul.f32 v12, v10;
	v17 =	vadd.f32 v18, v17  }
0x168: {  	v21 =	vld.idx.msk [tilespmem:v2+s29+$0x0], $0xffff;
	v18 =	vmul.f32 v15, v8;
	v16 =	vsub.f32 v16, v19;
	v19 =	vmul.f32 v13, v9  }
0x169: {  	v6 =	vld.idx.msk [tilespmem:v6+s29+$0x0], $0xffff;
	v20 =	vsub.f32 v11, v20;
	v11 =	vsub.f32 $0.0e+00, v7;
	v7 =	vmul.f32 v15, v10  }
0x16a: {  	v23 =	vld.idx.msk [tilespmem:v5+s29+$0x0], $0xffff;
	v22 =	vmul.f32 v13, v10;
	v18 =	vadd.f32 v18, v19;
	v19 =	vmul.f32 v14, v10  }
0x16b: {  	v25 =	vld.idx.msk [tilespmem:v3+s29+$0x0], $0xffff;
	v16 =	vadd.f32 v24, v16;
	v7 =	vadd.f32 v17, v7;
	v13 =	vmul.f32 v13, v11  }
0x16c: {  	v15 =	vmul.f32 v15, v11;
	v14 =	vmul.f32 v14, v11;
	v17 =	vsub.f32 v20, v22  }
0x16d: {  	v7 =	vsub.f32 v7, v13;
	v13 =	vsub.f32 v18, v19  }
0x16e: {  	v14 =	vadd.f32 v16, v14;
	v15 =	vsub.f32 v17, v15  }
0x16f: {  	v12 =	vmul.f32 v12, v11;
	v16 =	vsub.f32 $0.0e+00, v21;
	v17 =	vsub.f32 $0.0e+00, v23  }
0x170: {  	v19 =	vsub.f32 $0.0e+00, v25;
	v18 =	vmul.f32 v6, v7;
	v38 =	vmul.f32 v6, v15  }
0x171: {  	v21 =	vmul.f32 v16, v7;
	v39 =	vmul.f32 v17, v15  }
0x172: {  	v12 =	vadd.f32 v13, v12;
	v13 =	vmul.f32 v16, v14;
	v40 =	vmul.f32 v19, v15  }
0x173: {  	v41 =	vmul.f32 v19, v14;
	v43 =	vmul.f32 v17, v7  }
0x174: {  	v42 =	vmul.f32 v17, v14;
	v15 =	vmul.f32 v16, v15;
	v20 =	vsub.f32 v38, v21  }
0x175: {  	v7 =	vmul.f32 v19, v7;
	v14 =	vmul.f32 v6, v14;
	v44 =	vsub.f32 v40, v43  }
0x176: {  	v17 =	vmul.f32 v17, v12;
	v15 =	vadd.f32 v18, v15;
	v20 =	vsub.f32 v20, v41  }
0x177: {  	v16 =	vmul.f32 v16, v12;
	v7 =	vadd.f32 v39, v7;
	v14 =	vadd.f32 v44, v14  }
0x178: {  	v18 =	vmul.f32 v19, v12;
	v15 =	vadd.f32 v15, v42;
	v17 =	vsub.f32 v20, v17  }
0x179: {  	v6 =	vmul.f32 v6, v12;
	v7 =	vsub.f32 v7, v13  }
0x17a: {  	v16 =	vadd.f32 v14, v16;
	v15 =	vsub.f32 v15, v18;
	vm0 =	vlt.f32 v17, $0.0e+00  }
0x17b: {  	v19 =	vadd.f32 v7, v6;
	v18 =	vsel vm0, $0xBF800000, v1  }
0x17c: {  	v12 =	vmul.f32 v18, v16;
	v14 =	vmul.f32 v18, v15  }
0x17d: {  	v13 =	vmul.f32 v18, v19  }
0x17e: {  	v6 =	vmul.f32 v14, v14;
	v7 =	vmul.f32 v12, v12;
	_ =	sdelay $0x1  }
0x17f: {  	v6 =	vadd.f32 v7, v6;
	v7 =	vmul.f32 v13, v13;
	_ =	sdelay $0x1  }
0x180: {  	v6 =	vadd.f32 v6, v7;
	_ =	sdelay $0x1  }
0x181: {  	v6 =	vadd.f32 $1.000000020e-24, v6;
	_ =	sdelay $0x1  }
0x182: {  	v7 =	vshra.s32 v6, $0x1;
	v45 =	vmul.f32 $5.000000000e-01, v6  }
0x183: {  	v7 =	vsub.s32 $0x5F3759DF, v7  }
0x184: {  	v46 =	vmul.f32 v7, v45;
	_ =	sdelay $0x1  }
0x185: {  	v21 =	vmul.f32 v7, v46;
	_ =	sdelay $0x1  }
0x186: {  	v21 =	vsub.f32 $1.500000000e+00, v21;
	_ =	sdelay $0x1  }
0x187: {  	v7 =	vmul.f32 v7, v21;
	_ =	sdelay $0x1  }
0x188: {  	v21 =	vmul.f32 v7, v45;
	_ =	sdelay $0x1  }
0x189: {  	v21 =	vmul.f32 v21, v7;
	_ =	sdelay $0x1  }
0x18a: {  	v21 =	vsub.f32 $1.500000000e+00, v21;
	_ =	sdelay $0x1  }
0x18b: {  	v7 =	vmul.f32 v21, v7;
	_ =	sdelay $0x1  }
0x18c: {  	v20 =	vmul.f32 v7, v45;
	_ =	sdelay $0x1  }
0x18d: {  	v20 =	vmul.f32 v20, v7;
	_ =	sdelay $0x1  }
0x18e: {  	v20 =	vsub.f32 $1.500000000e+00, v20;
	_ =	sdelay $0x1  }
0x18f: {  	v20 =	vmul.f32 v20, v7;
	_ =	sdelay $0x1  }
0x190: {  	v18 =	vmul.f32 v18, v17;
	v47 =	vmul.f32 v20, v6;
	_ =	sdelay $0x1  }
0x191: {  	v6 =	vmax.f32 v47, v18  }
0x192: {  	v6 =	vmax.f32 v6, $1.000000000e-30  }
0x193: {  	(erf) = vrcp.f32 v6;
	_ =	sdelay $0x7  }
0x194: {  	v7 =	vor.u32 $0x1, v4  }
0x195: {  	v48 =	vmin.f32 v47, v18;
	v6 =	vor.u32 $0x2, v4;
	v49 =	vpop (erf)  }
0x196: {  	v22 =	vmul.f32 v49, v48;
	_ =	sdelay $0x1  }
0x197: {  	v51 =	vld.idx.msk [tilespmem:v4+s29+$0x0], $0xffff;
	v26 =	vmul.f32 v22, v22  }
0x198: {  	v52 =	vld.idx.msk [tilespmem:v7+s29+$0x0], $0xffff  }
0x199: {  	v50 =	vld.idx.msk [tilespmem:v6+s29+$0x0], $0xffff;
	v27 =	vmul.f32 $7.825482630e-03, v26;
	_ =	sdelay $0x1  }
0x19a: {  	v27 =	vadd.f32 $-3.689862790e-02, v27  }
0x19b: {  	v29 =	vmul.f32 v16, v51;
	v31 =	vmul.f32 v19, v51  }
0x19c: {  	v30 =	vmul.f32 v15, v52;
	v27 =	vmul.f32 v27, v26  }
0x19d: {  	v53 =	vmul.f32 v19, v52;
	v28 =	vmul.f32 v15, v50  }
0x19e: {  	v29 =	vsub.f32 v30, v29;
	v32 =	vmul.f32 v16, v50;
	v27 =	vadd.f32 $8.374155310e-02, v27  }
0x19f: {  	v35 =	vld.idx.msk [tilespmem:v6+s28+$0x0], $0xffff;
	v28 =	vsub.f32 v31, v28  }
0x1a0: {  	v36 =	vld.idx.msk [tilespmem:v6+s26+$0x0], $0xffff;
	v29 =	vadd.f32 v29, v29;
	v30 =	vsub.f32 v32, v53;
	v27 =	vmul.f32 v27, v26  }
0x1a1: {  	v55 =	vld.idx.msk [tilespmem:v4+s28+$0x0], $0xffff;
	v38 =	vmul.f32 v18, v18;
	v57 =	vmul.f32 v47, v47;
	v28 =	vadd.f32 v28, v28  }
0x1a2: {  	v33 =	vld.idx.msk [tilespmem:v4+s26+$0x0], $0xffff;
	v54 =	vmul.f32 v29, v15;
	v30 =	vadd.f32 v30, v30;
	v27 =	vadd.f32 $-1.348040550e-01, v27  }
0x1a3: {  	v34 =	vmul.f32 v29, v16;
	v15 =	vmul.f32 v28, v15  }
0x1a4: {  	v16 =	vmul.f32 v30, v16;
	v27 =	vmul.f32 v27, v26  }
0x1a5: {  	v58 =	vmax.f32 v18, $9.999999970e-07;
	v56 =	vld.idx.msk [tilespmem:v7+s28+$0x0], $0xffff;
	v62 =	vadd.f32 v57, v38;
	v59 =	vsub.f32 v35, v36  }
0x1a6: {  	(erf) = vrcp.f32 v58;
	v15 =	vsub.f32 v15, v16;
	v16 =	vld.idx.msk [tilespmem:v7+s26+$0x0], $0xffff;
	v27 =	vadd.f32 $1.987987160e-01, v27  }
0x1a7: {  	v29 =	vmul.f32 v29, v17;
	(erf) = vrcp.f32 v62;
	v32 =	vsub.f32 v55, v33  }
0x1a8: {  	v63 =	vmul.f32 v59, v10;
	v27 =	vmul.f32 v27, v26  }
0x1a9: {  	v24 =	vadd.f32 v29, v50;
	v40 =	vmul.f32 v59, v9;
	v60 =	vmul.f32 v32, v10  }
0x1aa: {  	v37 =	vmul.f32 v30, v19;
	v30 =	vmul.f32 v30, v17;
	v27 =	vadd.f32 $-3.332637550e-01, v27  }
0x1ab: {  	v19 =	vmul.f32 v28, v19;
	v17 =	vmul.f32 v28, v17;
	v16 =	vsub.f32 v56, v16  }
0x1ac: {  	v28 =	vadd.f32 v57, v57;
	v31 =	vsub.f32 v37, v54;
	v26 =	vmul.f32 v27, v26  }
0x1ad: {  	v23 =	vadd.f32 v30, v51;
	v30 =	vadd.f32 v47, v47;
	v41 =	vmul.f32 v16, v11  }
0x1ae: {  	v17 =	vadd.f32 v17, v52;
	v42 =	vmul.f32 v16, v9;
	v26 =	vadd.f32 $9.999993440e-01, v26  }
0x1af: {  	v61 =	vmul.f32 v32, v11;
	v19 =	vsub.f32 v34, v19;
	v43 =	vsub.f32 v63, v41  }
0x1b0: {  	v17 =	vadd.f32 v31, v17;
	v25 =	vsub.f32 v42, v60;
	v22 =	vmul.f32 v26, v22  }
0x1b1: {  	vm1 =	vgt.f32 v47, v18;
	v45 =	vadd.f32 v43, v43;
	v27 =	vsub.f32 v61, v40  }
0x1b2: {  	vm15 =	vlt.f32 v47, $9.999999970e-07;
	v25 =	vadd.f32 v25, v25;
	v46 =	vsub.f32 $1.570796370e+00, v22  }
0x1b3: {  	v19 =	vadd.f32 v19, v23;
	v49 =	vmul.f32 v45, v11;
	v44 =	vadd.f32 v27, v27  }
0x1b4: {  	v50 =	vmul.f32 v45, v8;
	v51 =	vmul.f32 v25, v10;
	v21 =	vsel vm1, v46, v22  }
0x1b5: {  	v10 =	vmul.f32 v45, v10;
	v47 =	vmul.f32 v44, v9;
	v21 =	vadd.f32 v21, v21  }
0x1b6: {  	v52 =	vpop (erf);
	v53 =	vadd.f32 v50, v32;
	v48 =	vmul.f32 v44, v8;
	v11 =	vmul.f32 v44, v11  }
0x1b7: {  	v27 =	vadd.f32 v52, v52;
	v8 =	vmul.f32 v25, v8;
	v54 =	vmul.f32 v21, v21  }
0x1b8: {  	v55 =	vpop (erf);
	v9 =	vmul.f32 v25, v9;
	v16 =	vadd.f32 v48, v16;
	v10 =	vsub.f32 v47, v10  }
0x1b9: {  	v56 =	vmul.f32 v55, v28;
	v8 =	vadd.f32 v8, v59;
	v57 =	vadd.f32 v54, v54  }
0x1ba: {  	v11 =	vsub.f32 v51, v11;
	v9 =	vsub.f32 v49, v9;
	v20 =	vmul.f32 v21, v20  }
0x1bb: {  	v8 =	vadd.f32 v10, v8;
	v10 =	vadd.f32 v15, v24;
	v15 =	vmul.f32 v57, v56  }
0x1bc: {  	v11 =	vadd.f32 v11, v53;
	v16 =	vadd.f32 v9, v16;
	v20 =	vsel vm15, v27, v20  }
0x1bd: {  	v58 =	vsub.f32 v8, v10;
	v9 =	vmul.f32 v20, v14;
	v10 =	vsel vm15, $0x3F800000, v15  }
0x1be: {  	v8 =	vmul.f32 v20, v13;
	v15 =	vsub.f32 v11, v19;
	(erf) = vrcp.f32 v10  }
0x1bf: {  	v13 =	vmul.f32 v9, v58;
	v11 =	vmul.f32 v30, v18  }
0x1c0: {  	v10 =	vmul.f32 v20, v12;
	v12 =	vsub.f32 v16, v17;
	v14 =	vmul.f32 v8, v15  }
0x1c1: {  	v11 =	vmul.f32 v55, v11  }
0x1c2: {  	v16 =	vmul.f32 v9, v12;
	v17 =	vmul.f32 v10, v15;
	v13 =	vsub.f32 v14, v13  }
0x1c3: {  	v18 =	vadd.f32 v56, v56;
	v19 =	vmul.f32 v8, v12;
	v14 =	vmul.f32 v10, v58  }
0x1c4: {  	v11 =	vmul.f32 v21, v11;
	v16 =	vsub.f32 v16, v17;
	v17 =	vmul.f32 v13, v8  }
0x1c5: {  	v59 =	vmul.f32 v13, v9;
	v14 =	vsub.f32 v14, v19;
	v13 =	vmul.f32 $5.000000000e-01, v13  }
0x1c6: {  	v18 =	vsub.f32 v18, v11;
	v19 =	vmul.f32 v16, v10;
	v60 =	vmul.f32 v16, v9  }
0x1c7: {  	v61 =	vmul.f32 v14, v8;
	v62 =	vmul.f32 v14, v10;
	v63 =	vpop (erf)  }
0x1c8: {  	v11 =	vsub.f32 v12, v13;
	v12 =	vmul.f32 $5.000000000e-01, v14;
	v13 =	vmul.f32 v63, v18  }
0x1c9: {  	v17 =	vsub.f32 v19, v17;
	v19 =	vsub.f32 v61, v60;
	v18 =	vmul.f32 $5.000000000e-01, v16  }
0x1ca: {  	v12 =	vsub.f32 v15, v12;
	v16 =	vsub.f32 v59, v62;
	v14 =	vsel vm15, $0x3DAAAAAB, v13  }
0x1cb: {  	s1 =	simm.s32 $0x10;
	v13 =	vsub.f32 v58, v18;
	v17 =	vmul.f32 v17, v14;
	v15 =	vmul.f32 v19, v14  }
.LBB2_5:
0x1cc: {  	p0 =	sne.s32 s1, $0x310;
	v14 =	vmul.f32 v16, v14;
	s2 =	smov.u32 s1;
	s1 =	sadd.s32 $0x10, s1  }
0x1cd: {  	v16 =	vmov s2;
	v12 =	vadd.f32 v17, v12  }
0x1ce: {  	v11 =	vadd.f32 v15, v11;
	v16 =	vshll.u32 v16, $0x3  }
0x1cf: {  	v13 =	vadd.f32 v14, v13;
	[tilespmem:v4+s0+$0x0] =	vst.idx.msk $0xffff, v12;
	v4 =	vor.u32 v0, v16  }
0x1d0: {  	v12 =	vor.u32 $0x3, v4;
	v14 =	vor.u32 $0x6, v4;
	[tilespmem:v7+s0+$0x0] =	vst.idx.msk $0xffff, v11  }
0x1d1: {  	[tilespmem:v6+s0+$0x0] =	vst.idx.msk $0xffff, v13  }
0x1d2: {  	v6 =	vor.u32 $0x4, v4;
	[tilespmem:v2+s0+$0x0] =	vst.idx.msk $0xffff, v9;
	v2 =	vmov v12  }
0x1d3: {  	[tilespmem:v3+s0+$0x0] =	vst.idx.msk $0xffff, v10;
	v3 =	vmov v6  }
0x1d4: {  	[tilespmem:v5+s0+$0x0] =	vst.idx.msk $0xffff, v8  }
0x1d5: {  	v5 =	vor.u32 $0x5, v4;
	v6 =	vld.idx.msk [tilespmem:v12+s26+$0x0], $0xffff  }
0x1d6: {  	v7 =	vld.idx.msk [tilespmem:v14+s28+$0x0], $0xffff  }
0x1d7: {  	v8 =	vld.idx.msk [tilespmem:v14+s26+$0x0], $0xffff  }
0x1d8: {  	v12 =	vld.idx.msk [tilespmem:v3+s28+$0x0], $0xffff  }
0x1d9: {  	v13 =	vld.idx.msk [tilespmem:v2+s28+$0x0], $0xffff  }
0x1da: {  	v15 =	vld.idx.msk [tilespmem:v5+s28+$0x0], $0xffff  }
0x1db: {  	v10 =	vld.idx.msk [tilespmem:v3+s26+$0x0], $0xffff  }
0x1dc: {  	v11 =	vld.idx.msk [tilespmem:v5+s26+$0x0], $0xffff  }
0x1dd: {  	v9 =	vsub.f32 $0.0e+00, v6;
	v6 =	vmul.f32 v7, v8  }
0x1de: {  	v16 =	vmul.f32 v12, v8  }
0x1df: {  	v18 =	vmul.f32 v7, v9;
	v17 =	vmul.f32 v13, v8  }
0x1e0: {  	v20 =	vmul.f32 v13, v9;
	v19 =	vmul.f32 v15, v9  }
0x1e1: {  	v10 =	vsub.f32 $0.0e+00, v10;
	v17 =	vadd.f32 v18, v17;
	v18 =	vmul.f32 v15, v8;
	v21 =	vld.idx.msk [tilespmem:v2+s29+$0x0], $0xffff  }
0x1e2: {  	v6 =	vsub.f32 v6, v20;
	v16 =	vsub.f32 v16, v19;
	v19 =	vmul.f32 v12, v9;
	v14 =	vld.idx.msk [tilespmem:v14+s29+$0x0], $0xffff  }
0x1e3: {  	v11 =	vsub.f32 $0.0e+00, v11;
	v22 =	vmul.f32 v15, v10;
	v23 =	vmul.f32 v12, v10;
	v20 =	vld.idx.msk [tilespmem:v3+s29+$0x0], $0xffff  }
0x1e4: {  	v25 =	vmul.f32 v7, v10;
	v18 =	vadd.f32 v18, v19;
	v19 =	vmul.f32 v13, v10;
	v24 =	vld.idx.msk [tilespmem:v5+s29+$0x0], $0xffff  }
0x1e5: {  	v12 =	vmul.f32 v12, v11;
	v15 =	vmul.f32 v15, v11;
	v17 =	vadd.f32 v17, v22  }
0x1e6: {  	v13 =	vmul.f32 v13, v11;
	v16 =	vadd.f32 v25, v16;
	v6 =	vsub.f32 v6, v23  }
0x1e7: {  	v7 =	vmul.f32 v7, v11;
	v12 =	vsub.f32 v17, v12;
	v17 =	vsub.f32 v18, v19  }
0x1e8: {  	v13 =	vadd.f32 v16, v13;
	v15 =	vsub.f32 v6, v15  }
0x1e9: {  	v16 =	vadd.f32 v17, v7;
	v17 =	vsub.f32 $0.0e+00, v21;
	v18 =	vmul.f32 v14, v12  }
0x1ea: {  	v19 =	vsub.f32 $0.0e+00, v20;
	v21 =	vmul.f32 v14, v15;
	v20 =	vsub.f32 $0.0e+00, v24  }
0x1eb: {  	v6 =	vor.u32 $0x2, v4;
	v22 =	vmul.f32 v14, v16;
	v23 =	vmul.f32 v17, v12  }
0x1ec: {  	v7 =	vor.u32 $0x1, v4;
	v25 =	vmul.f32 v17, v13;
	v24 =	vmul.f32 v20, v15  }
0x1ed: {  	v26 =	vmul.f32 v19, v15;
	v21 =	vsub.f32 v21, v23;
	v23 =	vmul.f32 v19, v13  }
0x1ee: {  	v27 =	vmul.f32 v20, v13;
	v28 =	vmul.f32 v20, v12  }
0x1ef: {  	v15 =	vmul.f32 v17, v15;
	v20 =	vmul.f32 v20, v16;
	v21 =	vsub.f32 v21, v23  }
0x1f0: {  	v12 =	vmul.f32 v19, v12;
	v13 =	vmul.f32 v14, v13;
	v26 =	vsub.f32 v26, v28;
	v23 =	vld.idx.msk [tilespmem:v6+s29+$0x0], $0xffff  }
0x1f1: {  	v17 =	vmul.f32 v17, v16;
	v14 =	vadd.f32 v18, v15;
	v20 =	vsub.f32 v21, v20;
	v28 =	vld.idx.msk [tilespmem:v4+s29+$0x0], $0xffff  }
0x1f2: {  	v16 =	vmul.f32 v19, v16;
	v12 =	vadd.f32 v24, v12;
	v13 =	vadd.f32 v26, v13;
	v15 =	vld.idx.msk [tilespmem:v7+s29+$0x0], $0xffff  }
0x1f3: {  	v14 =	vadd.f32 v14, v27;
	vm0 =	vlt.f32 v20, $0.0e+00  }
0x1f4: {  	v12 =	vsub.f32 v12, v25;
	v17 =	vadd.f32 v13, v17;
	v21 =	vsel vm0, $0xBF800000, v1  }
0x1f5: {  	v16 =	vsub.f32 v14, v16  }
0x1f6: {  	v18 =	vadd.f32 v12, v22;
	v12 =	vmul.f32 v21, v17;
	v19 =	vmul.f32 v17, v23  }
0x1f7: {  	v14 =	vmul.f32 v21, v16;
	v22 =	vmul.f32 v16, v23  }
0x1f8: {  	v13 =	vmul.f32 v21, v18;
	v24 =	vmul.f32 v17, v28  }
0x1f9: {  	v25 =	vmul.f32 v14, v14;
	v26 =	vmul.f32 v12, v12  }
0x1fa: {  	v27 =	vmul.f32 v18, v28;
	v29 =	vmul.f32 v16, v15  }
0x1fb: {  	v25 =	vadd.f32 v26, v25;
	v26 =	vmul.f32 v13, v13  }
0x1fc: {  	v30 =	vmul.f32 v18, v15;
	v22 =	vsub.f32 v27, v22;
	v24 =	vsub.f32 v29, v24  }
0x1fd: {  	v25 =	vadd.f32 v25, v26  }
0x1fe: {  	v22 =	vadd.f32 v22, v22;
	v24 =	vadd.f32 v24, v24  }
0x1ff: {  	v19 =	vsub.f32 v19, v30;
	v25 =	vadd.f32 $1.000000020e-24, v25  }
0x200: {  	v27 =	vmul.f32 v22, v16;
	v26 =	vmul.f32 v24, v16  }
0x201: {  	v16 =	vadd.f32 v19, v19;
	v19 =	vshra.s32 v25, $0x1;
	v29 =	vmul.f32 $5.000000000e-01, v25  }
0x202: {  	v30 =	vmul.f32 v24, v17;
	v24 =	vmul.f32 v24, v20;
	v31 =	vsub.s32 $0x5F3759DF, v19  }
0x203: {  	v17 =	vmul.f32 v16, v17;
	v19 =	vmul.f32 v31, v29  }
0x204: {  	v32 =	vmul.f32 v16, v18;
	v33 =	vmul.f32 v16, v20;
	v16 =	vadd.f32 v24, v23  }
0x205: {  	v23 =	vmul.f32 v22, v18;
	v17 =	vsub.f32 v27, v17;
	v24 =	vmul.f32 v31, v19  }
0x206: {  	v22 =	vmul.f32 v22, v20;
	v18 =	vadd.f32 v33, v28;
	v19 =	vsub.f32 v32, v26  }
0x207: {  	v24 =	vsub.f32 $1.500000000e+00, v24;
	_ =	sdelay $0x1  }
0x208: {  	v24 =	vmul.f32 v31, v24;
	_ =	sdelay $0x1  }
0x209: {  	v26 =	vmul.f32 v24, v29;
	_ =	sdelay $0x1  }
0x20a: {  	v26 =	vmul.f32 v26, v24;
	_ =	sdelay $0x1  }
0x20b: {  	v26 =	vsub.f32 $1.500000000e+00, v26;
	_ =	sdelay $0x1  }
0x20c: {  	v24 =	vmul.f32 v26, v24;
	_ =	sdelay $0x1  }
0x20d: {  	v26 =	vmul.f32 v24, v29;
	_ =	sdelay $0x1  }
0x20e: {  	v26 =	vmul.f32 v26, v24;
	_ =	sdelay $0x1  }
0x20f: {  	v26 =	vsub.f32 $1.500000000e+00, v26;
	_ =	sdelay $0x1  }
0x210: {  	v24 =	vmul.f32 v26, v24;
	_ =	sdelay $0x1  }
0x211: {  	v20 =	vmul.f32 v21, v20;
	v21 =	vmul.f32 v24, v25;
	_ =	sdelay $0x1  }
0x212: {  	v25 =	vmax.f32 v21, v20;
	v26 =	vmul.f32 v21, v21;
	v27 =	vadd.f32 v21, v21  }
0x213: {  	v28 =	vmax.f32 v20, $9.999999970e-07;
	vm0 =	vgt.f32 v21, v20;
	v25 =	vmax.f32 v25, $1.000000000e-30  }
0x214: {  	v29 =	vmul.f32 v20, v20;
	(erf) = vrcp.f32 v25  }
0x215: {  	v25 =	vmul.f32 v27, v20;
	(erf) = vrcp.f32 v28  }
0x216: {  	v27 =	vadd.f32 v26, v29;
	_ =	sdelay $0x6  }
0x217: {  	v20 =	vmin.f32 v21, v20;
	v28 =	vpop (erf)  }
0x218: {  	v20 =	vmul.f32 v28, v20;
	v28 =	vpop (erf);
	_ =	sdelay $0x1  }
0x219: {  	v29 =	vmul.f32 v20, v20;
	_ =	sdelay $0x1  }
0x21a: {  	v31 =	vmul.f32 $7.825482630e-03, v29;
	_ =	sdelay $0x1  }
0x21b: {  	v31 =	vadd.f32 $-3.689862790e-02, v31;
	_ =	sdelay $0x1  }
0x21c: {  	v31 =	vmul.f32 v31, v29;
	_ =	sdelay $0x1  }
0x21d: {  	v31 =	vadd.f32 $8.374155310e-02, v31  }
0x21e: {  	v32 =	vld.idx.msk [tilespmem:v4+s28+$0x0], $0xffff  }
0x21f: {  	v33 =	vld.idx.msk [tilespmem:v4+s26+$0x0], $0xffff;
	v31 =	vmul.f32 v31, v29  }
0x220: {  	v34 =	vld.idx.msk [tilespmem:v6+s28+$0x0], $0xffff  }
0x221: {  	v35 =	vld.idx.msk [tilespmem:v6+s26+$0x0], $0xffff;
	v31 =	vadd.f32 $-1.348040550e-01, v31  }
0x222: {  	v36 =	vld.idx.msk [tilespmem:v7+s28+$0x0], $0xffff  }
0x223: {  	v37 =	vld.idx.msk [tilespmem:v7+s26+$0x0], $0xffff;
	v31 =	vmul.f32 v31, v29;
	_ =	sdelay $0x1  }
0x224: {  	v31 =	vadd.f32 $1.987987160e-01, v31  }
0x225: {  	v32 =	vsub.f32 v32, v33  }
0x226: {  	v31 =	vmul.f32 v31, v29  }
0x227: {  	v33 =	vsub.f32 v34, v35;
	v34 =	vmul.f32 v32, v10  }
0x228: {  	v35 =	vsub.f32 v36, v37;
	v36 =	vmul.f32 v32, v11;
	v31 =	vadd.f32 $-3.332637550e-01, v31  }
0x229: {  	v23 =	vsub.f32 v30, v23;
	v37 =	vmul.f32 v33, v10;
	v38 =	vmul.f32 v33, v9  }
0x22a: {  	v15 =	vadd.f32 v22, v15;
	v30 =	vmul.f32 v35, v11;
	v22 =	vmul.f32 v31, v29  }
0x22b: {  	v26 =	vadd.f32 v26, v26;
	v29 =	vsub.f32 v36, v38;
	v31 =	vmul.f32 v35, v9  }
0x22c: {  	v30 =	vsub.f32 v37, v30;
	v22 =	vadd.f32 $9.999993440e-01, v22;
	(erf) = vrcp.f32 v27  }
0x22d: {  	vm1 =	vlt.f32 v21, $9.999999970e-07;
	v27 =	vsub.f32 v31, v34;
	v29 =	vadd.f32 v29, v29  }
0x22e: {  	v15 =	vadd.f32 v19, v15;
	v21 =	vadd.f32 v30, v30;
	v19 =	vmul.f32 v22, v20  }
0x22f: {  	v20 =	vadd.f32 v27, v27;
	v22 =	vmul.f32 v29, v9;
	v27 =	vmul.f32 v29, v8  }
0x230: {  	v30 =	vmul.f32 v21, v11;
	v31 =	vmul.f32 v21, v8;
	v34 =	vsub.f32 $1.570796370e+00, v19  }
0x231: {  	v36 =	vmul.f32 v20, v10;
	v10 =	vmul.f32 v21, v10;
	v21 =	vadd.f32 v27, v35  }
0x232: {  	v11 =	vmul.f32 v29, v11;
	v27 =	vadd.f32 v31, v32;
	v19 =	vsel vm0, v34, v19  }
0x233: {  	v28 =	vadd.f32 v28, v28;
	v9 =	vmul.f32 v20, v9;
	v19 =	vadd.f32 v19, v19  }
0x234: {  	v8 =	vmul.f32 v20, v8;
	v11 =	vsub.f32 v36, v11;
	v10 =	vsub.f32 v22, v10  }
0x235: {  	v9 =	vsub.f32 v30, v9;
	v20 =	vmul.f32 v19, v24;
	v22 =	vmul.f32 v19, v19;
	v24 =	vpop (erf)  }
0x236: {  	v8 =	vadd.f32 v8, v33;
	v11 =	vadd.f32 v11, v27;
	v26 =	vmul.f32 v24, v26  }
0x237: {  	v21 =	vadd.f32 v9, v21;
	v20 =	vsel vm1, v28, v20;
	v9 =	vadd.f32 v22, v22  }
0x238: {  	v8 =	vadd.f32 v10, v8;
	v10 =	vadd.f32 v17, v16  }
0x239: {  	v16 =	vadd.f32 v23, v18;
	v17 =	vmul.f32 v24, v25;
	v18 =	vmul.f32 v9, v26  }
0x23a: {  	v22 =	vsub.f32 v8, v10;
	v10 =	vmul.f32 v20, v12;
	v9 =	vmul.f32 v20, v14  }
0x23b: {  	v12 =	vsub.f32 v11, v16;
	v8 =	vmul.f32 v20, v13;
	v11 =	vsel vm1, $0x3F800000, v18  }
0x23c: {  	v13 =	vsub.f32 v21, v15;
	v14 =	vmul.f32 v9, v22;
	(erf) = vrcp.f32 v11  }
0x23d: {  	v15 =	vmul.f32 v8, v12;
	v11 =	vmul.f32 v10, v22  }
0x23e: {  	v16 =	vmul.f32 v9, v13;
	v18 =	vmul.f32 v10, v12  }
0x23f: {  	v14 =	vsub.f32 v15, v14  }
0x240: {  	v17 =	vmul.f32 v19, v17;
	v19 =	vmul.f32 v8, v13;
	v15 =	vadd.f32 v26, v26  }
0x241: {  	v16 =	vsub.f32 v16, v18;
	v18 =	vmul.f32 v14, v8;
	v20 =	vmul.f32 v14, v9  }
0x242: {  	v19 =	vsub.f32 v11, v19;
	v11 =	vmul.f32 $5.000000000e-01, v14  }
0x243: {  	v14 =	vsub.f32 v15, v17;
	v15 =	vmul.f32 v16, v10;
	v17 =	vmul.f32 v16, v9  }
0x244: {  	v21 =	vmul.f32 v19, v8;
	v23 =	vmul.f32 v19, v10;
	v11 =	vsub.f32 v13, v11  }
.Ltmp1:
0x245: {  	v13 =	vmul.f32 $5.000000000e-01, v19;
	v19 =	vmul.f32 $5.000000000e-01, v16;
	v16 =	vpop (erf);
	(pc) =	sbr.rel @p0 .LBB2_5-.Ltmp1, $4  }
0x246: {  	v14 =	vmul.f32 v16, v14  }
0x247: {  	v15 =	vsub.f32 v15, v18;
	v18 =	vsub.f32 v21, v17  }
0x248: {  	v12 =	vsub.f32 v12, v13;
	v16 =	vsub.f32 v20, v23;
	v14 =	vsel vm1, $0x3DAAAAAB, v14  }
0x249: {  	v13 =	vsub.f32 v22, v19;
	v17 =	vmul.f32 v15, v14;
	v15 =	vmul.f32 v18, v14  }
0x24a: {  	_ =	sdelay $0x1  }
0x24b: {  	v14 =	vmul.f32 v16, v14;
	v12 =	vadd.f32 v17, v12  }
0x24c: {  	v11 =	vadd.f32 v15, v11  }
0x24d: {  	s9 =	sadd.s32 $0x1, s9;
	v13 =	vadd.f32 v14, v13;
	[tilespmem:v4+s0+$0x0] =	vst.idx.msk $0xffff, v12  }
0x24e: {  	p0 =	sne.s32 s9, $0x3E;
	[tilespmem:v7+s0+$0x0] =	vst.idx.msk $0xffff, v11  }
.Ltmp2:
0x24f: {  	[tilespmem:v6+s0+$0x0] =	vst.idx.msk $0xffff, v13;
	(pc) =	sbr.rel @p0 .LBB2_2-.Ltmp2, $4  }
0x250: {  	[tilespmem:v2+s0+$0x0] =	vst.idx.msk $0xffff, v9  }
0x251: {  	[tilespmem:v3+s0+$0x0] =	vst.idx.msk $0xffff, v10  }
0x252: {  	s1 =	sadd.s32 s10, s13;
	[tilespmem:v5+s0+$0x0] =	vst.idx.msk $0xffff, v8  }
0x253: {  	[hbm4b:s1+s3] =	stream.linear.scatter [tilespmem:s0], [sflag:$0x6], $0x1900, $0x38;
	[tilespmem:$0xD480] =	vst v63  }
0x254: {  	_ =	swait.ge [sflag:s24], $0x1900  }
0x255: {  	[sflag:s24] =	ssyncset.done $0x0  }
0x256: {  	[sflag:s24] =	ssyncadd.s32 $0xFFFFE700  }
0x257: {  	s1 =	simm.s32 $0x0;
	_ =	swait.ge [sflag:s24], $0x1900  }
0x258: {  	v2 =	vmov s1;
	[sflag:s24] =	ssyncset.done $0x0  }
0x259: {  	v2 =	vshll.u32 v2, $0x3;
	[sflag:s24] =	ssyncadd.s32 $0xFFFFE700  }
0x25a: {  	v3 =	vor.u32 v0, v2;
	_ =	swait.ge [sflag:s24], $0x1900  }
0x25b: {  	v2 =	vor.u32 $0x3, v3;
	[sflag:s24] =	ssyncset.done $0x0  }
0x25c: {  	s8 =	simm.s32 $0x5;
	v6 =	vor.u32 $0x6, v3;
	[sflag:s24] =	ssyncadd.s32 $0xFFFFE700  }
0x25d: {  	_ =	swait.ge [sflag:s8], $0x1900  }
0x25e: {  	v4 =	vor.u32 $0x4, v3;
	[sflag:s8] =	ssyncset.done $0x0  }
0x25f: {  	[sflag:s8] =	ssyncadd.s32 $0xFFFFE700  }
0x260: {  	v7 =	vld.idx.msk [tilespmem:v2+s21+$0x0], $0xffff  }
0x261: {  	v5 =	vor.u32 $0x5, v3;
	v12 =	vld.idx.msk [tilespmem:v6+s22+$0x0], $0xffff  }
0x262: {  	v8 =	vld.idx.msk [tilespmem:v6+s21+$0x0], $0xffff  }
0x263: {  	v13 =	vld.idx.msk [tilespmem:v4+s22+$0x0], $0xffff  }
0x264: {  	v14 =	vld.idx.msk [tilespmem:v2+s22+$0x0], $0xffff  }
0x265: {  	v10 =	vld.idx.msk [tilespmem:v4+s21+$0x0], $0xffff  }
0x266: {  	v15 =	vld.idx.msk [tilespmem:v5+s22+$0x0], $0xffff;
	_ =	sdelay $0x1  }
0x267: {  	v9 =	vsub.f32 $0.0e+00, v7  }
0x268: {  	v7 =	vld.idx.msk [tilespmem:v5+s21+$0x0], $0xffff;
	v11 =	vmul.f32 v12, v8  }
0x269: {  	v17 =	vmul.f32 v14, v8;
	v10 =	vsub.f32 $0.0e+00, v10;
	v18 =	vmul.f32 v12, v9  }
0x26a: {  	v16 =	vmul.f32 v13, v8;
	v19 =	vmul.f32 v15, v9  }
0x26b: {  	v20 =	vmul.f32 v14, v9;
	v24 =	vmul.f32 v12, v10;
	v17 =	vadd.f32 v18, v17  }
0x26c: {  	v21 =	vld.idx.msk [tilespmem:v2+s23+$0x0], $0xffff;
	v18 =	vmul.f32 v15, v8;
	v16 =	vsub.f32 v16, v19;
	v19 =	vmul.f32 v13, v9  }
0x26d: {  	v6 =	vld.idx.msk [tilespmem:v6+s23+$0x0], $0xffff;
	v20 =	vsub.f32 v11, v20;
	v11 =	vsub.f32 $0.0e+00, v7;
	v7 =	vmul.f32 v15, v10  }
0x26e: {  	v23 =	vld.idx.msk [tilespmem:v5+s23+$0x0], $0xffff;
	v22 =	vmul.f32 v13, v10;
	v18 =	vadd.f32 v18, v19;
	v19 =	vmul.f32 v14, v10  }
0x26f: {  	v25 =	vld.idx.msk [tilespmem:v4+s23+$0x0], $0xffff;
	v16 =	vadd.f32 v24, v16;
	v7 =	vadd.f32 v17, v7;
	v13 =	vmul.f32 v13, v11  }
0x270: {  	v15 =	vmul.f32 v15, v11;
	v14 =	vmul.f32 v14, v11;
	v17 =	vsub.f32 v20, v22  }
0x271: {  	v7 =	vsub.f32 v7, v13;
	v13 =	vsub.f32 v18, v19  }
0x272: {  	v14 =	vadd.f32 v16, v14;
	v15 =	vsub.f32 v17, v15  }
0x273: {  	v12 =	vmul.f32 v12, v11;
	v16 =	vsub.f32 $0.0e+00, v21;
	v17 =	vsub.f32 $0.0e+00, v23  }
0x274: {  	v19 =	vsub.f32 $0.0e+00, v25;
	v18 =	vmul.f32 v6, v7;
	v38 =	vmul.f32 v6, v15  }
0x275: {  	v21 =	vmul.f32 v16, v7;
	v39 =	vmul.f32 v17, v15  }
0x276: {  	v12 =	vadd.f32 v13, v12;
	v13 =	vmul.f32 v16, v14;
	v40 =	vmul.f32 v19, v15  }
0x277: {  	v41 =	vmul.f32 v19, v14;
	v43 =	vmul.f32 v17, v7  }
0x278: {  	v42 =	vmul.f32 v17, v14;
	v15 =	vmul.f32 v16, v15;
	v20 =	vsub.f32 v38, v21  }
0x279: {  	v7 =	vmul.f32 v19, v7;
	v14 =	vmul.f32 v6, v14;
	v44 =	vsub.f32 v40, v43  }
0x27a: {  	v17 =	vmul.f32 v17, v12;
	v15 =	vadd.f32 v18, v15;
	v20 =	vsub.f32 v20, v41  }
0x27b: {  	v16 =	vmul.f32 v16, v12;
	v7 =	vadd.f32 v39, v7;
	v14 =	vadd.f32 v44, v14  }
0x27c: {  	v18 =	vmul.f32 v19, v12;
	v15 =	vadd.f32 v15, v42;
	v17 =	vsub.f32 v20, v17  }
0x27d: {  	v6 =	vmul.f32 v6, v12;
	v7 =	vsub.f32 v7, v13  }
0x27e: {  	v16 =	vadd.f32 v14, v16;
	v15 =	vsub.f32 v15, v18;
	vm0 =	vlt.f32 v17, $0.0e+00  }
0x27f: {  	v19 =	vadd.f32 v7, v6;
	v18 =	vsel vm0, $0xBF800000, v1  }
0x280: {  	v12 =	vmul.f32 v18, v16;
	v14 =	vmul.f32 v18, v15  }
0x281: {  	v13 =	vmul.f32 v18, v19  }
0x282: {  	v6 =	vmul.f32 v14, v14;
	v7 =	vmul.f32 v12, v12;
	_ =	sdelay $0x1  }
0x283: {  	v6 =	vadd.f32 v7, v6;
	v7 =	vmul.f32 v13, v13;
	_ =	sdelay $0x1  }
0x284: {  	v6 =	vadd.f32 v6, v7;
	_ =	sdelay $0x1  }
0x285: {  	v6 =	vadd.f32 $1.000000020e-24, v6;
	_ =	sdelay $0x1  }
0x286: {  	v7 =	vshra.s32 v6, $0x1;
	v45 =	vmul.f32 $5.000000000e-01, v6  }
0x287: {  	v7 =	vsub.s32 $0x5F3759DF, v7  }
0x288: {  	v46 =	vmul.f32 v7, v45;
	_ =	sdelay $0x1  }
0x289: {  	v21 =	vmul.f32 v7, v46;
	_ =	sdelay $0x1  }
0x28a: {  	v21 =	vsub.f32 $1.500000000e+00, v21;
	_ =	sdelay $0x1  }
0x28b: {  	v7 =	vmul.f32 v7, v21;
	_ =	sdelay $0x1  }
0x28c: {  	v21 =	vmul.f32 v7, v45;
	_ =	sdelay $0x1  }
0x28d: {  	v21 =	vmul.f32 v21, v7;
	_ =	sdelay $0x1  }
0x28e: {  	v21 =	vsub.f32 $1.500000000e+00, v21;
	_ =	sdelay $0x1  }
0x28f: {  	v7 =	vmul.f32 v21, v7;
	_ =	sdelay $0x1  }
0x290: {  	v20 =	vmul.f32 v7, v45;
	_ =	sdelay $0x1  }
0x291: {  	v20 =	vmul.f32 v20, v7;
	_ =	sdelay $0x1  }
0x292: {  	v20 =	vsub.f32 $1.500000000e+00, v20;
	_ =	sdelay $0x1  }
0x293: {  	v20 =	vmul.f32 v20, v7;
	_ =	sdelay $0x1  }
0x294: {  	v18 =	vmul.f32 v18, v17;
	v47 =	vmul.f32 v20, v6;
	_ =	sdelay $0x1  }
0x295: {  	v6 =	vmax.f32 v47, v18  }
0x296: {  	v6 =	vmax.f32 v6, $1.000000000e-30  }
0x297: {  	(erf) = vrcp.f32 v6;
	_ =	sdelay $0x7  }
0x298: {  	v7 =	vor.u32 $0x1, v3  }
0x299: {  	v48 =	vmin.f32 v47, v18;
	v6 =	vor.u32 $0x2, v3;
	v49 =	vpop (erf)  }
0x29a: {  	v22 =	vmul.f32 v49, v48;
	_ =	sdelay $0x1  }
0x29b: {  	v51 =	vld.idx.msk [tilespmem:v3+s23+$0x0], $0xffff;
	v26 =	vmul.f32 v22, v22  }
0x29c: {  	v52 =	vld.idx.msk [tilespmem:v7+s23+$0x0], $0xffff  }
0x29d: {  	v50 =	vld.idx.msk [tilespmem:v6+s23+$0x0], $0xffff;
	v27 =	vmul.f32 $7.825482630e-03, v26;
	_ =	sdelay $0x1  }
0x29e: {  	v27 =	vadd.f32 $-3.689862790e-02, v27  }
0x29f: {  	v29 =	vmul.f32 v16, v51;
	v31 =	vmul.f32 v19, v51  }
0x2a0: {  	v30 =	vmul.f32 v15, v52;
	v27 =	vmul.f32 v27, v26  }
0x2a1: {  	v53 =	vmul.f32 v19, v52;
	v28 =	vmul.f32 v15, v50  }
0x2a2: {  	v29 =	vsub.f32 v30, v29;
	v32 =	vmul.f32 v16, v50;
	v27 =	vadd.f32 $8.374155310e-02, v27  }
0x2a3: {  	v35 =	vld.idx.msk [tilespmem:v6+s22+$0x0], $0xffff;
	v28 =	vsub.f32 v31, v28  }
0x2a4: {  	v36 =	vld.idx.msk [tilespmem:v6+s21+$0x0], $0xffff;
	v29 =	vadd.f32 v29, v29;
	v30 =	vsub.f32 v32, v53;
	v27 =	vmul.f32 v27, v26  }
0x2a5: {  	v55 =	vld.idx.msk [tilespmem:v3+s22+$0x0], $0xffff;
	v38 =	vmul.f32 v18, v18;
	v57 =	vmul.f32 v47, v47;
	v28 =	vadd.f32 v28, v28  }
0x2a6: {  	v33 =	vld.idx.msk [tilespmem:v3+s21+$0x0], $0xffff;
	v54 =	vmul.f32 v29, v15;
	v30 =	vadd.f32 v30, v30;
	v27 =	vadd.f32 $-1.348040550e-01, v27  }
0x2a7: {  	v34 =	vmul.f32 v29, v16;
	v15 =	vmul.f32 v28, v15  }
0x2a8: {  	v16 =	vmul.f32 v30, v16;
	v27 =	vmul.f32 v27, v26  }
0x2a9: {  	v58 =	vmax.f32 v18, $9.999999970e-07;
	v56 =	vld.idx.msk [tilespmem:v7+s22+$0x0], $0xffff;
	v62 =	vadd.f32 v57, v38;
	v59 =	vsub.f32 v35, v36  }
0x2aa: {  	(erf) = vrcp.f32 v58;
	v15 =	vsub.f32 v15, v16;
	v16 =	vld.idx.msk [tilespmem:v7+s21+$0x0], $0xffff;
	v27 =	vadd.f32 $1.987987160e-01, v27  }
0x2ab: {  	v29 =	vmul.f32 v29, v17;
	(erf) = vrcp.f32 v62;
	v32 =	vsub.f32 v55, v33  }
0x2ac: {  	v63 =	vmul.f32 v59, v10;
	v27 =	vmul.f32 v27, v26  }
0x2ad: {  	v24 =	vadd.f32 v29, v50;
	v40 =	vmul.f32 v59, v9;
	v60 =	vmul.f32 v32, v10  }
0x2ae: {  	v37 =	vmul.f32 v30, v19;
	v30 =	vmul.f32 v30, v17;
	v27 =	vadd.f32 $-3.332637550e-01, v27  }
0x2af: {  	v19 =	vmul.f32 v28, v19;
	v17 =	vmul.f32 v28, v17;
	v16 =	vsub.f32 v56, v16  }
0x2b0: {  	v28 =	vadd.f32 v57, v57;
	v31 =	vsub.f32 v37, v54;
	v26 =	vmul.f32 v27, v26  }
0x2b1: {  	v23 =	vadd.f32 v30, v51;
	v30 =	vadd.f32 v47, v47;
	v41 =	vmul.f32 v16, v11  }
0x2b2: {  	v17 =	vadd.f32 v17, v52;
	v42 =	vmul.f32 v16, v9;
	v26 =	vadd.f32 $9.999993440e-01, v26  }
0x2b3: {  	v61 =	vmul.f32 v32, v11;
	v19 =	vsub.f32 v34, v19;
	v43 =	vsub.f32 v63, v41  }
0x2b4: {  	v17 =	vadd.f32 v31, v17;
	v25 =	vsub.f32 v42, v60;
	v22 =	vmul.f32 v26, v22  }
0x2b5: {  	vm1 =	vgt.f32 v47, v18;
	v45 =	vadd.f32 v43, v43;
	v27 =	vsub.f32 v61, v40  }
0x2b6: {  	vm15 =	vlt.f32 v47, $9.999999970e-07;
	v25 =	vadd.f32 v25, v25;
	v46 =	vsub.f32 $1.570796370e+00, v22  }
0x2b7: {  	v19 =	vadd.f32 v19, v23;
	v49 =	vmul.f32 v45, v11;
	v44 =	vadd.f32 v27, v27  }
0x2b8: {  	v50 =	vmul.f32 v45, v8;
	v51 =	vmul.f32 v25, v10;
	v21 =	vsel vm1, v46, v22  }
0x2b9: {  	v10 =	vmul.f32 v45, v10;
	v47 =	vmul.f32 v44, v9;
	v21 =	vadd.f32 v21, v21  }
0x2ba: {  	v52 =	vpop (erf);
	v53 =	vadd.f32 v50, v32;
	v48 =	vmul.f32 v44, v8;
	v11 =	vmul.f32 v44, v11  }
0x2bb: {  	v27 =	vadd.f32 v52, v52;
	v8 =	vmul.f32 v25, v8;
	v54 =	vmul.f32 v21, v21  }
0x2bc: {  	v55 =	vpop (erf);
	v9 =	vmul.f32 v25, v9;
	v16 =	vadd.f32 v48, v16;
	v10 =	vsub.f32 v47, v10  }
0x2bd: {  	v56 =	vmul.f32 v55, v28;
	v8 =	vadd.f32 v8, v59;
	v57 =	vadd.f32 v54, v54  }
0x2be: {  	v11 =	vsub.f32 v51, v11;
	v9 =	vsub.f32 v49, v9;
	v20 =	vmul.f32 v21, v20  }
0x2bf: {  	v8 =	vadd.f32 v10, v8;
	v10 =	vadd.f32 v15, v24;
	v15 =	vmul.f32 v57, v56  }
0x2c0: {  	v11 =	vadd.f32 v11, v53;
	v16 =	vadd.f32 v9, v16;
	v20 =	vsel vm15, v27, v20  }
0x2c1: {  	v58 =	vsub.f32 v8, v10;
	v9 =	vmul.f32 v20, v14;
	v10 =	vsel vm15, $0x3F800000, v15  }
0x2c2: {  	v8 =	vmul.f32 v20, v13;
	v15 =	vsub.f32 v11, v19;
	(erf) = vrcp.f32 v10  }
0x2c3: {  	v13 =	vmul.f32 v9, v58;
	v11 =	vmul.f32 v30, v18  }
0x2c4: {  	v10 =	vmul.f32 v20, v12;
	v12 =	vsub.f32 v16, v17;
	v14 =	vmul.f32 v8, v15  }
0x2c5: {  	v11 =	vmul.f32 v55, v11  }
0x2c6: {  	v16 =	vmul.f32 v9, v12;
	v17 =	vmul.f32 v10, v15;
	v13 =	vsub.f32 v14, v13  }
0x2c7: {  	v18 =	vadd.f32 v56, v56;
	v19 =	vmul.f32 v8, v12;
	v14 =	vmul.f32 v10, v58  }
0x2c8: {  	v11 =	vmul.f32 v21, v11;
	v16 =	vsub.f32 v16, v17;
	v17 =	vmul.f32 v13, v8  }
0x2c9: {  	v59 =	vmul.f32 v13, v9;
	v14 =	vsub.f32 v14, v19;
	v13 =	vmul.f32 $5.000000000e-01, v13  }
0x2ca: {  	v18 =	vsub.f32 v18, v11;
	v19 =	vmul.f32 v16, v10;
	v60 =	vmul.f32 v16, v9  }
0x2cb: {  	v61 =	vmul.f32 v14, v8;
	v62 =	vmul.f32 v14, v10;
	v63 =	vpop (erf)  }
0x2cc: {  	v11 =	vsub.f32 v12, v13;
	v12 =	vmul.f32 $5.000000000e-01, v14;
	v13 =	vmul.f32 v63, v18  }
0x2cd: {  	v17 =	vsub.f32 v19, v17;
	v19 =	vsub.f32 v61, v60;
	v18 =	vmul.f32 $5.000000000e-01, v16  }
0x2ce: {  	v12 =	vsub.f32 v15, v12;
	v16 =	vsub.f32 v59, v62;
	v14 =	vsel vm15, $0x3DAAAAAB, v13  }
0x2cf: {  	s1 =	simm.s32 $0x10;
	v13 =	vsub.f32 v58, v18;
	v17 =	vmul.f32 v17, v14;
	v15 =	vmul.f32 v19, v14  }
.LBB2_8:
0x2d0: {  	p0 =	sne.s32 s1, $0x310;
	v14 =	vmul.f32 v16, v14;
	s2 =	smov.u32 s1;
	s1 =	sadd.s32 $0x10, s1  }
0x2d1: {  	v16 =	vmov s2;
	v12 =	vadd.f32 v17, v12  }
0x2d2: {  	v11 =	vadd.f32 v15, v11;
	v16 =	vshll.u32 v16, $0x3  }
0x2d3: {  	v13 =	vadd.f32 v14, v13;
	[tilespmem:v3+s30+$0x0] =	vst.idx.msk $0xffff, v12;
	v3 =	vor.u32 v0, v16  }
0x2d4: {  	v12 =	vor.u32 $0x3, v3;
	v14 =	vor.u32 $0x6, v3;
	[tilespmem:v7+s30+$0x0] =	vst.idx.msk $0xffff, v11  }
0x2d5: {  	[tilespmem:v6+s30+$0x0] =	vst.idx.msk $0xffff, v13  }
0x2d6: {  	v6 =	vor.u32 $0x4, v3;
	[tilespmem:v2+s30+$0x0] =	vst.idx.msk $0xffff, v9;
	v2 =	vmov v12  }
0x2d7: {  	[tilespmem:v4+s30+$0x0] =	vst.idx.msk $0xffff, v10;
	v4 =	vmov v6  }
0x2d8: {  	[tilespmem:v5+s30+$0x0] =	vst.idx.msk $0xffff, v8  }
0x2d9: {  	v5 =	vor.u32 $0x5, v3;
	v6 =	vld.idx.msk [tilespmem:v12+s21+$0x0], $0xffff  }
0x2da: {  	v7 =	vld.idx.msk [tilespmem:v14+s22+$0x0], $0xffff  }
0x2db: {  	v8 =	vld.idx.msk [tilespmem:v14+s21+$0x0], $0xffff  }
0x2dc: {  	v12 =	vld.idx.msk [tilespmem:v4+s22+$0x0], $0xffff  }
0x2dd: {  	v13 =	vld.idx.msk [tilespmem:v2+s22+$0x0], $0xffff  }
0x2de: {  	v15 =	vld.idx.msk [tilespmem:v5+s22+$0x0], $0xffff  }
0x2df: {  	v10 =	vld.idx.msk [tilespmem:v4+s21+$0x0], $0xffff  }
0x2e0: {  	v11 =	vld.idx.msk [tilespmem:v5+s21+$0x0], $0xffff  }
0x2e1: {  	v9 =	vsub.f32 $0.0e+00, v6;
	v6 =	vmul.f32 v7, v8  }
0x2e2: {  	v16 =	vmul.f32 v12, v8  }
0x2e3: {  	v18 =	vmul.f32 v7, v9;
	v17 =	vmul.f32 v13, v8  }
0x2e4: {  	v20 =	vmul.f32 v13, v9;
	v19 =	vmul.f32 v15, v9  }
0x2e5: {  	v10 =	vsub.f32 $0.0e+00, v10;
	v17 =	vadd.f32 v18, v17;
	v18 =	vmul.f32 v15, v8;
	v21 =	vld.idx.msk [tilespmem:v2+s23+$0x0], $0xffff  }
0x2e6: {  	v6 =	vsub.f32 v6, v20;
	v16 =	vsub.f32 v16, v19;
	v19 =	vmul.f32 v12, v9;
	v14 =	vld.idx.msk [tilespmem:v14+s23+$0x0], $0xffff  }
0x2e7: {  	v11 =	vsub.f32 $0.0e+00, v11;
	v22 =	vmul.f32 v15, v10;
	v23 =	vmul.f32 v12, v10;
	v20 =	vld.idx.msk [tilespmem:v4+s23+$0x0], $0xffff  }
0x2e8: {  	v25 =	vmul.f32 v7, v10;
	v18 =	vadd.f32 v18, v19;
	v19 =	vmul.f32 v13, v10;
	v24 =	vld.idx.msk [tilespmem:v5+s23+$0x0], $0xffff  }
0x2e9: {  	v12 =	vmul.f32 v12, v11;
	v15 =	vmul.f32 v15, v11;
	v17 =	vadd.f32 v17, v22  }
0x2ea: {  	v13 =	vmul.f32 v13, v11;
	v16 =	vadd.f32 v25, v16;
	v6 =	vsub.f32 v6, v23  }
0x2eb: {  	v7 =	vmul.f32 v7, v11;
	v12 =	vsub.f32 v17, v12;
	v17 =	vsub.f32 v18, v19  }
0x2ec: {  	v13 =	vadd.f32 v16, v13;
	v15 =	vsub.f32 v6, v15  }
0x2ed: {  	v16 =	vadd.f32 v17, v7;
	v17 =	vsub.f32 $0.0e+00, v21;
	v18 =	vmul.f32 v14, v12  }
0x2ee: {  	v19 =	vsub.f32 $0.0e+00, v20;
	v21 =	vmul.f32 v14, v15;
	v20 =	vsub.f32 $0.0e+00, v24  }
0x2ef: {  	v6 =	vor.u32 $0x2, v3;
	v22 =	vmul.f32 v14, v16;
	v23 =	vmul.f32 v17, v12  }
0x2f0: {  	v7 =	vor.u32 $0x1, v3;
	v25 =	vmul.f32 v17, v13;
	v24 =	vmul.f32 v20, v15  }
0x2f1: {  	v26 =	vmul.f32 v19, v15;
	v21 =	vsub.f32 v21, v23;
	v23 =	vmul.f32 v19, v13  }
0x2f2: {  	v27 =	vmul.f32 v20, v13;
	v28 =	vmul.f32 v20, v12  }
0x2f3: {  	v15 =	vmul.f32 v17, v15;
	v20 =	vmul.f32 v20, v16;
	v21 =	vsub.f32 v21, v23  }
0x2f4: {  	v12 =	vmul.f32 v19, v12;
	v13 =	vmul.f32 v14, v13;
	v26 =	vsub.f32 v26, v28;
	v23 =	vld.idx.msk [tilespmem:v6+s23+$0x0], $0xffff  }
0x2f5: {  	v17 =	vmul.f32 v17, v16;
	v14 =	vadd.f32 v18, v15;
	v20 =	vsub.f32 v21, v20;
	v28 =	vld.idx.msk [tilespmem:v3+s23+$0x0], $0xffff  }
0x2f6: {  	v16 =	vmul.f32 v19, v16;
	v12 =	vadd.f32 v24, v12;
	v13 =	vadd.f32 v26, v13;
	v15 =	vld.idx.msk [tilespmem:v7+s23+$0x0], $0xffff  }
0x2f7: {  	v14 =	vadd.f32 v14, v27;
	vm0 =	vlt.f32 v20, $0.0e+00  }
0x2f8: {  	v12 =	vsub.f32 v12, v25;
	v17 =	vadd.f32 v13, v17;
	v21 =	vsel vm0, $0xBF800000, v1  }
0x2f9: {  	v16 =	vsub.f32 v14, v16  }
0x2fa: {  	v18 =	vadd.f32 v12, v22;
	v12 =	vmul.f32 v21, v17;
	v19 =	vmul.f32 v17, v23  }
0x2fb: {  	v14 =	vmul.f32 v21, v16;
	v22 =	vmul.f32 v16, v23  }
0x2fc: {  	v13 =	vmul.f32 v21, v18;
	v24 =	vmul.f32 v17, v28  }
0x2fd: {  	v25 =	vmul.f32 v14, v14;
	v26 =	vmul.f32 v12, v12  }
0x2fe: {  	v27 =	vmul.f32 v18, v28;
	v29 =	vmul.f32 v16, v15  }
0x2ff: {  	v25 =	vadd.f32 v26, v25;
	v26 =	vmul.f32 v13, v13  }
0x300: {  	v30 =	vmul.f32 v18, v15;
	v22 =	vsub.f32 v27, v22;
	v24 =	vsub.f32 v29, v24  }
0x301: {  	v25 =	vadd.f32 v25, v26  }
0x302: {  	v22 =	vadd.f32 v22, v22;
	v24 =	vadd.f32 v24, v24  }
0x303: {  	v19 =	vsub.f32 v19, v30;
	v25 =	vadd.f32 $1.000000020e-24, v25  }
0x304: {  	v27 =	vmul.f32 v22, v16;
	v26 =	vmul.f32 v24, v16  }
0x305: {  	v16 =	vadd.f32 v19, v19;
	v19 =	vshra.s32 v25, $0x1;
	v29 =	vmul.f32 $5.000000000e-01, v25  }
0x306: {  	v30 =	vmul.f32 v24, v17;
	v24 =	vmul.f32 v24, v20;
	v31 =	vsub.s32 $0x5F3759DF, v19  }
0x307: {  	v17 =	vmul.f32 v16, v17;
	v19 =	vmul.f32 v31, v29  }
0x308: {  	v32 =	vmul.f32 v16, v18;
	v33 =	vmul.f32 v16, v20;
	v16 =	vadd.f32 v24, v23  }
0x309: {  	v23 =	vmul.f32 v22, v18;
	v17 =	vsub.f32 v27, v17;
	v24 =	vmul.f32 v31, v19  }
0x30a: {  	v22 =	vmul.f32 v22, v20;
	v18 =	vadd.f32 v33, v28;
	v19 =	vsub.f32 v32, v26  }
0x30b: {  	v24 =	vsub.f32 $1.500000000e+00, v24;
	_ =	sdelay $0x1  }
0x30c: {  	v24 =	vmul.f32 v31, v24;
	_ =	sdelay $0x1  }
0x30d: {  	v26 =	vmul.f32 v24, v29;
	_ =	sdelay $0x1  }
0x30e: {  	v26 =	vmul.f32 v26, v24;
	_ =	sdelay $0x1  }
0x30f: {  	v26 =	vsub.f32 $1.500000000e+00, v26;
	_ =	sdelay $0x1  }
0x310: {  	v24 =	vmul.f32 v26, v24;
	_ =	sdelay $0x1  }
0x311: {  	v26 =	vmul.f32 v24, v29;
	_ =	sdelay $0x1  }
0x312: {  	v26 =	vmul.f32 v26, v24;
	_ =	sdelay $0x1  }
0x313: {  	v26 =	vsub.f32 $1.500000000e+00, v26;
	_ =	sdelay $0x1  }
0x314: {  	v24 =	vmul.f32 v26, v24;
	_ =	sdelay $0x1  }
0x315: {  	v20 =	vmul.f32 v21, v20;
	v21 =	vmul.f32 v24, v25;
	_ =	sdelay $0x1  }
0x316: {  	v25 =	vmax.f32 v21, v20;
	v26 =	vmul.f32 v21, v21;
	v27 =	vadd.f32 v21, v21  }
0x317: {  	v28 =	vmax.f32 v20, $9.999999970e-07;
	vm0 =	vgt.f32 v21, v20;
	v25 =	vmax.f32 v25, $1.000000000e-30  }
0x318: {  	v29 =	vmul.f32 v20, v20;
	(erf) = vrcp.f32 v25  }
0x319: {  	v25 =	vmul.f32 v27, v20;
	(erf) = vrcp.f32 v28  }
0x31a: {  	v27 =	vadd.f32 v26, v29;
	_ =	sdelay $0x6  }
0x31b: {  	v20 =	vmin.f32 v21, v20;
	v28 =	vpop (erf)  }
0x31c: {  	v20 =	vmul.f32 v28, v20;
	v28 =	vpop (erf);
	_ =	sdelay $0x1  }
0x31d: {  	v29 =	vmul.f32 v20, v20;
	_ =	sdelay $0x1  }
0x31e: {  	v31 =	vmul.f32 $7.825482630e-03, v29;
	_ =	sdelay $0x1  }
0x31f: {  	v31 =	vadd.f32 $-3.689862790e-02, v31;
	_ =	sdelay $0x1  }
0x320: {  	v31 =	vmul.f32 v31, v29;
	_ =	sdelay $0x1  }
0x321: {  	v31 =	vadd.f32 $8.374155310e-02, v31  }
0x322: {  	v32 =	vld.idx.msk [tilespmem:v3+s22+$0x0], $0xffff  }
0x323: {  	v33 =	vld.idx.msk [tilespmem:v3+s21+$0x0], $0xffff;
	v31 =	vmul.f32 v31, v29  }
0x324: {  	v34 =	vld.idx.msk [tilespmem:v6+s22+$0x0], $0xffff  }
0x325: {  	v35 =	vld.idx.msk [tilespmem:v6+s21+$0x0], $0xffff;
	v31 =	vadd.f32 $-1.348040550e-01, v31  }
0x326: {  	v36 =	vld.idx.msk [tilespmem:v7+s22+$0x0], $0xffff  }
0x327: {  	v37 =	vld.idx.msk [tilespmem:v7+s21+$0x0], $0xffff;
	v31 =	vmul.f32 v31, v29;
	_ =	sdelay $0x1  }
0x328: {  	v31 =	vadd.f32 $1.987987160e-01, v31  }
0x329: {  	v32 =	vsub.f32 v32, v33  }
0x32a: {  	v31 =	vmul.f32 v31, v29  }
0x32b: {  	v33 =	vsub.f32 v34, v35;
	v34 =	vmul.f32 v32, v10  }
0x32c: {  	v35 =	vsub.f32 v36, v37;
	v36 =	vmul.f32 v32, v11;
	v31 =	vadd.f32 $-3.332637550e-01, v31  }
0x32d: {  	v23 =	vsub.f32 v30, v23;
	v37 =	vmul.f32 v33, v10;
	v38 =	vmul.f32 v33, v9  }
0x32e: {  	v15 =	vadd.f32 v22, v15;
	v30 =	vmul.f32 v35, v11;
	v22 =	vmul.f32 v31, v29  }
0x32f: {  	v26 =	vadd.f32 v26, v26;
	v29 =	vsub.f32 v36, v38;
	v31 =	vmul.f32 v35, v9  }
0x330: {  	v30 =	vsub.f32 v37, v30;
	v22 =	vadd.f32 $9.999993440e-01, v22;
	(erf) = vrcp.f32 v27  }
0x331: {  	vm1 =	vlt.f32 v21, $9.999999970e-07;
	v27 =	vsub.f32 v31, v34;
	v29 =	vadd.f32 v29, v29  }
0x332: {  	v15 =	vadd.f32 v19, v15;
	v21 =	vadd.f32 v30, v30;
	v19 =	vmul.f32 v22, v20  }
0x333: {  	v20 =	vadd.f32 v27, v27;
	v22 =	vmul.f32 v29, v9;
	v27 =	vmul.f32 v29, v8  }
0x334: {  	v30 =	vmul.f32 v21, v11;
	v31 =	vmul.f32 v21, v8;
	v34 =	vsub.f32 $1.570796370e+00, v19  }
0x335: {  	v36 =	vmul.f32 v20, v10;
	v10 =	vmul.f32 v21, v10;
	v21 =	vadd.f32 v27, v35  }
0x336: {  	v11 =	vmul.f32 v29, v11;
	v27 =	vadd.f32 v31, v32;
	v19 =	vsel vm0, v34, v19  }
0x337: {  	v28 =	vadd.f32 v28, v28;
	v9 =	vmul.f32 v20, v9;
	v19 =	vadd.f32 v19, v19  }
0x338: {  	v8 =	vmul.f32 v20, v8;
	v11 =	vsub.f32 v36, v11;
	v10 =	vsub.f32 v22, v10  }
0x339: {  	v9 =	vsub.f32 v30, v9;
	v20 =	vmul.f32 v19, v24;
	v22 =	vmul.f32 v19, v19;
	v24 =	vpop (erf)  }
0x33a: {  	v8 =	vadd.f32 v8, v33;
	v11 =	vadd.f32 v11, v27;
	v26 =	vmul.f32 v24, v26  }
0x33b: {  	v21 =	vadd.f32 v9, v21;
	v20 =	vsel vm1, v28, v20;
	v9 =	vadd.f32 v22, v22  }
0x33c: {  	v8 =	vadd.f32 v10, v8;
	v10 =	vadd.f32 v17, v16  }
0x33d: {  	v16 =	vadd.f32 v23, v18;
	v17 =	vmul.f32 v24, v25;
	v18 =	vmul.f32 v9, v26  }
0x33e: {  	v22 =	vsub.f32 v8, v10;
	v10 =	vmul.f32 v20, v12;
	v9 =	vmul.f32 v20, v14  }
0x33f: {  	v12 =	vsub.f32 v11, v16;
	v8 =	vmul.f32 v20, v13;
	v11 =	vsel vm1, $0x3F800000, v18  }
0x340: {  	v13 =	vsub.f32 v21, v15;
	v14 =	vmul.f32 v9, v22;
	(erf) = vrcp.f32 v11  }
0x341: {  	v15 =	vmul.f32 v8, v12;
	v11 =	vmul.f32 v10, v22  }
0x342: {  	v16 =	vmul.f32 v9, v13;
	v18 =	vmul.f32 v10, v12  }
0x343: {  	v14 =	vsub.f32 v15, v14  }
0x344: {  	v17 =	vmul.f32 v19, v17;
	v19 =	vmul.f32 v8, v13;
	v15 =	vadd.f32 v26, v26  }
0x345: {  	v16 =	vsub.f32 v16, v18;
	v18 =	vmul.f32 v14, v8;
	v20 =	vmul.f32 v14, v9  }
0x346: {  	v19 =	vsub.f32 v11, v19;
	v11 =	vmul.f32 $5.000000000e-01, v14  }
0x347: {  	v14 =	vsub.f32 v15, v17;
	v15 =	vmul.f32 v16, v10;
	v17 =	vmul.f32 v16, v9  }
0x348: {  	v21 =	vmul.f32 v19, v8;
	v23 =	vmul.f32 v19, v10;
	v11 =	vsub.f32 v13, v11  }
.Ltmp3:
0x349: {  	v13 =	vmul.f32 $5.000000000e-01, v19;
	v19 =	vmul.f32 $5.000000000e-01, v16;
	v16 =	vpop (erf);
	(pc) =	sbr.rel @p0 .LBB2_8-.Ltmp3, $4  }
0x34a: {  	v14 =	vmul.f32 v16, v14  }
0x34b: {  	v15 =	vsub.f32 v15, v18;
	v18 =	vsub.f32 v21, v17  }
0x34c: {  	v12 =	vsub.f32 v12, v13;
	v16 =	vsub.f32 v20, v23;
	v14 =	vsel vm1, $0x3DAAAAAB, v14  }
0x34d: {  	v13 =	vsub.f32 v22, v19;
	v17 =	vmul.f32 v15, v14;
	v15 =	vmul.f32 v18, v14  }
0x34e: {  	_ =	sdelay $0x1  }
0x34f: {  	v14 =	vmul.f32 v16, v14;
	v12 =	vadd.f32 v17, v12  }
0x350: {  	v11 =	vadd.f32 v15, v11  }
0x351: {  	v13 =	vadd.f32 v14, v13;
	[tilespmem:v3+s30+$0x0] =	vst.idx.msk $0xffff, v12  }
0x352: {  	[tilespmem:v7+s30+$0x0] =	vst.idx.msk $0xffff, v11  }
0x353: {  	[tilespmem:v6+s30+$0x0] =	vst.idx.msk $0xffff, v13  }
0x354: {  	[tilespmem:v2+s30+$0x0] =	vst.idx.msk $0xffff, v9  }
0x355: {  	[tilespmem:v4+s30+$0x0] =	vst.idx.msk $0xffff, v10  }
0x356: {  	s1 =	rddreg [dreg:$0x7];
	[tilespmem:v5+s30+$0x0] =	vst.idx.msk $0xffff, v8  }
0x357: {  	[hbm4b:s1+s3] =	stream.linear.scatter [tilespmem:s30], [sflag:$0x5], $0x1900, $0x38;
	[tilespmem:$0xD480] =	vst v63  }
0x358: {  	_ =	swait.ge [sflag:s7], $0x1900  }
0x359: {  	[sflag:s7] =	ssyncset.done $0x0  }
0x35a: {  	[sflag:s7] =	ssyncadd.s32 $0xFFFFE700  }
0x35b: {  	_ =	swait.ge [sflag:s8], $0x1900  }
0x35c: {  	s2 =	rddreg [dreg:$0x9]  }
0x35d: {  	s16 =	rddreg [dreg:$0x8];
	s2 =	sadd.s32 $0x1, s2  }
0x35e: {  	p0 =	sne.s32 s2, s16  }
.Ltmp4:
0x35f: {  	_ = 	snop;
	(pc) =	sbr.rel @p0 .LBB2_1-.Ltmp4, $3  }
0x360: {  	_ =	sdelay $0x1  }
0x361: {  	[sflag:s8] =	ssyncset.done $0x0  }
0x362: {  	[sflag:s8] =	ssyncadd.s32 $0xFFFFE700  }
0x363: {  	_ =	sfence.sel $0x180000  }
0x364: {  	[bflag:$0x0] =	sbarrier.arrive $0xFFFF  }
0x365: {  	_ =	strace $0x90000047  }
0x366: {  	s0 =	stileid.u32;
	[bflag:$0x2] =	sbarrier.arrive $0xFFFF  }
0x367: {  	p0 =	sne.s32 s0, $0x0;
	s0 =	rddreg [dreg:$0x2]  }
0x368: {  	s0 =	sadd.s32 @!p0 $0x100000, s0  }
0x369: {  	[sflag:s0] =	ssyncadd.tile.s32 @!p0 $0x1;
	_ =	shalt  }
.Lfunc_end2:
_tile_overlayer_lowered:
.L_overlay_start_2:
0x36a: {  	(tag) =	ssettag $0x2  }
0x36b: {  	s0 =	rddreg [dreg:$0x0];
	s2 =	stileid.u32  }
0x36c: {  	s1 =	rddreg [dreg:$0x1];
	p0 =	sne.s32 s2, $0x0  }
0x36d: {  	s3 =	rddreg [dreg:$0x2];
	[bflag:$0x3] =	sbarrier.arrive $0xFFFF;
	s2 =	simm.s32 @!p0 $0x1C07  }
0x36e: {  	[timem:s3], [sflag:s2] =	dma.local @!p0 [hbm:s0], s1  }
0x36f: {  	s0 =	simm.s32 @!p0 $0x7  }
0x370: {  	_ =	swait.ge @!p0 [sflag:s0], s1  }
0x371: {  	s1 =	ssub.s32 @!p0 $0x0, s1;
	[sflag:s0] =	ssyncset.done @!p0 $0x0  }
0x372: {  	[sflag:s0] =	ssyncadd.s32 @!p0 s1  }
0x373: {  	[bflag:$0x3] =	sbarrier.arrive $0xFFFF  }
0x374: {  	_ =	shalt  }

// kernel: sparse-core-data-format-call.cloned.1.call-start
scs
called_computation_lowered:
.L_overlay_start_0:
0x0: {  	s2 =	sld [smem:$0x3FD9]  }
0x1: {  	s3 =	sld [smem:$0x3FFE];
	_ =	sdelay $0x1  }
0x2: {  	s1 =	srdreg.scid  }
0x3: {  	s0 =	sand.u32 $0x1, s1  }
0x4: {  	s18 =	sshll.u32 s0, $0xA;
	s2 =	sadd.s32 s3, s2  }
0x5: {  	s2 =	sadd.s32 s2, s18  }
0x6: {  	[smem:$0x3FC5] =	sst s2  }
0x7: {  	_ = 	snop  }
0x8: {  	s2 =	sld [smem:$0x3FD0];
	(tm) =	ssettm $0x1  }
0x9: {  	s19 =	sld [smem:$0x3FFB];
	_ =	sdelay $0x3  }
0xa: {  	_ =	strace s19  }
0xb: {  	s3 =	sld [smem:$0x3FFC];
	_ =	sdelay $0x3  }
0xc: {  	_ =	strace s3  }
0xd: {  	s3 =	sld [smem:$0x3FFD];
	_ =	sdelay $0x3  }
0xe: {  	_ =	strace s3  }
0xf: {  	_ =	strace $0x8FFFFFFF  }
0x10: {  	s20 =	sld [smem:$0x3FDB];
	_ =	sdelay $0x1  }
0x11: {  	s4 =	simm.s32 $_scs_section_size  }
0x12: {  	s5 =	simm.s32 $_size__tile_overlayer_lowered;
	s6 =	simm.s32 $_tile_overlayer_lowered  }
0x13: {  	s23 =	simm.s32 $0x1BFF;
	s22 =	sshll.u32 s6, $0x1;
	s3 =	sadd.s32 s4, s20  }
0x14: {  	s7 =	simm.s32 $0x0;
	s21 =	sshll.u32 s5, $0x1;
	s5 =	sadd.s32 s22, s3  }
0x15: {  	[timem:s7], [sflag:s23] =	dma.local [hbm:s5], s21  }
0x16: {  	_ =	swait.ge [sflag:s23], s21  }
0x17: {  	s4 =	ssub.s32 $0x0, s21;
	[sflag:s23] =	ssyncset.done $0x0  }
0x18: {  	[sflag:s23] =	ssyncadd.s32 s4;
	_ =	sdelay $0x1  }
0x19: {  	s24 =	simm.s32 $0x1B8B  }
0x1a: {  	_ =	swait.ge [sflag:s24], $0x1  }
0x1b: {  	[sflag:s24] =	ssyncset.done $0x0  }
0x1c: {  	s26 =	simm.s32 $0x1B8E;
	s25 =	sld [smem:$0x3FFE];
	[sflag:s24] =	ssyncadd.s32 $0xFFFFFFFF  }
0x1d: {  	s27 =	simm.s32 $execute0_lowered;
	[smem:$0x3FD2] =	sst s26  }
0x1e: {  	s5 =	sshll.u32 s27, $0x1;
	_ =	strace $0x80000049;
	[dreg:$0x1] =	wrdreg $0xFFFFFFFF  }
0x1f: {  	s28 =	simm.s32 $_size_execute0_lowered;
	s3 =	sadd.s32 s3, s5;
	[dreg:$0x0] =	wrdreg $0x0  }
0x20: {  	s5 =	sshll.u32 s28, $0x1;
	[dreg:$0x2] =	wrdreg s3  }
0x21: {  	[dreg:$0x3] =	wrdreg s5  }
0x22: {  	[dreg:$0x4] =	wrdreg $0xC0  }
0x23: {  	_ =	task [dreg:s7], $0x5FFFF  }
0x24: {  	[dreg:$0x1] =	wrdreg $0xFFFFFFFF  }
0x25: {  	[dreg:$0x0] =	wrdreg $0x60  }
0x26: {  	[dreg:$0x2] =	wrdreg s25  }
0x27: {  	[dreg:$0x3] =	wrdreg s2  }
0x28: {  	[dreg:$0x4] =	wrdreg $0x9  }
0x29: {  	_ =	task.clear_ibuf [dreg:s7], $0x5FFFF;
	_ =	strace $0x90000049  }
0x2a: {  	s29 =	simm.s32 $0x9;
	_ =	strace $0x8000004B  }
0x2b: {  	_ =	swait.ge [sflag:s29], $0x1  }
0x2c: {  	[sflag:s29] =	ssyncadd.s32 $0xFFFFFFFF  }
0x2d: {  	_ =	strace $0x9000004B  }
0x2e: {  	_ =	sfence  }
0x2f: {  	s30 =	sld [smem:$0x0];
	_ =	sdelay $0x2  }
0x30: {  	s31 =	sshll.u32 s1, $0xD;
	s1 =	sshrl.u32 s1, $0x2  }
0x31: {  	s3 =	sand.u32 $0x4000, s31;
	s1 =	sadd.s32 s1, s30  }
0x32: {  	s0 =	sor.u32 s3, s0;
	s1 =	sshll.u32 s1, $0x11  }
0x33: {  	s0 =	sor.u32 s1, s0  }
0x34: {  	s0 =	sadd.s32 $0x8F2B, s0  }
0x35: {  	[sflag:s0] =	ssyncadd.remote.s32 $0x1  }
0x36: {  	_ =	sfence.sel $0xFFFF  }
0x37: {  	[dreg:$0x0] =	wrdreg $0xFFFFFFFF;
	(pc) =	sbr.abs _section_cstart, $3  }
0x38: {  	[dreg:$0x1] =	wrdreg $0xFFFFFFFF  }
0x39: {  	_ =	task.clear_ibuf [dreg:s7], $0x2FFFF;
	_ =	strace $0x9FFFFFFF  }
0x3a: {  	(tm) =	ssettm $0x7FFFFFFF  }
0x3b: {  	_ =	shalt  }
tec
execute0_lowered:
.L_overlay_start_1:
0x0: {  	(tag) =	ssettag $0x1  }
0x1: {  	s0 =	srdreg.scid  }
0x2: {  	s1 =	sshll.u32 s0, $0x4  }
0x3: {  	s6 =	rddreg [dreg:$0x0];
	s0 =	stileid.u32;
	s1 =	sand.u32 $0x10, s1  }
0x4: {  	s3 =	rddreg [dreg:$0x1];
	s1 =	sor.u32 s0, s1  }
0x5: {  	s7 =	simm.s32 $0x1;
	s8 =	simm.s32 $0x2;
	s2 =	sshll.u32 s1, $0x7  }
0x6: {  	s10 =	simm.s32 $0x0;
	s9 =	simm.s32 $0x0;
	s5 =	ssub.s32 $0x30D400, s2  }
.Ltmp0:
0x7: {  	s6 =	sadd.s32 $0x3EA000, s6;
	s4 =	sand.u32 $0xF80, s5;
	(pc) =	sbr.rel .LBB1_1-.Ltmp0, $4  }
0x8: {  	s1 =	rddreg [dreg:$0x2];
	_ =	strace $0x8000004A;
	p0 =	sne.s32 s4, $0x0  }
0x9: {  	s5 =	sshrl.u32 s5, $0xC;
	s4 =	simm.s32 $0x1;
	s7 =	simm.s32 @!p0 $0x0  }
0xa: {  	[sflag:s4] =	ssyncpa.u1 $0x0;
	p0 =	por $0x0, $0x0;
	s5 =	sadd.s32 s7, s5  }
0xb: {  	[sflag:s8] =	ssyncpa.u1 $0x0;
	s8 =	smov.u32 s2;
	s7 =	sadd.s32 $0x1, s5  }
.LBB1_4:
0xc: {  	[tilespmem:s20+$0xFFFFFFFA ss:$0x81] =	vst.msk $0xff, v4  }
0xd: {  	v4 =	vld.msk [tilespmem:s22+$0xFFFFFFF0], $0xff;
	_ =	sdelay $0x3  }
0xe: {  	[tilespmem:s17+$0xFFFFFFFB ss:$0x81] =	vst.msk $0xff, v3  }
0xf: {  	v3 =	vld.msk [tilespmem:s19+$0xFFFFFFF8], $0xff;
	[tilespmem:s20+$0xFFFFFFFB ss:$0x81] =	vst.msk $0xff, v4  }
0x10: {  	v4 =	vld.msk [tilespmem:s22+$0xFFFFFFF8], $0xff;
	_ =	sdelay $0x3  }
0x11: {  	v5 =	vld.msk [tilespmem:s18+$0x0], $0xff;
	[tilespmem:s17+$0xFFFFFFFC ss:$0x81] =	vst.msk $0xff, v3  }
0x12: {  	v3 =	vld.msk [tilespmem:s19+$0x0], $0xff;
	[tilespmem:s20+$0xFFFFFFFC ss:$0x81] =	vst.msk $0xff, v4  }
0x13: {  	v4 =	vld.msk [tilespmem:s22+$0x0], $0xff;
	_ =	sdelay $0x2  }
0x14: {  	[tilespmem:s16+$0xFFFFFFFD ss:$0x81] =	vst.msk $0xff, v5  }
0x15: {  	v5 =	vld.msk [tilespmem:s18+$0x8], $0xff;
	[tilespmem:s17+$0xFFFFFFFD ss:$0x81] =	vst.msk $0xff, v3  }
0x16: {  	v3 =	vld.msk [tilespmem:s19+$0x8], $0xff;
	[tilespmem:s20+$0xFFFFFFFD ss:$0x81] =	vst.msk $0xff, v4  }
0x17: {  	v4 =	vld.msk [tilespmem:s22+$0x8], $0xff;
	_ =	sdelay $0x1  }
0x18: {  	[tilespmem:s13+$0xFFFFFFFE ss:$0x81] =	vst.msk $0xff, v2  }
0x19: {  	v2 =	vld.msk [tilespmem:s15+$0x10], $0xff;
	[tilespmem:s16+$0xFFFFFFFE ss:$0x81] =	vst.msk $0xff, v5  }
0x1a: {  	v5 =	vld.msk [tilespmem:s18+$0x10], $0xff;
	[tilespmem:s17+$0xFFFFFFFE ss:$0x81] =	vst.msk $0xff, v3  }
0x1b: {  	v3 =	vld.msk [tilespmem:s19+$0x10], $0xff;
	[tilespmem:s20+$0xFFFFFFFE ss:$0x81] =	vst.msk $0xff, v4  }
0x1c: {  	v4 =	vld.msk [tilespmem:s22+$0x10], $0xff  }
0x1d: {  	[tilespmem:s12+$0xFFFFFFFF ss:$0x81] =	vst.msk $0xff, v1  }
0x1e: {  	s25 =	sshll.u32 s10, $0x3;
	v1 =	vld.msk [tilespmem:s14+$0x18], $0xff;
	[tilespmem:s13+$0xFFFFFFFF ss:$0x81] =	vst.msk $0xff, v2  }
0x1f: {  	s26 =	sshrl.u32 s25, $0xA;
	v2 =	vld.msk [tilespmem:s15+$0x18], $0xff;
	[tilespmem:s16+$0xFFFFFFFF ss:$0x81] =	vst.msk $0xff, v5  }
0x20: {  	s15 =	smulhi.u32 $0x53E2D7, s26;
	v61 =	vld.msk [tilespmem:s18+$0x18], $0xff;
	[tilespmem:s17+$0xFFFFFFFF ss:$0x81] =	vst.msk $0xff, v3  }
0x21: {  	v62 =	vld.msk [tilespmem:s19+$0x18], $0xff;
	[tilespmem:s20+$0xFFFFFFFF ss:$0x81] =	vst.msk $0xff, v4  }
0x22: {  	[tilespmem:s11+$0x0 ss:$0x81] =	vst.msk $0xff, v0;
	s27 =	sand.u32 $0x7F, s10;
	s28 =	sshrl.u32 s15, $0x2;
	v63 =	vld.msk [tilespmem:s22+$0x18], $0xff  }
0x23: {  	s29 =	sand.u32 $0xFFFFFC00, s25;
	[tilespmem:s12+$0x0 ss:$0x81] =	vst.msk $0xff, v1;
	s30 =	smul.u32 $0x30D400, s28;
	s11 =	sand.u32 $0x7, s28  }
0x24: {  	s10 =	sor.u32 s27, s29;
	s11 =	smul.u32 $0x61A80, s11;
	[tilespmem:s13+$0x0 ss:$0x81] =	vst.msk $0xff, v2  }
0x25: {  	s10 =	ssub.s32 s10, s30;
	[tilespmem:s16+$0x0 ss:$0x81] =	vst.msk $0xff, v61  }
0x26: {  	s31 =	sshrl.u32 s10, $0x3;
	s11 =	sadd.s32 s3, s11;
	[tilespmem:s17+$0x0 ss:$0x81] =	vst.msk $0xff, v62  }
0x27: {  	s10 =	sand.u32 $0x7, s10;
	s11 =	sadd.s32 s31, s11;
	[tilespmem:s20+$0x0 ss:$0x81] =	vst.msk $0xff, v63  }
0x28: {  	[hbm4b:s11+s10] =	stream.linear.scatter [tilespmem:s21], [sflag:$0x2], $0x400, $0x20;
	[tilespmem:$0x1010] =	vst v63  }
.LBB1_5:
0x29: {  	s12 =	sadd.s32 $0x1000, s8  }
0x2a: {  	p2 =	sgt.s32 s12, $0x30D3FF  }
0x2b: {  	s12 =	smov.u32 @p2 s2;
	p2 =	sne.s32 s9, s7  }
.Ltmp1:
0x2c: {  	p1 =	slt.u32 s9, $0x2;
	(pc) =	sbr.rel @!p2 .LBB1_6-.Ltmp1, $4  }
0x2d: {  	s11 =	simm.s32 @!p1 $0x2  }
0x2e: {  	s13 =	sadd.s32 $0x1, s9;
	_ =	swait.ge @!p1 [sflag:s11], $0x400  }
0x2f: {  	s10 =	smov.u32 s8;
	p0 =	por !p0, !p0;
	[sflag:s11] =	ssyncset.done @!p1 $0x0  }
0x30: {  	s9 =	smov.u32 s13;
	s8 =	smov.u32 s12;
	[sflag:s11] =	ssyncadd.s32 @!p1 $0xFFFFFC00  }
.LBB1_1:
0x31: {  	p1 =	sge.u32 s9, s5  }
0x32: {  	s11 =	sand.u32 @!p1 $0x1FFFFFF, s8  }
0x33: {  	s12 =	smulhi.u32 @!p1 $0x14F8B59, s11;
	_ =	sdelay $0x1  }
0x34: {  	s12 =	sshrl.u32 @!p1 s12, $0xE  }
0x35: {  	s12 =	smul.u32 @!p1 $0x30D400, s12;
	_ =	sdelay $0x1  }
0x36: {  	s31 =	sadd.s32 $0xFFFFFFFF, s9;
	s13 =	sxor.u32 @!p1 $0xFFFFFFFF, s9;
	s11 =	ssub.s32 @!p1 s11, s12  }
0x37: {  	s14 =	simm.s32 @!p1 $0x80;
	s13 =	sshll.u32 @!p1 s13, $0xA;
	s11 =	sshll.u32 @!p1 s11, $0x4  }
0x38: {  	s12 =	sand.u32 @!p1 $0x400, s13;
	s13 =	simm.s32 @!p1 $0x8;
	s11 =	sadd.s32 @!p1 s6, s11  }
0x39: {  	[tilespmem:s12], [sflag:$0x1] =	stream.strided.gather @!p1 [hbm4b:s11+s13], $0x400, s14, s13, $0x38;
	[tilespmem:$0x1010] =	vst v63  }
0x3a: {  	p1 =	sge.u32 s31, s5  }
.Ltmp2:
0x3b: {  	_ = 	snop;
	(pc) =	sbr.rel @p1 .LBB1_5-.Ltmp2, $1  }
0x3c: {  	_ =	sdelay $0x3  }
0x3d: {  	s11 =	simm.s32 $0x1  }
0x3e: {  	_ =	swait.ge [sflag:s4], $0x400;
	s11 =	simm.s32 @!p0 $0x0  }
0x3f: {  	[sflag:s4] =	ssyncset.done $0x0;
	s12 =	sshll.u32 s11, $0xA  }
0x40: {  	[sflag:s4] =	ssyncadd.s32 $0xFFFFFC00;
	s20 =	sor.u32 $0x20, s12  }
0x41: {  	v0 =	vld.msk [tilespmem:s20+$0xFFFFFFE0], $0xff  }
0x42: {  	s11 =	smul.u32 $0x1020, s11;
	_ =	sdelay $0x1  }
0x43: {  	s11 =	sshrl.u32 s11, $0x2  }
0x44: {  	s11 =	sor.u32 $0x807, s11  }
0x45: {  	[tilespmem:s11+$0xFFFFFFF9 ss:$0x81] =	vst.msk $0xff, v0  }
0x46: {  	v0 =	vld.msk [tilespmem:s20+$0xFFFFFFE8], $0xff  }
0x47: {  	s14 =	sadd.s32 $0x40, s20  }
0x48: {  	v1 =	vld.msk [tilespmem:s14+$0xFFFFFFE0], $0xff;
	_ =	sdelay $0x2  }
0x49: {  	[tilespmem:s11+$0xFFFFFFFA ss:$0x81] =	vst.msk $0xff, v0  }
0x4a: {  	s12 =	sadd.s32 $0x8, s11;
	v0 =	vld.msk [tilespmem:s20+$0xFFFFFFF0], $0xff  }
0x4b: {  	[tilespmem:s12+$0xFFFFFFF9 ss:$0x81] =	vst.msk $0xff, v1  }
0x4c: {  	v1 =	vld.msk [tilespmem:s14+$0xFFFFFFE8], $0xff  }
0x4d: {  	s15 =	sadd.s32 $0x40, s14  }
0x4e: {  	v2 =	vld.msk [tilespmem:s15+$0xFFFFFFE0], $0xff  }
0x4f: {  	[tilespmem:s11+$0xFFFFFFFB ss:$0x81] =	vst.msk $0xff, v0  }
0x50: {  	v0 =	vld.msk [tilespmem:s20+$0xFFFFFFF8], $0xff  }
0x51: {  	[tilespmem:s12+$0xFFFFFFFA ss:$0x81] =	vst.msk $0xff, v1  }
0x52: {  	s13 =	sadd.s32 $0x8, s12;
	v1 =	vld.msk [tilespmem:s14+$0xFFFFFFF0], $0xff  }
0x53: {  	[tilespmem:s13+$0xFFFFFFF9 ss:$0x81] =	vst.msk $0xff, v2  }
0x54: {  	s18 =	sadd.s32 $0x40, s15;
	v2 =	vld.msk [tilespmem:s15+$0xFFFFFFE8], $0xff  }
0x55: {  	[tilespmem:s11+$0xFFFFFFFC ss:$0x81] =	vst.msk $0xff, v0;
	v0 =	vld.msk [tilespmem:s18+$0xFFFFFFE0], $0xff  }
0x56: {  	v3 =	vld.msk [tilespmem:s20+$0x0], $0xff  }
0x57: {  	[tilespmem:s12+$0xFFFFFFFB ss:$0x81] =	vst.msk $0xff, v1  }
0x58: {  	v1 =	vld.msk [tilespmem:s14+$0xFFFFFFF8], $0xff  }
0x59: {  	s16 =	sadd.s32 $0x8, s13;
	[tilespmem:s13+$0xFFFFFFFA ss:$0x81] =	vst.msk $0xff, v2  }
0x5a: {  	v2 =	vld.msk [tilespmem:s15+$0xFFFFFFF0], $0xff;
	[tilespmem:s16+$0xFFFFFFF9 ss:$0x81] =	vst.msk $0xff, v0  }
0x5b: {  	v0 =	vld.msk [tilespmem:s18+$0xFFFFFFE8], $0xff;
	[tilespmem:s11+$0xFFFFFFFD ss:$0x81] =	vst.msk $0xff, v3  }
0x5c: {  	s19 =	sadd.s32 $0x40, s18;
	v3 =	vld.msk [tilespmem:s20+$0x8], $0xff  }
0x5d: {  	[tilespmem:s12+$0xFFFFFFFC ss:$0x81] =	vst.msk $0xff, v1;
	v1 =	vld.msk [tilespmem:s19+$0xFFFFFFE0], $0xff  }
0x5e: {  	v4 =	vld.msk [tilespmem:s14+$0x0], $0xff  }
0x5f: {  	[tilespmem:s13+$0xFFFFFFFB ss:$0x81] =	vst.msk $0xff, v2  }
0x60: {  	v2 =	vld.msk [tilespmem:s15+$0xFFFFFFF8], $0xff;
	[tilespmem:s16+$0xFFFFFFFA ss:$0x81] =	vst.msk $0xff, v0  }
0x61: {  	s17 =	sadd.s32 $0x8, s16;
	v0 =	vld.msk [tilespmem:s18+$0xFFFFFFF0], $0xff;
	[tilespmem:s11+$0xFFFFFFFE ss:$0x81] =	vst.msk $0xff, v3  }
0x62: {  	[tilespmem:s17+$0xFFFFFFF9 ss:$0x81] =	vst.msk $0xff, v1;
	v1 =	vld.msk [tilespmem:s20+$0x10], $0xff  }
0x63: {  	[tilespmem:s12+$0xFFFFFFFD ss:$0x81] =	vst.msk $0xff, v4;
	v3 =	vld.msk [tilespmem:s19+$0xFFFFFFE8], $0xff  }
0x64: {  	s22 =	sadd.s32 $0x40, s19;
	v4 =	vld.msk [tilespmem:s14+$0x8], $0xff  }
0x65: {  	[tilespmem:s13+$0xFFFFFFFC ss:$0x81] =	vst.msk $0xff, v2;
	v2 =	vld.msk [tilespmem:s22+$0xFFFFFFE0], $0xff  }
0x66: {  	v5 =	vld.msk [tilespmem:s15+$0x0], $0xff;
	[tilespmem:s16+$0xFFFFFFFB ss:$0x81] =	vst.msk $0xff, v0  }
0x67: {  	v6 =	vld.msk [tilespmem:s18+$0xFFFFFFF8], $0xff;
	[tilespmem:s11+$0xFFFFFFFF ss:$0x81] =	vst.msk $0xff, v1  }
0x68: {  	s21 =	sand.u32 $0x1, s9;
	[tilespmem:s17+$0xFFFFFFFA ss:$0x81] =	vst.msk $0xff, v3;
	v0 =	vld.msk [tilespmem:s20+$0x18], $0xff  }
0x69: {  	s21 =	smul.u32 $0x1020, s21;
	[tilespmem:s12+$0xFFFFFFFE ss:$0x81] =	vst.msk $0xff, v4;
	v3 =	vld.msk [tilespmem:s19+$0xFFFFFFF0], $0xff;
	s20 =	sadd.s32 $0x8, s17  }
0x6a: {  	v1 =	vld.msk [tilespmem:s14+$0x10], $0xff;
	[tilespmem:s20+$0xFFFFFFF9 ss:$0x81] =	vst.msk $0xff, v2  }
0x6b: {  	s21 =	sshrl.u32 s21, $0x2;
	[tilespmem:s13+$0xFFFFFFFD ss:$0x81] =	vst.msk $0xff, v5;
	v4 =	vld.msk [tilespmem:s22+$0xFFFFFFE8], $0xff  }
0x6c: {  	s23 =	simm.s32 $0x28;
	s21 =	sor.u32 $0x800, s21;
	s24 =	sadd.s32 $0x40, s22;
	v2 =	vld.msk [tilespmem:s15+$0x8], $0xff;
	[tilespmem:s16+$0xFFFFFFFC ss:$0x81] =	vst.msk $0xff, v6  }
.LBB1_3:
0x6d: {  	v5 =	vld.msk [tilespmem:s24+$0xFFFFFFE0], $0xff;
	[tilespmem:s11+$0x0 ss:$0x81] =	vst.msk $0xff, v0;
	s11 =	smov.u32 s12;
	s12 =	smov.u32 s13;
	s13 =	smov.u32 s16  }
0x6e: {  	s23 =	sadd.s32 $0x8, s23;
	s16 =	smov.u32 s17;
	[tilespmem:s17+$0xFFFFFFFB ss:$0x81] =	vst.msk $0xff, v3;
	v6 =	vld.msk [tilespmem:s18+$0x0], $0xff;
	s17 =	smov.u32 s20  }
0x6f: {  	p1 =	slt.u32 s23, $0x78;
	v7 =	vld.msk [tilespmem:s19+$0xFFFFFFF8], $0xff;
	[tilespmem:s11+$0xFFFFFFFF ss:$0x81] =	vst.msk $0xff, v1  }
.Ltmp3:
0x70: {  	[tilespmem:s20+$0xFFFFFFFA ss:$0x81] =	vst.msk $0xff, v4;
	v0 =	vld.msk [tilespmem:s14+$0x18], $0xff;
	s14 =	smov.u32 s15;
	s15 =	smov.u32 s18;
	(pc) =	sbr.rel @p1 .LBB1_3-.Ltmp3, $4  }
0x71: {  	s20 =	sadd.s32 $0x8, s20;
	s18 =	smov.u32 s19;
	s19 =	smov.u32 s22;
	v3 =	vld.msk [tilespmem:s22+$0xFFFFFFF0], $0xff;
	[tilespmem:s12+$0xFFFFFFFE ss:$0x81] =	vst.msk $0xff, v2  }
0x72: {  	s22 =	smov.u32 s24;
	[tilespmem:s20+$0xFFFFFFF9 ss:$0x81] =	vst.msk $0xff, v5;
	v1 =	vld.msk [tilespmem:s14+$0x10], $0xff  }
0x73: {  	v4 =	vld.msk [tilespmem:s24+$0xFFFFFFE8], $0xff;
	[tilespmem:s13+$0xFFFFFFFD ss:$0x81] =	vst.msk $0xff, v6  }
0x74: {  	s24 =	sadd.s32 $0x40, s24;
	[tilespmem:s16+$0xFFFFFFFC ss:$0x81] =	vst.msk $0xff, v7;
	v2 =	vld.msk [tilespmem:s15+$0x8], $0xff  }
.Ltmp4:
0x75: {  	_ = 	snop;
	(pc) =	sbr.rel .LBB1_4-.Ltmp4, $1  }
0x76: {  	_ =	sdelay $0x3  }
.LBB1_6:
0x77: {  	_ =	sfence.sel $0x180000  }
0x78: {  	s2 =	simm.s32 $0x1;
	[bflag:$0x0] =	sbarrier.arrive $0xFFFF  }
0x79: {  	s31 =	simm.s32 $0x2;
	[sflag:s2] =	ssyncpa.u1 $0x1  }
0x7a: {  	[sflag:s31] =	ssyncpa.u1 $0x1  }
0x7b: {  	p0 =	sne.s32 s0, $0x0;
	_ =	strace $0x9000004A  }
0x7c: {  	s0 =	sadd.s32 @!p0 $0x100000, s1;
	[bflag:$0x2] =	sbarrier.arrive $0xFFFF  }
0x7d: {  	[sflag:s0] =	ssyncadd.tile.s32 @!p0 $0x1;
	_ =	shalt  }
.Lfunc_end1:
_tile_overlayer_lowered:
.L_overlay_start_2:
0x7e: {  	(tag) =	ssettag $0x2  }
0x7f: {  	s0 =	rddreg [dreg:$0x0];
	s2 =	stileid.u32  }
0x80: {  	s1 =	rddreg [dreg:$0x1];
	p0 =	sne.s32 s2, $0x0  }
0x81: {  	s3 =	rddreg [dreg:$0x2];
	[bflag:$0x3] =	sbarrier.arrive $0xFFFF;
	s2 =	simm.s32 @!p0 $0x1C01  }
0x82: {  	[timem:s3], [sflag:s2] =	dma.local @!p0 [hbm:s0], s1  }
0x83: {  	s0 =	simm.s32 @!p0 $0x1  }
0x84: {  	_ =	swait.ge @!p0 [sflag:s0], s1  }
0x85: {  	s1 =	ssub.s32 @!p0 $0x0, s1;
	[sflag:s0] =	ssyncset.done @!p0 $0x0  }
0x86: {  	[sflag:s0] =	ssyncadd.s32 @!p0 s1  }
0x87: {  	[bflag:$0x3] =	sbarrier.arrive $0xFFFF  }
0x88: {  	_ =	shalt  }

</sc_bundles>
